<compile_context>
chip_gen: v7x
topology: tpu7x:2x2x1
jax: 0.10.2.dev20260603
libtpu: 0.0.44.dev20260713+nightly
codegen_flags: <defaults>
</compile_context>

<pallas_src>
import functools

import jax
import jax.numpy as jnp
from jax import lax
from jax.experimental import pallas as pl
from jax.experimental.pallas import tpu as pltpu
from jax.experimental.pallas import tpu_sc as plsc

B = 128
BEAM = 4
VOCAB = 100000
NEG = -3.0e38
INTBIG = 2 ** 30

CHUNK = 400
NCH = VOCAB // CHUNK
NSTR = 8
NLG = 8
VUNROLL = 2

LSE_BLK = VOCAB // 20


def _lse_part_kernel(x_ref, m_ref, s_ref):
    x = x_ref[0]
    mx = jnp.max(x, axis=0, keepdims=True)
    s = jnp.sum(jnp.exp(x - mx), axis=0, keepdims=True)
    m_ref[...] = mx[None, None]
    s_ref[...] = s[None, None]


def _merge_kernel(cv_ref, ct_ref, mp_ref, sp_ref, bs_ref,
                  os_ref, ot_ref, ob_ref):
    cv = cv_ref[...]
    ct = ct_ref[...]
    mp = mp_ref[...]
    sp = sp_ref[...]
    bs = bs_ref[...]

    grp = jax.lax.broadcasted_iota(jnp.int32, mp.shape, 1) // 20
    slotbeam = jax.lax.broadcasted_iota(jnp.int32, cv.shape, 1) // 32

    adj = jnp.zeros_like(cv)
    for m in range(BEAM):
        sel = grp == m
        mb = jnp.max(jnp.where(sel, mp, NEG), axis=1, keepdims=True)
        sb = jnp.sum(jnp.where(sel, sp * jnp.exp(mp - mb), 0.0),
                     axis=1, keepdims=True)
        lse = mb + jnp.log(sb)
        adj = adj + jnp.where(slotbeam == m, bs[:, m:m + 1] - lse, 0.0)

    y = cv + adj
    fl = slotbeam * VOCAB + ct
    ss, tt, bb = [], [], []
    for _ in range(4):
        v = jnp.max(y, axis=1, keepdims=True)
        flb = jnp.min(jnp.where(y == v, fl, INTBIG), axis=1, keepdims=True)
        ss.append(v)
        tt.append(flb % VOCAB)
        bb.append(flb // VOCAB)
        y = jnp.where(fl == flb, NEG, y)
    os_ref[...] = jnp.concatenate(ss, axis=1)
    ot_ref[...] = jnp.concatenate(tt, axis=1)
    ob_ref[...] = jnp.concatenate(bb, axis=1)


def _sc_topk_body(x_hbm, vals_hbm, idx_hbm, buf_v, iv_v, stv_v, sti_v, sem):
    wid = lax.axis_index("s") * 2 + lax.axis_index("c")
    m = wid // NSTR
    j = wid - m * NSTR
    nk = (NCH - 1 - j) // NSTR + 1
    lane = lax.broadcasted_iota(jnp.int32, (16,), 0)
    negv = jnp.full((16,), NEG, jnp.float32)

    def chunk_src(k):
        return x_hbm.at[m, pl.ds(k * CHUNK, CHUNK)]

    pltpu.async_copy(chunk_src(j), buf_v.at[0], sem)

    def chunk_body(c, tq):
        k = j + NSTR * c
        sel = lax.rem(c, 2)
        knext = jnp.minimum(k + NSTR, NCH - 1)
        pltpu.async_copy(chunk_src(knext), buf_v.at[1 - sel], sem)
        pltpu.make_async_copy(chunk_src(k), buf_v.at[sel], sem).wait()

        def v_body(v, tq):
            vabs = k * CHUNK + v
            vs = [buf_v[sel, v, pl.ds(lg * 16, 16)] for lg in range(NLG)]
            tms = [vs[lg] > tq[lg * 4 + 3] for lg in range(NLG)]
            t01 = tms[0] | tms[1]
            t23 = tms[2] | tms[3]
            t45 = tms[4] | tms[5]
            t67 = tms[6] | tms[7]
            tor = (t01 | t23) | (t45 | t67)
            cnt = plsc.all_reduce_population_count(tor)[0]

            def slow(tq):
                out = list(tq)
                for lg in range(NLG):
                    clg = vs[lg] > tq[lg * 4 + 3]
                    cl = plsc.all_reduce_population_count(clg)[0]

                    def ins(q4, lg=lg):
                        q = list(q4)
                        t = vs[lg]
                        ti = lane * 0 + vabs
                        for r in range(4):
                            iv = iv_v[lg, r]
                            cc = t > q[r]
                            nv = jnp.where(cc, t, q[r])
                            ni = jnp.where(cc, ti, iv)
                            t = jnp.where(cc, q[r], t)
                            ti = jnp.where(cc, iv, ti)
                            q[r] = nv
                            iv_v[lg, r] = ni
                        return tuple(q)

                    q4 = lax.cond(cl > 0, ins, lambda q4: q4,
                                  tuple(out[lg * 4:lg * 4 + 4]))
                    out[lg * 4:lg * 4 + 4] = list(q4)
                return tuple(out)

            return lax.cond(cnt > 0, slow, lambda tq: tq, tq)

        return lax.fori_loop(0, CHUNK, v_body, tq)

    tq0 = (negv,) * (NLG * 4)
    tq = lax.fori_loop(0, nk, chunk_body, tq0)
    pltpu.make_async_copy(chunk_src(0), buf_v.at[0], sem).wait()

    for r in range(4):
        for lg in range(NLG):
            stv_v[r, pl.ds(lg * 16, 16)] = tq[lg * 4 + r]
            sti_v[r, pl.ds(lg * 16, 16)] = iv_v[lg, r]
    pltpu.sync_copy(stv_v, vals_hbm.at[wid])
    pltpu.sync_copy(sti_v, idx_hbm.at[wid])


@jax.jit
def kernel(logits, beam_scores):
    b, beam, vocab = logits.shape
    xT = jnp.transpose(logits, (1, 2, 0))

    sc_topk = functools.partial(
        pl.kernel,
        mesh=plsc.VectorSubcoreMesh(core_axis_name="c", subcore_axis_name="s"),
        compiler_params=pltpu.CompilerParams(
            needs_layout_passes=False, use_tc_tiling_on_sc=True),
        out_type=[
            jax.ShapeDtypeStruct((32, 4, b), jnp.float32),
            jax.ShapeDtypeStruct((32, 4, b), jnp.int32),
        ],
        scratch_types=[
            pltpu.VMEM((2, CHUNK, b), jnp.float32),
            pltpu.VMEM((NLG, 4, 16), jnp.int32),
            pltpu.VMEM((4, b), jnp.float32),
            pltpu.VMEM((4, b), jnp.int32),
            pltpu.SemaphoreType.DMA,
        ],
    )(_sc_topk_body)
    cvals, cidx = sc_topk(xT)

    mpart, spart = pl.pallas_call(
        _lse_part_kernel,
        grid=(beam, vocab // LSE_BLK),
        in_specs=[pl.BlockSpec((1, LSE_BLK, b), lambda i, j: (i, j, 0))],
        out_specs=[
            pl.BlockSpec((1, 1, 1, b), lambda i, j: (i, j, 0, 0)),
            pl.BlockSpec((1, 1, 1, b), lambda i, j: (i, j, 0, 0)),
        ],
        out_shape=[
            jax.ShapeDtypeStruct((beam, vocab // LSE_BLK, 1, b), jnp.float32),
            jax.ShapeDtypeStruct((beam, vocab // LSE_BLK, 1, b), jnp.float32),
        ],
    )(xT)

    cv = cvals.transpose(2, 0, 1).reshape(b, 128)
    ct = cidx.transpose(2, 0, 1).reshape(b, 128)
    mp = mpart.reshape(beam, vocab // LSE_BLK, b).transpose(2, 0, 1).reshape(
        b, beam * (vocab // LSE_BLK))
    sp = spart.reshape(beam, vocab // LSE_BLK, b).transpose(2, 0, 1).reshape(
        b, beam * (vocab // LSE_BLK))

    os_, ot, ob = pl.pallas_call(
        _merge_kernel,
        out_shape=[
            jax.ShapeDtypeStruct((b, 4), jnp.float32),
            jax.ShapeDtypeStruct((b, 4), jnp.int32),
            jax.ShapeDtypeStruct((b, 4), jnp.int32),
        ],
    )(cv, ct, mp, sp, beam_scores)

    return os_, ot, ob

# --- scband reference (transcript-rebuilt; emitter-appended) ---
"""Pipeline reference for scband-beam-sampler-33285996544006 (READ-ONLY COPY).

The authoritative reference and input builder live on the scoring server;
editing this copy changes nothing except your own understanding.
"""

import jax, jax.numpy as jnp
import numpy as np

B = 128
BEAM = 4
VOCAB = 100000


def setup_inputs(seed: int = 0) -> dict:
    key = jax.random.key(seed)
    k1, k2 = jax.random.split(key)
    logits = jax.random.normal(k1, (B, BEAM, VOCAB), dtype=jnp.float32)
    beam_scores = jax.random.normal(k2, (B, BEAM), dtype=jnp.float32)
    return {"logits": logits, "beam_scores": beam_scores}


def reference(logits, beam_scores):
    # One beam-search expansion step:
    # 1) normalize next-token logits to log-probs per (batch, beam)
    # 2) add cumulative beam scores
    # 3) flatten beams x vocab and take global top-k (k = beam width)
    b, beam, vocab = logits.shape
    logprobs = jax.nn.log_softmax(logits, axis=-1)
    scores = logprobs + beam_scores[:, :, None]
    flat = scores.reshape(b, beam * vocab)
    topk_scores, topk_idx = jax.lax.top_k(flat, beam)
    beam_idx = topk_idx // vocab
    token_idx = topk_idx % vocab
    return topk_scores, token_idx.astype(jnp.int32), beam_idx.astype(jnp.int32)

if __name__ == "__main__":
    import jax
    _d = setup_inputs()
    print(jax.jit(kernel)(*tuple(_d.values())))

</pallas_src>

<mosaic_0001>
#map = affine_map<(d0, d1) -> (0, 0, 0)>
module attributes {stable_mosaic.version = 14 : i64} {
  func.func @_sc_topk_body(%arg0: i32, %arg1: i32, %arg2: memref<4x100000x128xf32, #tpu.memory_space<hbm>>, %arg3: memref<32x4x128xf32, #tpu.memory_space<hbm>>, %arg4: memref<32x4x128xi32, #tpu.memory_space<hbm>>, %arg5: memref<2x400x128xf32, #tpu.memory_space<vmem>>, %arg6: memref<8x4x16xi32, #tpu.memory_space<vmem>>, %arg7: memref<4x128xf32, #tpu.memory_space<vmem>>, %arg8: memref<4x128xi32, #tpu.memory_space<vmem>>, %arg9: memref<!tpu.dma_semaphore, #tpu.memory_space<semaphore_mem>>) attributes {dimension_semantics = [#tpu.dimension_semantics<core_parallel>, #tpu.dimension_semantics<subcore_parallel>], iteration_bounds = array<i64: 2, 16>, scalar_prefetch = 0 : i64, scratch_operands = 5 : i64, tpu.core_type = #tpu.core_type<sc_vector_subcore>, window_params = [{transform_indices = #map}, {transform_indices = #map}, {transform_indices = #map}]} {
    %mul3A = arith.constant 2 : i32
    %mul3A_0 = arith.muli %arg1, %mul3A : i32
    %add3A = arith.addi %mul3A_0, %arg0 : i32
    %jit3A = arith.constant 8 : i32
    %div3A = arith.divsi %add3A, %jit3A : i32
    %sign3A = arith.constant 0 : i32
    %sign3A_1 = arith.cmpi sgt, %add3A, %sign3A : i32
    %sign3A_2 = arith.extui %sign3A_1 : i1 to i32
    %sign3A_3 = arith.constant 0 : i32
    %sign3A_4 = arith.cmpi slt, %add3A, %sign3A_3 : i32
    %sign3A_5 = arith.extui %sign3A_4 : i1 to i32
    %sign3A_6 = arith.subi %sign3A_2, %sign3A_5 : i32
    %sign3A_7 = arith.constant 0 : i32
    %sign3A_8 = arith.cmpi sgt, %jit3A, %sign3A_7 : i32
    %sign3A_9 = arith.extui %sign3A_8 : i1 to i32
    %sign3A_10 = arith.constant 0 : i32
    %sign3A_11 = arith.cmpi slt, %jit3A, %sign3A_10 : i32
    %sign3A_12 = arith.extui %sign3A_11 : i1 to i32
    %sign3A_13 = arith.subi %sign3A_9, %sign3A_12 : i32
    %ne3A = arith.cmpi ne, %sign3A_6, %sign3A_13 : i32
    %rem3A = arith.remsi %add3A, %jit3A : i32
    %ne3A_14 = arith.constant 0 : i32
    %ne3A_15 = arith.cmpi ne, %rem3A, %ne3A_14 : i32
    %and3A = arith.andi %ne3A, %ne3A_15 : i1
    %sub3A = arith.constant 1 : i32
    %sub3A_16 = arith.subi %div3A, %sub3A : i32
    %select_n3A = arith.select %and3A, %sub3A_16, %div3A : i32
    %mul3A_17 = arith.constant 8 : i32
    %mul3A_18 = arith.muli %select_n3A, %mul3A_17 : i32
    %sub3A_19 = arith.subi %add3A, %mul3A_18 : i32
    %sub3A_20 = arith.constant 249 : i32
    %sub3A_21 = arith.subi %sub3A_20, %sub3A_19 : i32
    %jit3A_22 = arith.constant 8 : i32
    %div3A_23 = arith.divsi %sub3A_21, %jit3A_22 : i32
    %sign3A_24 = arith.constant 0 : i32
    %sign3A_25 = arith.cmpi sgt, %sub3A_21, %sign3A_24 : i32
    %sign3A_26 = arith.extui %sign3A_25 : i1 to i32
    %sign3A_27 = arith.constant 0 : i32
    %sign3A_28 = arith.cmpi slt, %sub3A_21, %sign3A_27 : i32
    %sign3A_29 = arith.extui %sign3A_28 : i1 to i32
    %sign3A_30 = arith.subi %sign3A_26, %sign3A_29 : i32
    %sign3A_31 = arith.constant 0 : i32
    %sign3A_32 = arith.cmpi sgt, %jit3A_22, %sign3A_31 : i32
    %sign3A_33 = arith.extui %sign3A_32 : i1 to i32
    %sign3A_34 = arith.constant 0 : i32
    %sign3A_35 = arith.cmpi slt, %jit3A_22, %sign3A_34 : i32
    %sign3A_36 = arith.extui %sign3A_35 : i1 to i32
    %sign3A_37 = arith.subi %sign3A_33, %sign3A_36 : i32
    %ne3A_38 = arith.cmpi ne, %sign3A_30, %sign3A_37 : i32
    %rem3A_39 = arith.remsi %sub3A_21, %jit3A_22 : i32
    %ne3A_40 = arith.constant 0 : i32
    %ne3A_41 = arith.cmpi ne, %rem3A_39, %ne3A_40 : i32
    %and3A_42 = arith.andi %ne3A_38, %ne3A_41 : i1
    %sub3A_43 = arith.constant 1 : i32
    %sub3A_44 = arith.subi %div3A_23, %sub3A_43 : i32
    %select_n3A_45 = arith.select %and3A_42, %sub3A_44, %div3A_23 : i32
    %add3A_46 = arith.constant 1 : i32
    %add3A_47 = arith.addi %select_n3A_45, %add3A_46 : i32
    %iota3A = tpu.iota {dimensions = array<i32: 0>} : vector<16xi32>
    %broadcast_in_dim3A = arith.constant -3.000000e+38 : f32
    %broadcast_in_dim3A_48 = vector.broadcast %broadcast_in_dim3A : f32 to vector<16xf32>
    %mul3A_49 = arith.constant 400 : i32
    %mul3A_50 = arith.muli %sub3A_19, %mul3A_49 : i32
    %dma_start3A = arith.constant 0 : i32
    %dma_start3A_51 = arith.constant 0 : i32
    %dma_start3A_52 = arith.constant 0 : i32
    %dma_start3A_53 = tpu.memref_slice %arg5[%dma_start3A, %dma_start3A_51, %dma_start3A_52] : memref<2x400x128xf32, #tpu.memory_space<vmem>> -> memref<1x400x128xf32, #tpu.memory_space<vmem>>
    %dma_start3A_54 = tpu.memref_squeeze %dma_start3A_53 : memref<1x400x128xf32, #tpu.memory_space<vmem>> -> memref<400x128xf32, #tpu.memory_space<vmem>>
    %dma_start3A_55 = arith.constant 0 : i32
    %dma_start3A_56 = tpu.memref_slice %arg2[%select_n3A, %mul3A_50, %dma_start3A_55] : memref<4x100000x128xf32, #tpu.memory_space<hbm>> -> memref<1x400x128xf32, #tpu.memory_space<hbm>>
    %dma_start3A_57 = tpu.memref_squeeze %dma_start3A_56 : memref<1x400x128xf32, #tpu.memory_space<hbm>> -> memref<400x128xf32, #tpu.memory_space<hbm>>
    %dma_start3A_58 = arith.constant 0 : i32
    %dma_start3A_59 = arith.constant 0 : i32
    %dma_start3A_60 = tpu.memref_slice %arg5[%dma_start3A, %dma_start3A_58, %dma_start3A_59] : memref<2x400x128xf32, #tpu.memory_space<vmem>> -> memref<1x400x128xf32, #tpu.memory_space<vmem>>
    %dma_start3A_61 = tpu.memref_squeeze %dma_start3A_60 : memref<1x400x128xf32, #tpu.memory_space<vmem>> -> memref<400x128xf32, #tpu.memory_space<vmem>>
    %dma_start3A_62 = arith.constant 0 : i32
    %dma_start3A_63 = tpu.memref_slice %arg2[%select_n3A, %mul3A_50, %dma_start3A_62] : memref<4x100000x128xf32, #tpu.memory_space<hbm>> -> memref<1x400x128xf32, #tpu.memory_space<hbm>>
    %dma_start3A_64 = tpu.memref_squeeze %dma_start3A_63 : memref<1x400x128xf32, #tpu.memory_space<hbm>> -> memref<400x128xf32, #tpu.memory_space<hbm>>
    tpu.enqueue_dma source(%dma_start3A_64 : memref<400x128xf32, #tpu.memory_space<hbm>>) target(%dma_start3A_61 : memref<400x128xf32, #tpu.memory_space<vmem>>) target_semaphore(%arg9 : memref<!tpu.dma_semaphore, #tpu.memory_space<semaphore_mem>>)
    %while3A = arith.constant 0 : i32
    %while3A_65 = arith.subi %add3A_47, %while3A : i32
    %while3A_66 = arith.addi %while3A, %while3A_65 : i32
    %while3A_67 = arith.constant 1 : i32
    %while3A_68 = arith.divsi %while3A_65, %while3A_67 : i32
    %while3A_69 = arith.muli %while3A_68, %while3A_67 : i32
    %while3A_70 = arith.addi %while3A, %while3A_69 : i32
    %while3A_71 = arith.constant 1 : i32
    %while3A_72:32 = scf.for %while3A_537 = %while3A to %while3A_70 step %while3A_71 iter_args(%while3A_538 = %broadcast_in_dim3A_48, %while3A_539 = %broadcast_in_dim3A_48, %while3A_540 = %broadcast_in_dim3A_48, %while3A_541 = %broadcast_in_dim3A_48, %while3A_542 = %broadcast_in_dim3A_48, %while3A_543 = %broadcast_in_dim3A_48, %while3A_544 = %broadcast_in_dim3A_48, %while3A_545 = %broadcast_in_dim3A_48, %while3A_546 = %broadcast_in_dim3A_48, %while3A_547 = %broadcast_in_dim3A_48, %while3A_548 = %broadcast_in_dim3A_48, %while3A_549 = %broadcast_in_dim3A_48, %while3A_550 = %broadcast_in_dim3A_48, %while3A_551 = %broadcast_in_dim3A_48, %while3A_552 = %broadcast_in_dim3A_48, %while3A_553 = %broadcast_in_dim3A_48, %while3A_554 = %broadcast_in_dim3A_48, %while3A_555 = %broadcast_in_dim3A_48, %while3A_556 = %broadcast_in_dim3A_48, %while3A_557 = %broadcast_in_dim3A_48, %while3A_558 = %broadcast_in_dim3A_48, %while3A_559 = %broadcast_in_dim3A_48, %while3A_560 = %broadcast_in_dim3A_48, %while3A_561 = %broadcast_in_dim3A_48, %while3A_562 = %broadcast_in_dim3A_48, %while3A_563 = %broadcast_in_dim3A_48, %while3A_564 = %broadcast_in_dim3A_48, %while3A_565 = %broadcast_in_dim3A_48, %while3A_566 = %broadcast_in_dim3A_48, %while3A_567 = %broadcast_in_dim3A_48, %while3A_568 = %broadcast_in_dim3A_48, %while3A_569 = %broadcast_in_dim3A_48) -> (vector<16xf32>, vector<16xf32>, vector<16xf32>, vector<16xf32>, vector<16xf32>, vector<16xf32>, vector<16xf32>, vector<16xf32>, vector<16xf32>, vector<16xf32>, vector<16xf32>, vector<16xf32>, vector<16xf32>, vector<16xf32>, vector<16xf32>, vector<16xf32>, vector<16xf32>, vector<16xf32>, vector<16xf32>, vector<16xf32>, vector<16xf32>, vector<16xf32>, vector<16xf32>, vector<16xf32>, vector<16xf32>, vector<16xf32>, vector<16xf32>, vector<16xf32>, vector<16xf32>, vector<16xf32>, vector<16xf32>, vector<16xf32>)  : i32 {
      %mul3A_570 = arith.constant 8 : i32
      %mul3A_571 = arith.muli %mul3A_570, %while3A_537 : i32
      %add3A_572 = arith.addi %sub3A_19, %mul3A_571 : i32
      %rem3A_573 = arith.constant 2 : i32
      %rem3A_574 = arith.remsi %while3A_537, %rem3A_573 : i32
      %add3A_575 = arith.constant 8 : i32
      %add3A_576 = arith.addi %add3A_572, %add3A_575 : i32
      %min3A = arith.constant 249 : i32
      %min3A_577 = arith.minsi %add3A_576, %min3A : i32
      %mul3A_578 = arith.constant 400 : i32
      %mul3A_579 = arith.muli %min3A_577, %mul3A_578 : i32
      %sub3A_580 = arith.constant 1 : i32
      %sub3A_581 = arith.subi %sub3A_580, %rem3A_574 : i32
      %dma_start3A_582 = arith.constant 0 : i32
      %dma_start3A_583 = arith.constant 0 : i32
      %dma_start3A_584 = tpu.memref_slice %arg5[%sub3A_581, %dma_start3A_582, %dma_start3A_583] : memref<2x400x128xf32, #tpu.memory_space<vmem>> -> memref<1x400x128xf32, #tpu.memory_space<vmem>>
      %dma_start3A_585 = tpu.memref_squeeze %dma_start3A_584 : memref<1x400x128xf32, #tpu.memory_space<vmem>> -> memref<400x128xf32, #tpu.memory_space<vmem>>
      %dma_start3A_586 = arith.constant 0 : i32
      %dma_start3A_587 = tpu.memref_slice %arg2[%select_n3A, %mul3A_579, %dma_start3A_586] : memref<4x100000x128xf32, #tpu.memory_space<hbm>> -> memref<1x400x128xf32, #tpu.memory_space<hbm>>
      %dma_start3A_588 = tpu.memref_squeeze %dma_start3A_587 : memref<1x400x128xf32, #tpu.memory_space<hbm>> -> memref<400x128xf32, #tpu.memory_space<hbm>>
      %dma_start3A_589 = arith.constant 0 : i32
      %dma_start3A_590 = arith.constant 0 : i32
      %dma_start3A_591 = tpu.memref_slice %arg5[%sub3A_581, %dma_start3A_589, %dma_start3A_590] : memref<2x400x128xf32, #tpu.memory_space<vmem>> -> memref<1x400x128xf32, #tpu.memory_space<vmem>>
      %dma_start3A_592 = tpu.memref_squeeze %dma_start3A_591 : memref<1x400x128xf32, #tpu.memory_space<vmem>> -> memref<400x128xf32, #tpu.memory_space<vmem>>
      %dma_start3A_593 = arith.constant 0 : i32
      %dma_start3A_594 = tpu.memref_slice %arg2[%select_n3A, %mul3A_579, %dma_start3A_593] : memref<4x100000x128xf32, #tpu.memory_space<hbm>> -> memref<1x400x128xf32, #tpu.memory_space<hbm>>
      %dma_start3A_595 = tpu.memref_squeeze %dma_start3A_594 : memref<1x400x128xf32, #tpu.memory_space<hbm>> -> memref<400x128xf32, #tpu.memory_space<hbm>>
      tpu.enqueue_dma source(%dma_start3A_595 : memref<400x128xf32, #tpu.memory_space<hbm>>) target(%dma_start3A_592 : memref<400x128xf32, #tpu.memory_space<vmem>>) target_semaphore(%arg9 : memref<!tpu.dma_semaphore, #tpu.memory_space<semaphore_mem>>)
      %mul3A_596 = arith.constant 400 : i32
      %mul3A_597 = arith.muli %add3A_572, %mul3A_596 : i32
      %dma_wait3A_598 = arith.constant 0 : i32
      %dma_wait3A_599 = arith.constant 0 : i32
      %dma_wait3A_600 = tpu.memref_slice %arg5[%rem3A_574, %dma_wait3A_598, %dma_wait3A_599] : memref<2x400x128xf32, #tpu.memory_space<vmem>> -> memref<1x400x128xf32, #tpu.memory_space<vmem>>
      %dma_wait3A_601 = tpu.memref_squeeze %dma_wait3A_600 : memref<1x400x128xf32, #tpu.memory_space<vmem>> -> memref<400x128xf32, #tpu.memory_space<vmem>>
      %dma_wait3A_602 = arith.constant 0 : i32
      %dma_wait3A_603 = tpu.memref_slice %arg2[%select_n3A, %mul3A_597, %dma_wait3A_602] : memref<4x100000x128xf32, #tpu.memory_space<hbm>> -> memref<1x400x128xf32, #tpu.memory_space<hbm>>
      %dma_wait3A_604 = tpu.memref_squeeze %dma_wait3A_603 : memref<1x400x128xf32, #tpu.memory_space<hbm>> -> memref<400x128xf32, #tpu.memory_space<hbm>>
      %dma_wait3A_605 = arith.constant 0 : i32
      %dma_wait3A_606 = arith.constant 0 : i32
      %dma_wait3A_607 = tpu.memref_slice %arg5[%rem3A_574, %dma_wait3A_605, %dma_wait3A_606] : memref<2x400x128xf32, #tpu.memory_space<vmem>> -> memref<1x400x128xf32, #tpu.memory_space<vmem>>
      %dma_wait3A_608 = tpu.memref_squeeze %dma_wait3A_607 : memref<1x400x128xf32, #tpu.memory_space<vmem>> -> memref<400x128xf32, #tpu.memory_space<vmem>>
      %dma_wait3A_609 = arith.constant 0 : i32
      %dma_wait3A_610 = tpu.memref_slice %arg2[%select_n3A, %mul3A_597, %dma_wait3A_609] : memref<4x100000x128xf32, #tpu.memory_space<hbm>> -> memref<1x400x128xf32, #tpu.memory_space<hbm>>
      %dma_wait3A_611 = tpu.memref_squeeze %dma_wait3A_610 : memref<1x400x128xf32, #tpu.memory_space<hbm>> -> memref<400x128xf32, #tpu.memory_space<hbm>>
      tpu.wait_dma2 semaphore(%arg9 : memref<!tpu.dma_semaphore, #tpu.memory_space<semaphore_mem>>) src(%dma_wait3A_611 : memref<400x128xf32, #tpu.memory_space<hbm>>) dst(%dma_wait3A_608 : memref<400x128xf32, #tpu.memory_space<vmem>>)
      %scan3A = arith.constant 0 : i32
      %scan3A_612 = arith.constant 400 : i32
      %scan3A_613 = arith.addi %scan3A, %scan3A_612 : i32
      %scan3A_614 = arith.constant 1 : i32
      %scan3A_615:32 = scf.for %scan3A_617 = %scan3A to %scan3A_613 step %scan3A_614 iter_args(%scan3A_618 = %while3A_538, %scan3A_619 = %while3A_539, %scan3A_620 = %while3A_540, %scan3A_621 = %while3A_541, %scan3A_622 = %while3A_542, %scan3A_623 = %while3A_543, %scan3A_624 = %while3A_544, %scan3A_625 = %while3A_545, %scan3A_626 = %while3A_546, %scan3A_627 = %while3A_547, %scan3A_628 = %while3A_548, %scan3A_629 = %while3A_549, %scan3A_630 = %while3A_550, %scan3A_631 = %while3A_551, %scan3A_632 = %while3A_552, %scan3A_633 = %while3A_553, %scan3A_634 = %while3A_554, %scan3A_635 = %while3A_555, %scan3A_636 = %while3A_556, %scan3A_637 = %while3A_557, %scan3A_638 = %while3A_558, %scan3A_639 = %while3A_559, %scan3A_640 = %while3A_560, %scan3A_641 = %while3A_561, %scan3A_642 = %while3A_562, %scan3A_643 = %while3A_563, %scan3A_644 = %while3A_564, %scan3A_645 = %while3A_565, %scan3A_646 = %while3A_566, %scan3A_647 = %while3A_567, %scan3A_648 = %while3A_568, %scan3A_649 = %while3A_569) -> (vector<16xf32>, vector<16xf32>, vector<16xf32>, vector<16xf32>, vector<16xf32>, vector<16xf32>, vector<16xf32>, vector<16xf32>, vector<16xf32>, vector<16xf32>, vector<16xf32>, vector<16xf32>, vector<16xf32>, vector<16xf32>, vector<16xf32>, vector<16xf32>, vector<16xf32>, vector<16xf32>, vector<16xf32>, vector<16xf32>, vector<16xf32>, vector<16xf32>, vector<16xf32>, vector<16xf32>, vector<16xf32>, vector<16xf32>, vector<16xf32>, vector<16xf32>, vector<16xf32>, vector<16xf32>, vector<16xf32>, vector<16xf32>)  : i32 {
        %mul3A_650 = arith.constant 400 : i32
        %mul3A_651 = arith.muli %add3A_572, %mul3A_650 : i32
        %add3A_652 = arith.addi %mul3A_651, %scan3A_617 : i32
        %get3A_653 = arith.index_cast %rem3A_574 : i32 to index
        %get3A_654 = arith.index_cast %scan3A_617 : i32 to index
        %get3A_655 = arith.constant 0 : index
        %get3A_656 = tpu.vector_load %arg5[%get3A_653, %get3A_654, %get3A_655] {strides = array<i32>} : memref<2x400x128xf32, #tpu.memory_space<vmem>>, vector<16xf32>,
        %get3A_657 = arith.index_cast %rem3A_574 : i32 to index
        %get3A_658 = arith.index_cast %scan3A_617 : i32 to index
        %get3A_659 = arith.constant 16 : index
        %get3A_660 = tpu.vector_load %arg5[%get3A_657, %get3A_658, %get3A_659] {strides = array<i32>} : memref<2x400x128xf32, #tpu.memory_space<vmem>>, vector<16xf32>,
        %get3A_661 = arith.index_cast %rem3A_574 : i32 to index
        %get3A_662 = arith.index_cast %scan3A_617 : i32 to index
        %get3A_663 = arith.constant 32 : index
        %get3A_664 = tpu.vector_load %arg5[%get3A_661, %get3A_662, %get3A_663] {strides = array<i32>} : memref<2x400x128xf32, #tpu.memory_space<vmem>>, vector<16xf32>,
        %get3A_665 = arith.index_cast %rem3A_574 : i32 to index
        %get3A_666 = arith.index_cast %scan3A_617 : i32 to index
        %get3A_667 = arith.constant 48 : index
        %get3A_668 = tpu.vector_load %arg5[%get3A_665, %get3A_666, %get3A_667] {strides = array<i32>} : memref<2x400x128xf32, #tpu.memory_space<vmem>>, vector<16xf32>,
        %get3A_669 = arith.index_cast %rem3A_574 : i32 to index
        %get3A_670 = arith.index_cast %scan3A_617 : i32 to index
        %get3A_671 = arith.constant 64 : index
        %get3A_672 = tpu.vector_load %arg5[%get3A_669, %get3A_670, %get3A_671] {strides = array<i32>} : memref<2x400x128xf32, #tpu.memory_space<vmem>>, vector<16xf32>,
        %get3A_673 = arith.index_cast %rem3A_574 : i32 to index
        %get3A_674 = arith.index_cast %scan3A_617 : i32 to index
        %get3A_675 = arith.constant 80 : index
        %get3A_676 = tpu.vector_load %arg5[%get3A_673, %get3A_674, %get3A_675] {strides = array<i32>} : memref<2x400x128xf32, #tpu.memory_space<vmem>>, vector<16xf32>,
        %get3A_677 = arith.index_cast %rem3A_574 : i32 to index
        %get3A_678 = arith.index_cast %scan3A_617 : i32 to index
        %get3A_679 = arith.constant 96 : index
        %get3A_680 = tpu.vector_load %arg5[%get3A_677, %get3A_678, %get3A_679] {strides = array<i32>} : memref<2x400x128xf32, #tpu.memory_space<vmem>>, vector<16xf32>,
        %get3A_681 = arith.index_cast %rem3A_574 : i32 to index
        %get3A_682 = arith.index_cast %scan3A_617 : i32 to index
        %get3A_683 = arith.constant 112 : index
        %get3A_684 = tpu.vector_load %arg5[%get3A_681, %get3A_682, %get3A_683] {strides = array<i32>} : memref<2x400x128xf32, #tpu.memory_space<vmem>>, vector<16xf32>,
        %gt3A = arith.cmpf ogt, %get3A_656, %scan3A_621 : vector<16xf32>
        %gt3A_685 = arith.cmpf ogt, %get3A_660, %scan3A_625 : vector<16xf32>
        %gt3A_686 = arith.cmpf ogt, %get3A_664, %scan3A_629 : vector<16xf32>
        %gt3A_687 = arith.cmpf ogt, %get3A_668, %scan3A_633 : vector<16xf32>
        %gt3A_688 = arith.cmpf ogt, %get3A_672, %scan3A_637 : vector<16xf32>
        %gt3A_689 = arith.cmpf ogt, %get3A_676, %scan3A_641 : vector<16xf32>
        %gt3A_690 = arith.cmpf ogt, %get3A_680, %scan3A_645 : vector<16xf32>
        %gt3A_691 = arith.cmpf ogt, %get3A_684, %scan3A_649 : vector<16xf32>
        %or3A = arith.ori %gt3A, %gt3A_685 : vector<16xi1>
        %or3A_692 = arith.ori %gt3A_686, %gt3A_687 : vector<16xi1>
        %or3A_693 = arith.ori %gt3A_688, %gt3A_689 : vector<16xi1>
        %or3A_694 = arith.ori %gt3A_690, %gt3A_691 : vector<16xi1>
        %or3A_695 = arith.ori %or3A, %or3A_692 : vector<16xi1>
        %or3A_696 = arith.ori %or3A_693, %or3A_694 : vector<16xi1>
        %or3A_697 = arith.ori %or3A_695, %or3A_696 : vector<16xi1>
        %all_reduce_population_count3A = tpu.all_reduce %or3A_697 {dim = 0 : i64, kind = #tpu.reduction_kind<sum>} : vector<16xi1> -> vector<16xi32>
        %slice3A = vector.extract_strided_slice %all_reduce_population_count3A {offsets = [0], sizes = [1], strides = [1]} : vector<16xi32> to vector<1xi32>
        %squeeze3A = vector.extract %slice3A[0] : i32 from vector<1xi32>
        %gt3A_698 = arith.constant 0 : i32
        %gt3A_699 = arith.cmpi sgt, %squeeze3A, %gt3A_698 : i32
        %convert_element_type3A = arith.extui %gt3A_699 : i1 to i32
        %cond3A = arith.constant 0 : i32
        %cond3A_700 = arith.cmpi ne, %convert_element_type3A, %cond3A : i32
        %cond3A_701:32 = scf.if %cond3A_700 -> (vector<16xf32>, vector<16xf32>, vector<16xf32>, vector<16xf32>, vector<16xf32>, vector<16xf32>, vector<16xf32>, vector<16xf32>, vector<16xf32>, vector<16xf32>, vector<16xf32>, vector<16xf32>, vector<16xf32>, vector<16xf32>, vector<16xf32>, vector<16xf32>, vector<16xf32>, vector<16xf32>, vector<16xf32>, vector<16xf32>, vector<16xf32>, vector<16xf32>, vector<16xf32>, vector<16xf32>, vector<16xf32>, vector<16xf32>, vector<16xf32>, vector<16xf32>, vector<16xf32>, vector<16xf32>, vector<16xf32>, vector<16xf32>) {
          %gt3A_702 = arith.cmpf ogt, %get3A_656, %scan3A_621 : vector<16xf32>
          %all_reduce_population_count3A_703 = tpu.all_reduce %gt3A_702 {dim = 0 : i64, kind = #tpu.reduction_kind<sum>} : vector<16xi1> -> vector<16xi32>
          %slice3A_704 = vector.extract_strided_slice %all_reduce_population_count3A_703 {offsets = [0], sizes = [1], strides = [1]} : vector<16xi32> to vector<1xi32>
          %squeeze3A_705 = vector.extract %slice3A_704[0] : i32 from vector<1xi32>
          %gt3A_706 = arith.constant 0 : i32
          %gt3A_707 = arith.cmpi sgt, %squeeze3A_705, %gt3A_706 : i32
          %convert_element_type3A_708 = arith.extui %gt3A_707 : i1 to i32
          %cond3A_709 = arith.constant 0 : i32
          %cond3A_710 = arith.cmpi ne, %convert_element_type3A_708, %cond3A_709 : i32
          %cond3A_711:4 = scf.if %cond3A_710 -> (vector<16xf32>, vector<16xf32>, vector<16xf32>, vector<16xf32>) {
            %mul3A_782 = arith.constant 0 : i32
            %mul3A_783 = vector.broadcast %mul3A_782 : i32 to vector<16xi32>
            %mul3A_784 = arith.muli %iota3A, %mul3A_783 : vector<16xi32>
            %add3A_785 = vector.broadcast %add3A_652 : i32 to vector<16xi32>
            %add3A_786 = arith.addi %mul3A_784, %add3A_785 : vector<16xi32>
            %get3A_787 = arith.constant 0 : i32
            %get3A_788 = arith.constant 0 : i32
            %get3A_789 = arith.index_cast %get3A_787 : i32 to index
            %get3A_790 = arith.index_cast %get3A_788 : i32 to index
            %get3A_791 = arith.constant 0 : index
            %get3A_792 = tpu.vector_load %arg6[%get3A_789, %get3A_790, %get3A_791] {strides = array<i32>} : memref<8x4x16xi32, #tpu.memory_space<vmem>>, vector<16xi32>,
            %gt3A_793 = arith.cmpf ogt, %get3A_656, %scan3A_618 : vector<16xf32>
            %select_n3A_794 = arith.select %gt3A_793, %get3A_656, %scan3A_618 : vector<16xi1>, vector<16xf32>
            %select_n3A_795 = arith.select %gt3A_793, %add3A_786, %get3A_792 : vector<16xi1>, vector<16xi32>
            %select_n3A_796 = arith.select %gt3A_793, %scan3A_618, %get3A_656 : vector<16xi1>, vector<16xf32>
            %select_n3A_797 = arith.select %gt3A_793, %get3A_792, %add3A_786 : vector<16xi1>, vector<16xi32>
            %swap3A_798 = arith.constant 0 : i32
            %swap3A_799 = arith.constant 0 : i32
            %swap3A_800 = arith.index_cast %swap3A_798 : i32 to index
            %swap3A_801 = arith.index_cast %swap3A_799 : i32 to index
            %swap3A_802 = arith.constant 0 : index
            %swap3A_803 = tpu.vector_load %arg6[%swap3A_800, %swap3A_801, %swap3A_802] {strides = array<i32>} : memref<8x4x16xi32, #tpu.memory_space<vmem>>, vector<16xi32>,
            tpu.vector_store %arg6[%swap3A_800, %swap3A_801, %swap3A_802], %select_n3A_795 {strides = array<i32>} : memref<8x4x16xi32, #tpu.memory_space<vmem>>, vector<16xi32>,
            %get3A_804 = arith.constant 0 : i32
            %get3A_805 = arith.constant 1 : i32
            %get3A_806 = arith.index_cast %get3A_804 : i32 to index
            %get3A_807 = arith.index_cast %get3A_805 : i32 to index
            %get3A_808 = arith.constant 0 : index
            %get3A_809 = tpu.vector_load %arg6[%get3A_806, %get3A_807, %get3A_808] {strides = array<i32>} : memref<8x4x16xi32, #tpu.memory_space<vmem>>, vector<16xi32>,
            %gt3A_810 = arith.cmpf ogt, %select_n3A_796, %scan3A_619 : vector<16xf32>
            %select_n3A_811 = arith.select %gt3A_810, %select_n3A_796, %scan3A_619 : vector<16xi1>, vector<16xf32>
            %select_n3A_812 = arith.select %gt3A_810, %select_n3A_797, %get3A_809 : vector<16xi1>, vector<16xi32>
            %select_n3A_813 = arith.select %gt3A_810, %scan3A_619, %select_n3A_796 : vector<16xi1>, vector<16xf32>
            %select_n3A_814 = arith.select %gt3A_810, %get3A_809, %select_n3A_797 : vector<16xi1>, vector<16xi32>
            %swap3A_815 = arith.constant 0 : i32
            %swap3A_816 = arith.constant 1 : i32
            %swap3A_817 = arith.index_cast %swap3A_815 : i32 to index
            %swap3A_818 = arith.index_cast %swap3A_816 : i32 to index
            %swap3A_819 = arith.constant 0 : index
            %swap3A_820 = tpu.vector_load %arg6[%swap3A_817, %swap3A_818, %swap3A_819] {strides = array<i32>} : memref<8x4x16xi32, #tpu.memory_space<vmem>>, vector<16xi32>,
            tpu.vector_store %arg6[%swap3A_817, %swap3A_818, %swap3A_819], %select_n3A_812 {strides = array<i32>} : memref<8x4x16xi32, #tpu.memory_space<vmem>>, vector<16xi32>,
            %get3A_821 = arith.constant 0 : i32
            %get3A_822 = arith.constant 2 : i32
            %get3A_823 = arith.index_cast %get3A_821 : i32 to index
            %get3A_824 = arith.index_cast %get3A_822 : i32 to index
            %get3A_825 = arith.constant 0 : index
            %get3A_826 = tpu.vector_load %arg6[%get3A_823, %get3A_824, %get3A_825] {strides = array<i32>} : memref<8x4x16xi32, #tpu.memory_space<vmem>>, vector<16xi32>,
            %gt3A_827 = arith.cmpf ogt, %select_n3A_813, %scan3A_620 : vector<16xf32>
            %select_n3A_828 = arith.select %gt3A_827, %select_n3A_813, %scan3A_620 : vector<16xi1>, vector<16xf32>
            %select_n3A_829 = arith.select %gt3A_827, %select_n3A_814, %get3A_826 : vector<16xi1>, vector<16xi32>
            %select_n3A_830 = arith.select %gt3A_827, %scan3A_620, %select_n3A_813 : vector<16xi1>, vector<16xf32>
            %select_n3A_831 = arith.select %gt3A_827, %get3A_826, %select_n3A_814 : vector<16xi1>, vector<16xi32>
            %swap3A_832 = arith.constant 0 : i32
            %swap3A_833 = arith.constant 2 : i32
            %swap3A_834 = arith.index_cast %swap3A_832 : i32 to index
            %swap3A_835 = arith.index_cast %swap3A_833 : i32 to index
            %swap3A_836 = arith.constant 0 : index
            %swap3A_837 = tpu.vector_load %arg6[%swap3A_834, %swap3A_835, %swap3A_836] {strides = array<i32>} : memref<8x4x16xi32, #tpu.memory_space<vmem>>, vector<16xi32>,
            tpu.vector_store %arg6[%swap3A_834, %swap3A_835, %swap3A_836], %select_n3A_829 {strides = array<i32>} : memref<8x4x16xi32, #tpu.memory_space<vmem>>, vector<16xi32>,
            %get3A_838 = arith.constant 0 : i32
            %get3A_839 = arith.constant 3 : i32
            %get3A_840 = arith.index_cast %get3A_838 : i32 to index
            %get3A_841 = arith.index_cast %get3A_839 : i32 to index
            %get3A_842 = arith.constant 0 : index
            %get3A_843 = tpu.vector_load %arg6[%get3A_840, %get3A_841, %get3A_842] {strides = array<i32>} : memref<8x4x16xi32, #tpu.memory_space<vmem>>, vector<16xi32>,
            %gt3A_844 = arith.cmpf ogt, %select_n3A_830, %scan3A_621 : vector<16xf32>
            %select_n3A_845 = arith.select %gt3A_844, %select_n3A_830, %scan3A_621 : vector<16xi1>, vector<16xf32>
            %select_n3A_846 = arith.select %gt3A_844, %select_n3A_831, %get3A_843 : vector<16xi1>, vector<16xi32>
            %select_n3A_847 = arith.select %gt3A_844, %scan3A_621, %select_n3A_830 : vector<16xi1>, vector<16xf32>
            %select_n3A_848 = arith.select %gt3A_844, %get3A_843, %select_n3A_831 : vector<16xi1>, vector<16xi32>
            %swap3A_849 = arith.constant 0 : i32
            %swap3A_850 = arith.constant 3 : i32
            %swap3A_851 = arith.index_cast %swap3A_849 : i32 to index
            %swap3A_852 = arith.index_cast %swap3A_850 : i32 to index
            %swap3A_853 = arith.constant 0 : index
            %swap3A_854 = tpu.vector_load %arg6[%swap3A_851, %swap3A_852, %swap3A_853] {strides = array<i32>} : memref<8x4x16xi32, #tpu.memory_space<vmem>>, vector<16xi32>,
            tpu.vector_store %arg6[%swap3A_851, %swap3A_852, %swap3A_853], %select_n3A_846 {strides = array<i32>} : memref<8x4x16xi32, #tpu.memory_space<vmem>>, vector<16xi32>,
            scf.yield %select_n3A_794, %select_n3A_811, %select_n3A_828, %select_n3A_845 : vector<16xf32>, vector<16xf32>, vector<16xf32>, vector<16xf32>
          } else {
            scf.yield %scan3A_618, %scan3A_619, %scan3A_620, %scan3A_621 : vector<16xf32>, vector<16xf32>, vector<16xf32>, vector<16xf32>
          }
          %gt3A_712 = arith.cmpf ogt, %get3A_660, %scan3A_625 : vector<16xf32>
          %all_reduce_population_count3A_713 = tpu.all_reduce %gt3A_712 {dim = 0 : i64, kind = #tpu.reduction_kind<sum>} : vector<16xi1> -> vector<16xi32>
          %slice3A_714 = vector.extract_strided_slice %all_reduce_population_count3A_713 {offsets = [0], sizes = [1], strides = [1]} : vector<16xi32> to vector<1xi32>
          %squeeze3A_715 = vector.extract %slice3A_714[0] : i32 from vector<1xi32>
          %gt3A_716 = arith.constant 0 : i32
          %gt3A_717 = arith.cmpi sgt, %squeeze3A_715, %gt3A_716 : i32
          %convert_element_type3A_718 = arith.extui %gt3A_717 : i1 to i32
          %cond3A_719 = arith.constant 0 : i32
          %cond3A_720 = arith.cmpi ne, %convert_element_type3A_718, %cond3A_719 : i32
          %cond3A_721:4 = scf.if %cond3A_720 -> (vector<16xf32>, vector<16xf32>, vector<16xf32>, vector<16xf32>) {
            %mul3A_782 = arith.constant 0 : i32
            %mul3A_783 = vector.broadcast %mul3A_782 : i32 to vector<16xi32>
            %mul3A_784 = arith.muli %iota3A, %mul3A_783 : vector<16xi32>
            %add3A_785 = vector.broadcast %add3A_652 : i32 to vector<16xi32>
            %add3A_786 = arith.addi %mul3A_784, %add3A_785 : vector<16xi32>
            %get3A_787 = arith.constant 1 : i32
            %get3A_788 = arith.constant 0 : i32
            %get3A_789 = arith.index_cast %get3A_787 : i32 to index
            %get3A_790 = arith.index_cast %get3A_788 : i32 to index
            %get3A_791 = arith.constant 0 : index
            %get3A_792 = tpu.vector_load %arg6[%get3A_789, %get3A_790, %get3A_791] {strides = array<i32>} : memref<8x4x16xi32, #tpu.memory_space<vmem>>, vector<16xi32>,
            %gt3A_793 = arith.cmpf ogt, %get3A_660, %scan3A_622 : vector<16xf32>
            %select_n3A_794 = arith.select %gt3A_793, %get3A_660, %scan3A_622 : vector<16xi1>, vector<16xf32>
            %select_n3A_795 = arith.select %gt3A_793, %add3A_786, %get3A_792 : vector<16xi1>, vector<16xi32>
            %select_n3A_796 = arith.select %gt3A_793, %scan3A_622, %get3A_660 : vector<16xi1>, vector<16xf32>
            %select_n3A_797 = arith.select %gt3A_793, %get3A_792, %add3A_786 : vector<16xi1>, vector<16xi32>
            %swap3A_798 = arith.constant 1 : i32
            %swap3A_799 = arith.constant 0 : i32
            %swap3A_800 = arith.index_cast %swap3A_798 : i32 to index
            %swap3A_801 = arith.index_cast %swap3A_799 : i32 to index
            %swap3A_802 = arith.constant 0 : index
            %swap3A_803 = tpu.vector_load %arg6[%swap3A_800, %swap3A_801, %swap3A_802] {strides = array<i32>} : memref<8x4x16xi32, #tpu.memory_space<vmem>>, vector<16xi32>,
            tpu.vector_store %arg6[%swap3A_800, %swap3A_801, %swap3A_802], %select_n3A_795 {strides = array<i32>} : memref<8x4x16xi32, #tpu.memory_space<vmem>>, vector<16xi32>,
            %get3A_804 = arith.constant 1 : i32
            %get3A_805 = arith.constant 1 : i32
            %get3A_806 = arith.index_cast %get3A_804 : i32 to index
            %get3A_807 = arith.index_cast %get3A_805 : i32 to index
            %get3A_808 = arith.constant 0 : index
            %get3A_809 = tpu.vector_load %arg6[%get3A_806, %get3A_807, %get3A_808] {strides = array<i32>} : memref<8x4x16xi32, #tpu.memory_space<vmem>>, vector<16xi32>,
            %gt3A_810 = arith.cmpf ogt, %select_n3A_796, %scan3A_623 : vector<16xf32>
            %select_n3A_811 = arith.select %gt3A_810, %select_n3A_796, %scan3A_623 : vector<16xi1>, vector<16xf32>
            %select_n3A_812 = arith.select %gt3A_810, %select_n3A_797, %get3A_809 : vector<16xi1>, vector<16xi32>
            %select_n3A_813 = arith.select %gt3A_810, %scan3A_623, %select_n3A_796 : vector<16xi1>, vector<16xf32>
            %select_n3A_814 = arith.select %gt3A_810, %get3A_809, %select_n3A_797 : vector<16xi1>, vector<16xi32>
            %swap3A_815 = arith.constant 1 : i32
            %swap3A_816 = arith.constant 1 : i32
            %swap3A_817 = arith.index_cast %swap3A_815 : i32 to index
            %swap3A_818 = arith.index_cast %swap3A_816 : i32 to index
            %swap3A_819 = arith.constant 0 : index
            %swap3A_820 = tpu.vector_load %arg6[%swap3A_817, %swap3A_818, %swap3A_819] {strides = array<i32>} : memref<8x4x16xi32, #tpu.memory_space<vmem>>, vector<16xi32>,
            tpu.vector_store %arg6[%swap3A_817, %swap3A_818, %swap3A_819], %select_n3A_812 {strides = array<i32>} : memref<8x4x16xi32, #tpu.memory_space<vmem>>, vector<16xi32>,
            %get3A_821 = arith.constant 1 : i32
            %get3A_822 = arith.constant 2 : i32
            %get3A_823 = arith.index_cast %get3A_821 : i32 to index
            %get3A_824 = arith.index_cast %get3A_822 : i32 to index
            %get3A_825 = arith.constant 0 : index
            %get3A_826 = tpu.vector_load %arg6[%get3A_823, %get3A_824, %get3A_825] {strides = array<i32>} : memref<8x4x16xi32, #tpu.memory_space<vmem>>, vector<16xi32>,
            %gt3A_827 = arith.cmpf ogt, %select_n3A_813, %scan3A_624 : vector<16xf32>
            %select_n3A_828 = arith.select %gt3A_827, %select_n3A_813, %scan3A_624 : vector<16xi1>, vector<16xf32>
            %select_n3A_829 = arith.select %gt3A_827, %select_n3A_814, %get3A_826 : vector<16xi1>, vector<16xi32>
            %select_n3A_830 = arith.select %gt3A_827, %scan3A_624, %select_n3A_813 : vector<16xi1>, vector<16xf32>
            %select_n3A_831 = arith.select %gt3A_827, %get3A_826, %select_n3A_814 : vector<16xi1>, vector<16xi32>
            %swap3A_832 = arith.constant 1 : i32
            %swap3A_833 = arith.constant 2 : i32
            %swap3A_834 = arith.index_cast %swap3A_832 : i32 to index
            %swap3A_835 = arith.index_cast %swap3A_833 : i32 to index
            %swap3A_836 = arith.constant 0 : index
            %swap3A_837 = tpu.vector_load %arg6[%swap3A_834, %swap3A_835, %swap3A_836] {strides = array<i32>} : memref<8x4x16xi32, #tpu.memory_space<vmem>>, vector<16xi32>,
            tpu.vector_store %arg6[%swap3A_834, %swap3A_835, %swap3A_836], %select_n3A_829 {strides = array<i32>} : memref<8x4x16xi32, #tpu.memory_space<vmem>>, vector<16xi32>,
            %get3A_838 = arith.constant 1 : i32
            %get3A_839 = arith.constant 3 : i32
            %get3A_840 = arith.index_cast %get3A_838 : i32 to index
            %get3A_841 = arith.index_cast %get3A_839 : i32 to index
            %get3A_842 = arith.constant 0 : index
            %get3A_843 = tpu.vector_load %arg6[%get3A_840, %get3A_841, %get3A_842] {strides = array<i32>} : memref<8x4x16xi32, #tpu.memory_space<vmem>>, vector<16xi32>,
            %gt3A_844 = arith.cmpf ogt, %select_n3A_830, %scan3A_625 : vector<16xf32>
            %select_n3A_845 = arith.select %gt3A_844, %select_n3A_830, %scan3A_625 : vector<16xi1>, vector<16xf32>
            %select_n3A_846 = arith.select %gt3A_844, %select_n3A_831, %get3A_843 : vector<16xi1>, vector<16xi32>
            %select_n3A_847 = arith.select %gt3A_844, %scan3A_625, %select_n3A_830 : vector<16xi1>, vector<16xf32>
            %select_n3A_848 = arith.select %gt3A_844, %get3A_843, %select_n3A_831 : vector<16xi1>, vector<16xi32>
            %swap3A_849 = arith.constant 1 : i32
            %swap3A_850 = arith.constant 3 : i32
            %swap3A_851 = arith.index_cast %swap3A_849 : i32 to index
            %swap3A_852 = arith.index_cast %swap3A_850 : i32 to index
            %swap3A_853 = arith.constant 0 : index
            %swap3A_854 = tpu.vector_load %arg6[%swap3A_851, %swap3A_852, %swap3A_853] {strides = array<i32>} : memref<8x4x16xi32, #tpu.memory_space<vmem>>, vector<16xi32>,
            tpu.vector_store %arg6[%swap3A_851, %swap3A_852, %swap3A_853], %select_n3A_846 {strides = array<i32>} : memref<8x4x16xi32, #tpu.memory_space<vmem>>, vector<16xi32>,
            scf.yield %select_n3A_794, %select_n3A_811, %select_n3A_828, %select_n3A_845 : vector<16xf32>, vector<16xf32>, vector<16xf32>, vector<16xf32>
          } else {
            scf.yield %scan3A_622, %scan3A_623, %scan3A_624, %scan3A_625 : vector<16xf32>, vector<16xf32>, vector<16xf32>, vector<16xf32>
          }
          %gt3A_722 = arith.cmpf ogt, %get3A_664, %scan3A_629 : vector<16xf32>
          %all_reduce_population_count3A_723 = tpu.all_reduce %gt3A_722 {dim = 0 : i64, kind = #tpu.reduction_kind<sum>} : vector<16xi1> -> vector<16xi32>
          %slice3A_724 = vector.extract_strided_slice %all_reduce_population_count3A_723 {offsets = [0], sizes = [1], strides = [1]} : vector<16xi32> to vector<1xi32>
          %squeeze3A_725 = vector.extract %slice3A_724[0] : i32 from vector<1xi32>
          %gt3A_726 = arith.constant 0 : i32
          %gt3A_727 = arith.cmpi sgt, %squeeze3A_725, %gt3A_726 : i32
          %convert_element_type3A_728 = arith.extui %gt3A_727 : i1 to i32
          %cond3A_729 = arith.constant 0 : i32
          %cond3A_730 = arith.cmpi ne, %convert_element_type3A_728, %cond3A_729 : i32
          %cond3A_731:4 = scf.if %cond3A_730 -> (vector<16xf32>, vector<16xf32>, vector<16xf32>, vector<16xf32>) {
            %mul3A_782 = arith.constant 0 : i32
            %mul3A_783 = vector.broadcast %mul3A_782 : i32 to vector<16xi32>
            %mul3A_784 = arith.muli %iota3A, %mul3A_783 : vector<16xi32>
            %add3A_785 = vector.broadcast %add3A_652 : i32 to vector<16xi32>
            %add3A_786 = arith.addi %mul3A_784, %add3A_785 : vector<16xi32>
            %get3A_787 = arith.constant 2 : i32
            %get3A_788 = arith.constant 0 : i32
            %get3A_789 = arith.index_cast %get3A_787 : i32 to index
            %get3A_790 = arith.index_cast %get3A_788 : i32 to index
            %get3A_791 = arith.constant 0 : index
            %get3A_792 = tpu.vector_load %arg6[%get3A_789, %get3A_790, %get3A_791] {strides = array<i32>} : memref<8x4x16xi32, #tpu.memory_space<vmem>>, vector<16xi32>,
            %gt3A_793 = arith.cmpf ogt, %get3A_664, %scan3A_626 : vector<16xf32>
            %select_n3A_794 = arith.select %gt3A_793, %get3A_664, %scan3A_626 : vector<16xi1>, vector<16xf32>
            %select_n3A_795 = arith.select %gt3A_793, %add3A_786, %get3A_792 : vector<16xi1>, vector<16xi32>
            %select_n3A_796 = arith.select %gt3A_793, %scan3A_626, %get3A_664 : vector<16xi1>, vector<16xf32>
            %select_n3A_797 = arith.select %gt3A_793, %get3A_792, %add3A_786 : vector<16xi1>, vector<16xi32>
            %swap3A_798 = arith.constant 2 : i32
            %swap3A_799 = arith.constant 0 : i32
            %swap3A_800 = arith.index_cast %swap3A_798 : i32 to index
            %swap3A_801 = arith.index_cast %swap3A_799 : i32 to index
            %swap3A_802 = arith.constant 0 : index
            %swap3A_803 = tpu.vector_load %arg6[%swap3A_800, %swap3A_801, %swap3A_802] {strides = array<i32>} : memref<8x4x16xi32, #tpu.memory_space<vmem>>, vector<16xi32>,
            tpu.vector_store %arg6[%swap3A_800, %swap3A_801, %swap3A_802], %select_n3A_795 {strides = array<i32>} : memref<8x4x16xi32, #tpu.memory_space<vmem>>, vector<16xi32>,
            %get3A_804 = arith.constant 2 : i32
            %get3A_805 = arith.constant 1 : i32
            %get3A_806 = arith.index_cast %get3A_804 : i32 to index
            %get3A_807 = arith.index_cast %get3A_805 : i32 to index
            %get3A_808 = arith.constant 0 : index
            %get3A_809 = tpu.vector_load %arg6[%get3A_806, %get3A_807, %get3A_808] {strides = array<i32>} : memref<8x4x16xi32, #tpu.memory_space<vmem>>, vector<16xi32>,
            %gt3A_810 = arith.cmpf ogt, %select_n3A_796, %scan3A_627 : vector<16xf32>
            %select_n3A_811 = arith.select %gt3A_810, %select_n3A_796, %scan3A_627 : vector<16xi1>, vector<16xf32>
            %select_n3A_812 = arith.select %gt3A_810, %select_n3A_797, %get3A_809 : vector<16xi1>, vector<16xi32>
            %select_n3A_813 = arith.select %gt3A_810, %scan3A_627, %select_n3A_796 : vector<16xi1>, vector<16xf32>
            %select_n3A_814 = arith.select %gt3A_810, %get3A_809, %select_n3A_797 : vector<16xi1>, vector<16xi32>
            %swap3A_815 = arith.constant 2 : i32
            %swap3A_816 = arith.constant 1 : i32
            %swap3A_817 = arith.index_cast %swap3A_815 : i32 to index
            %swap3A_818 = arith.index_cast %swap3A_816 : i32 to index
            %swap3A_819 = arith.constant 0 : index
            %swap3A_820 = tpu.vector_load %arg6[%swap3A_817, %swap3A_818, %swap3A_819] {strides = array<i32>} : memref<8x4x16xi32, #tpu.memory_space<vmem>>, vector<16xi32>,
            tpu.vector_store %arg6[%swap3A_817, %swap3A_818, %swap3A_819], %select_n3A_812 {strides = array<i32>} : memref<8x4x16xi32, #tpu.memory_space<vmem>>, vector<16xi32>,
            %get3A_821 = arith.constant 2 : i32
            %get3A_822 = arith.constant 2 : i32
            %get3A_823 = arith.index_cast %get3A_821 : i32 to index
            %get3A_824 = arith.index_cast %get3A_822 : i32 to index
            %get3A_825 = arith.constant 0 : index
            %get3A_826 = tpu.vector_load %arg6[%get3A_823, %get3A_824, %get3A_825] {strides = array<i32>} : memref<8x4x16xi32, #tpu.memory_space<vmem>>, vector<16xi32>,
            %gt3A_827 = arith.cmpf ogt, %select_n3A_813, %scan3A_628 : vector<16xf32>
            %select_n3A_828 = arith.select %gt3A_827, %select_n3A_813, %scan3A_628 : vector<16xi1>, vector<16xf32>
            %select_n3A_829 = arith.select %gt3A_827, %select_n3A_814, %get3A_826 : vector<16xi1>, vector<16xi32>
            %select_n3A_830 = arith.select %gt3A_827, %scan3A_628, %select_n3A_813 : vector<16xi1>, vector<16xf32>
            %select_n3A_831 = arith.select %gt3A_827, %get3A_826, %select_n3A_814 : vector<16xi1>, vector<16xi32>
            %swap3A_832 = arith.constant 2 : i32
            %swap3A_833 = arith.constant 2 : i32
            %swap3A_834 = arith.index_cast %swap3A_832 : i32 to index
            %swap3A_835 = arith.index_cast %swap3A_833 : i32 to index
            %swap3A_836 = arith.constant 0 : index
            %swap3A_837 = tpu.vector_load %arg6[%swap3A_834, %swap3A_835, %swap3A_836] {strides = array<i32>} : memref<8x4x16xi32, #tpu.memory_space<vmem>>, vector<16xi32>,
            tpu.vector_store %arg6[%swap3A_834, %swap3A_835, %swap3A_836], %select_n3A_829 {strides = array<i32>} : memref<8x4x16xi32, #tpu.memory_space<vmem>>, vector<16xi32>,
            %get3A_838 = arith.constant 2 : i32
            %get3A_839 = arith.constant 3 : i32
            %get3A_840 = arith.index_cast %get3A_838 : i32 to index
            %get3A_841 = arith.index_cast %get3A_839 : i32 to index
            %get3A_842 = arith.constant 0 : index
            %get3A_843 = tpu.vector_load %arg6[%get3A_840, %get3A_841, %get3A_842] {strides = array<i32>} : memref<8x4x16xi32, #tpu.memory_space<vmem>>, vector<16xi32>,
            %gt3A_844 = arith.cmpf ogt, %select_n3A_830, %scan3A_629 : vector<16xf32>
            %select_n3A_845 = arith.select %gt3A_844, %select_n3A_830, %scan3A_629 : vector<16xi1>, vector<16xf32>
            %select_n3A_846 = arith.select %gt3A_844, %select_n3A_831, %get3A_843 : vector<16xi1>, vector<16xi32>
            %select_n3A_847 = arith.select %gt3A_844, %scan3A_629, %select_n3A_830 : vector<16xi1>, vector<16xf32>
            %select_n3A_848 = arith.select %gt3A_844, %get3A_843, %select_n3A_831 : vector<16xi1>, vector<16xi32>
            %swap3A_849 = arith.constant 2 : i32
            %swap3A_850 = arith.constant 3 : i32
            %swap3A_851 = arith.index_cast %swap3A_849 : i32 to index
            %swap3A_852 = arith.index_cast %swap3A_850 : i32 to index
            %swap3A_853 = arith.constant 0 : index
            %swap3A_854 = tpu.vector_load %arg6[%swap3A_851, %swap3A_852, %swap3A_853] {strides = array<i32>} : memref<8x4x16xi32, #tpu.memory_space<vmem>>, vector<16xi32>,
            tpu.vector_store %arg6[%swap3A_851, %swap3A_852, %swap3A_853], %select_n3A_846 {strides = array<i32>} : memref<8x4x16xi32, #tpu.memory_space<vmem>>, vector<16xi32>,
            scf.yield %select_n3A_794, %select_n3A_811, %select_n3A_828, %select_n3A_845 : vector<16xf32>, vector<16xf32>, vector<16xf32>, vector<16xf32>
          } else {
            scf.yield %scan3A_626, %scan3A_627, %scan3A_628, %scan3A_629 : vector<16xf32>, vector<16xf32>, vector<16xf32>, vector<16xf32>
          }
          %gt3A_732 = arith.cmpf ogt, %get3A_668, %scan3A_633 : vector<16xf32>
          %all_reduce_population_count3A_733 = tpu.all_reduce %gt3A_732 {dim = 0 : i64, kind = #tpu.reduction_kind<sum>} : vector<16xi1> -> vector<16xi32>
          %slice3A_734 = vector.extract_strided_slice %all_reduce_population_count3A_733 {offsets = [0], sizes = [1], strides = [1]} : vector<16xi32> to vector<1xi32>
          %squeeze3A_735 = vector.extract %slice3A_734[0] : i32 from vector<1xi32>
          %gt3A_736 = arith.constant 0 : i32
          %gt3A_737 = arith.cmpi sgt, %squeeze3A_735, %gt3A_736 : i32
          %convert_element_type3A_738 = arith.extui %gt3A_737 : i1 to i32
          %cond3A_739 = arith.constant 0 : i32
          %cond3A_740 = arith.cmpi ne, %convert_element_type3A_738, %cond3A_739 : i32
          %cond3A_741:4 = scf.if %cond3A_740 -> (vector<16xf32>, vector<16xf32>, vector<16xf32>, vector<16xf32>) {
            %mul3A_782 = arith.constant 0 : i32
            %mul3A_783 = vector.broadcast %mul3A_782 : i32 to vector<16xi32>
            %mul3A_784 = arith.muli %iota3A, %mul3A_783 : vector<16xi32>
            %add3A_785 = vector.broadcast %add3A_652 : i32 to vector<16xi32>
            %add3A_786 = arith.addi %mul3A_784, %add3A_785 : vector<16xi32>
            %get3A_787 = arith.constant 3 : i32
            %get3A_788 = arith.constant 0 : i32
            %get3A_789 = arith.index_cast %get3A_787 : i32 to index
            %get3A_790 = arith.index_cast %get3A_788 : i32 to index
            %get3A_791 = arith.constant 0 : index
            %get3A_792 = tpu.vector_load %arg6[%get3A_789, %get3A_790, %get3A_791] {strides = array<i32>} : memref<8x4x16xi32, #tpu.memory_space<vmem>>, vector<16xi32>,
            %gt3A_793 = arith.cmpf ogt, %get3A_668, %scan3A_630 : vector<16xf32>
            %select_n3A_794 = arith.select %gt3A_793, %get3A_668, %scan3A_630 : vector<16xi1>, vector<16xf32>
            %select_n3A_795 = arith.select %gt3A_793, %add3A_786, %get3A_792 : vector<16xi1>, vector<16xi32>
            %select_n3A_796 = arith.select %gt3A_793, %scan3A_630, %get3A_668 : vector<16xi1>, vector<16xf32>
            %select_n3A_797 = arith.select %gt3A_793, %get3A_792, %add3A_786 : vector<16xi1>, vector<16xi32>
            %swap3A_798 = arith.constant 3 : i32
            %swap3A_799 = arith.constant 0 : i32
            %swap3A_800 = arith.index_cast %swap3A_798 : i32 to index
            %swap3A_801 = arith.index_cast %swap3A_799 : i32 to index
            %swap3A_802 = arith.constant 0 : index
            %swap3A_803 = tpu.vector_load %arg6[%swap3A_800, %swap3A_801, %swap3A_802] {strides = array<i32>} : memref<8x4x16xi32, #tpu.memory_space<vmem>>, vector<16xi32>,
            tpu.vector_store %arg6[%swap3A_800, %swap3A_801, %swap3A_802], %select_n3A_795 {strides = array<i32>} : memref<8x4x16xi32, #tpu.memory_space<vmem>>, vector<16xi32>,
            %get3A_804 = arith.constant 3 : i32
            %get3A_805 = arith.constant 1 : i32
            %get3A_806 = arith.index_cast %get3A_804 : i32 to index
            %get3A_807 = arith.index_cast %get3A_805 : i32 to index
            %get3A_808 = arith.constant 0 : index
            %get3A_809 = tpu.vector_load %arg6[%get3A_806, %get3A_807, %get3A_808] {strides = array<i32>} : memref<8x4x16xi32, #tpu.memory_space<vmem>>, vector<16xi32>,
            %gt3A_810 = arith.cmpf ogt, %select_n3A_796, %scan3A_631 : vector<16xf32>
            %select_n3A_811 = arith.select %gt3A_810, %select_n3A_796, %scan3A_631 : vector<16xi1>, vector<16xf32>
            %select_n3A_812 = arith.select %gt3A_810, %select_n3A_797, %get3A_809 : vector<16xi1>, vector<16xi32>
            %select_n3A_813 = arith.select %gt3A_810, %scan3A_631, %select_n3A_796 : vector<16xi1>, vector<16xf32>
            %select_n3A_814 = arith.select %gt3A_810, %get3A_809, %select_n3A_797 : vector<16xi1>, vector<16xi32>
            %swap3A_815 = arith.constant 3 : i32
            %swap3A_816 = arith.constant 1 : i32
            %swap3A_817 = arith.index_cast %swap3A_815 : i32 to index
            %swap3A_818 = arith.index_cast %swap3A_816 : i32 to index
            %swap3A_819 = arith.constant 0 : index
            %swap3A_820 = tpu.vector_load %arg6[%swap3A_817, %swap3A_818, %swap3A_819] {strides = array<i32>} : memref<8x4x16xi32, #tpu.memory_space<vmem>>, vector<16xi32>,
            tpu.vector_store %arg6[%swap3A_817, %swap3A_818, %swap3A_819], %select_n3A_812 {strides = array<i32>} : memref<8x4x16xi32, #tpu.memory_space<vmem>>, vector<16xi32>,
            %get3A_821 = arith.constant 3 : i32
            %get3A_822 = arith.constant 2 : i32
            %get3A_823 = arith.index_cast %get3A_821 : i32 to index
            %get3A_824 = arith.index_cast %get3A_822 : i32 to index
            %get3A_825 = arith.constant 0 : index
            %get3A_826 = tpu.vector_load %arg6[%get3A_823, %get3A_824, %get3A_825] {strides = array<i32>} : memref<8x4x16xi32, #tpu.memory_space<vmem>>, vector<16xi32>,
            %gt3A_827 = arith.cmpf ogt, %select_n3A_813, %scan3A_632 : vector<16xf32>
            %select_n3A_828 = arith.select %gt3A_827, %select_n3A_813, %scan3A_632 : vector<16xi1>, vector<16xf32>
            %select_n3A_829 = arith.select %gt3A_827, %select_n3A_814, %get3A_826 : vector<16xi1>, vector<16xi32>
            %select_n3A_830 = arith.select %gt3A_827, %scan3A_632, %select_n3A_813 : vector<16xi1>, vector<16xf32>
            %select_n3A_831 = arith.select %gt3A_827, %get3A_826, %select_n3A_814 : vector<16xi1>, vector<16xi32>
            %swap3A_832 = arith.constant 3 : i32
            %swap3A_833 = arith.constant 2 : i32
            %swap3A_834 = arith.index_cast %swap3A_832 : i32 to index
            %swap3A_835 = arith.index_cast %swap3A_833 : i32 to index
            %swap3A_836 = arith.constant 0 : index
            %swap3A_837 = tpu.vector_load %arg6[%swap3A_834, %swap3A_835, %swap3A_836] {strides = array<i32>} : memref<8x4x16xi32, #tpu.memory_space<vmem>>, vector<16xi32>,
            tpu.vector_store %arg6[%swap3A_834, %swap3A_835, %swap3A_836], %select_n3A_829 {strides = array<i32>} : memref<8x4x16xi32, #tpu.memory_space<vmem>>, vector<16xi32>,
            %get3A_838 = arith.constant 3 : i32
            %get3A_839 = arith.constant 3 : i32
            %get3A_840 = arith.index_cast %get3A_838 : i32 to index
            %get3A_841 = arith.index_cast %get3A_839 : i32 to index
            %get3A_842 = arith.constant 0 : index
            %get3A_843 = tpu.vector_load %arg6[%get3A_840, %get3A_841, %get3A_842] {strides = array<i32>} : memref<8x4x16xi32, #tpu.memory_space<vmem>>, vector<16xi32>,
            %gt3A_844 = arith.cmpf ogt, %select_n3A_830, %scan3A_633 : vector<16xf32>
            %select_n3A_845 = arith.select %gt3A_844, %select_n3A_830, %scan3A_633 : vector<16xi1>, vector<16xf32>
            %select_n3A_846 = arith.select %gt3A_844, %select_n3A_831, %get3A_843 : vector<16xi1>, vector<16xi32>
            %select_n3A_847 = arith.select %gt3A_844, %scan3A_633, %select_n3A_830 : vector<16xi1>, vector<16xf32>
            %select_n3A_848 = arith.select %gt3A_844, %get3A_843, %select_n3A_831 : vector<16xi1>, vector<16xi32>
            %swap3A_849 = arith.constant 3 : i32
            %swap3A_850 = arith.constant 3 : i32
            %swap3A_851 = arith.index_cast %swap3A_849 : i32 to index
            %swap3A_852 = arith.index_cast %swap3A_850 : i32 to index
            %swap3A_853 = arith.constant 0 : index
            %swap3A_854 = tpu.vector_load %arg6[%swap3A_851, %swap3A_852, %swap3A_853] {strides = array<i32>} : memref<8x4x16xi32, #tpu.memory_space<vmem>>, vector<16xi32>,
            tpu.vector_store %arg6[%swap3A_851, %swap3A_852, %swap3A_853], %select_n3A_846 {strides = array<i32>} : memref<8x4x16xi32, #tpu.memory_space<vmem>>, vector<16xi32>,
            scf.yield %select_n3A_794, %select_n3A_811, %select_n3A_828, %select_n3A_845 : vector<16xf32>, vector<16xf32>, vector<16xf32>, vector<16xf32>
          } else {
            scf.yield %scan3A_630, %scan3A_631, %scan3A_632, %scan3A_633 : vector<16xf32>, vector<16xf32>, vector<16xf32>, vector<16xf32>
          }
          %gt3A_742 = arith.cmpf ogt, %get3A_672, %scan3A_637 : vector<16xf32>
          %all_reduce_population_count3A_743 = tpu.all_reduce %gt3A_742 {dim = 0 : i64, kind = #tpu.reduction_kind<sum>} : vector<16xi1> -> vector<16xi32>
          %slice3A_744 = vector.extract_strided_slice %all_reduce_population_count3A_743 {offsets = [0], sizes = [1], strides = [1]} : vector<16xi32> to vector<1xi32>
          %squeeze3A_745 = vector.extract %slice3A_744[0] : i32 from vector<1xi32>
          %gt3A_746 = arith.constant 0 : i32
          %gt3A_747 = arith.cmpi sgt, %squeeze3A_745, %gt3A_746 : i32
          %convert_element_type3A_748 = arith.extui %gt3A_747 : i1 to i32
          %cond3A_749 = arith.constant 0 : i32
          %cond3A_750 = arith.cmpi ne, %convert_element_type3A_748, %cond3A_749 : i32
          %cond3A_751:4 = scf.if %cond3A_750 -> (vector<16xf32>, vector<16xf32>, vector<16xf32>, vector<16xf32>) {
            %mul3A_782 = arith.constant 0 : i32
            %mul3A_783 = vector.broadcast %mul3A_782 : i32 to vector<16xi32>
            %mul3A_784 = arith.muli %iota3A, %mul3A_783 : vector<16xi32>
            %add3A_785 = vector.broadcast %add3A_652 : i32 to vector<16xi32>
            %add3A_786 = arith.addi %mul3A_784, %add3A_785 : vector<16xi32>
            %get3A_787 = arith.constant 4 : i32
            %get3A_788 = arith.constant 0 : i32
            %get3A_789 = arith.index_cast %get3A_787 : i32 to index
            %get3A_790 = arith.index_cast %get3A_788 : i32 to index
            %get3A_791 = arith.constant 0 : index
            %get3A_792 = tpu.vector_load %arg6[%get3A_789, %get3A_790, %get3A_791] {strides = array<i32>} : memref<8x4x16xi32, #tpu.memory_space<vmem>>, vector<16xi32>,
            %gt3A_793 = arith.cmpf ogt, %get3A_672, %scan3A_634 : vector<16xf32>
            %select_n3A_794 = arith.select %gt3A_793, %get3A_672, %scan3A_634 : vector<16xi1>, vector<16xf32>
            %select_n3A_795 = arith.select %gt3A_793, %add3A_786, %get3A_792 : vector<16xi1>, vector<16xi32>
            %select_n3A_796 = arith.select %gt3A_793, %scan3A_634, %get3A_672 : vector<16xi1>, vector<16xf32>
            %select_n3A_797 = arith.select %gt3A_793, %get3A_792, %add3A_786 : vector<16xi1>, vector<16xi32>
            %swap3A_798 = arith.constant 4 : i32
            %swap3A_799 = arith.constant 0 : i32
            %swap3A_800 = arith.index_cast %swap3A_798 : i32 to index
            %swap3A_801 = arith.index_cast %swap3A_799 : i32 to index
            %swap3A_802 = arith.constant 0 : index
            %swap3A_803 = tpu.vector_load %arg6[%swap3A_800, %swap3A_801, %swap3A_802] {strides = array<i32>} : memref<8x4x16xi32, #tpu.memory_space<vmem>>, vector<16xi32>,
            tpu.vector_store %arg6[%swap3A_800, %swap3A_801, %swap3A_802], %select_n3A_795 {strides = array<i32>} : memref<8x4x16xi32, #tpu.memory_space<vmem>>, vector<16xi32>,
            %get3A_804 = arith.constant 4 : i32
            %get3A_805 = arith.constant 1 : i32
            %get3A_806 = arith.index_cast %get3A_804 : i32 to index
            %get3A_807 = arith.index_cast %get3A_805 : i32 to index
            %get3A_808 = arith.constant 0 : index
            %get3A_809 = tpu.vector_load %arg6[%get3A_806, %get3A_807, %get3A_808] {strides = array<i32>} : memref<8x4x16xi32, #tpu.memory_space<vmem>>, vector<16xi32>,
            %gt3A_810 = arith.cmpf ogt, %select_n3A_796, %scan3A_635 : vector<16xf32>
            %select_n3A_811 = arith.select %gt3A_810, %select_n3A_796, %scan3A_635 : vector<16xi1>, vector<16xf32>
            %select_n3A_812 = arith.select %gt3A_810, %select_n3A_797, %get3A_809 : vector<16xi1>, vector<16xi32>
            %select_n3A_813 = arith.select %gt3A_810, %scan3A_635, %select_n3A_796 : vector<16xi1>, vector<16xf32>
            %select_n3A_814 = arith.select %gt3A_810, %get3A_809, %select_n3A_797 : vector<16xi1>, vector<16xi32>
            %swap3A_815 = arith.constant 4 : i32
            %swap3A_816 = arith.constant 1 : i32
            %swap3A_817 = arith.index_cast %swap3A_815 : i32 to index
            %swap3A_818 = arith.index_cast %swap3A_816 : i32 to index
            %swap3A_819 = arith.constant 0 : index
            %swap3A_820 = tpu.vector_load %arg6[%swap3A_817, %swap3A_818, %swap3A_819] {strides = array<i32>} : memref<8x4x16xi32, #tpu.memory_space<vmem>>, vector<16xi32>,
            tpu.vector_store %arg6[%swap3A_817, %swap3A_818, %swap3A_819], %select_n3A_812 {strides = array<i32>} : memref<8x4x16xi32, #tpu.memory_space<vmem>>, vector<16xi32>,
            %get3A_821 = arith.constant 4 : i32
            %get3A_822 = arith.constant 2 : i32
            %get3A_823 = arith.index_cast %get3A_821 : i32 to index
            %get3A_824 = arith.index_cast %get3A_822 : i32 to index
            %get3A_825 = arith.constant 0 : index
            %get3A_826 = tpu.vector_load %arg6[%get3A_823, %get3A_824, %get3A_825] {strides = array<i32>} : memref<8x4x16xi32, #tpu.memory_space<vmem>>, vector<16xi32>,
            %gt3A_827 = arith.cmpf ogt, %select_n3A_813, %scan3A_636 : vector<16xf32>
            %select_n3A_828 = arith.select %gt3A_827, %select_n3A_813, %scan3A_636 : vector<16xi1>, vector<16xf32>
            %select_n3A_829 = arith.select %gt3A_827, %select_n3A_814, %get3A_826 : vector<16xi1>, vector<16xi32>
            %select_n3A_830 = arith.select %gt3A_827, %scan3A_636, %select_n3A_813 : vector<16xi1>, vector<16xf32>
            %select_n3A_831 = arith.select %gt3A_827, %get3A_826, %select_n3A_814 : vector<16xi1>, vector<16xi32>
            %swap3A_832 = arith.constant 4 : i32
            %swap3A_833 = arith.constant 2 : i32
            %swap3A_834 = arith.index_cast %swap3A_832 : i32 to index
            %swap3A_835 = arith.index_cast %swap3A_833 : i32 to index
            %swap3A_836 = arith.constant 0 : index
            %swap3A_837 = tpu.vector_load %arg6[%swap3A_834, %swap3A_835, %swap3A_836] {strides = array<i32>} : memref<8x4x16xi32, #tpu.memory_space<vmem>>, vector<16xi32>,
            tpu.vector_store %arg6[%swap3A_834, %swap3A_835, %swap3A_836], %select_n3A_829 {strides = array<i32>} : memref<8x4x16xi32, #tpu.memory_space<vmem>>, vector<16xi32>,
            %get3A_838 = arith.constant 4 : i32
            %get3A_839 = arith.constant 3 : i32
            %get3A_840 = arith.index_cast %get3A_838 : i32 to index
            %get3A_841 = arith.index_cast %get3A_839 : i32 to index
            %get3A_842 = arith.constant 0 : index
            %get3A_843 = tpu.vector_load %arg6[%get3A_840, %get3A_841, %get3A_842] {strides = array<i32>} : memref<8x4x16xi32, #tpu.memory_space<vmem>>, vector<16xi32>,
            %gt3A_844 = arith.cmpf ogt, %select_n3A_830, %scan3A_637 : vector<16xf32>
            %select_n3A_845 = arith.select %gt3A_844, %select_n3A_830, %scan3A_637 : vector<16xi1>, vector<16xf32>
            %select_n3A_846 = arith.select %gt3A_844, %select_n3A_831, %get3A_843 : vector<16xi1>, vector<16xi32>
            %select_n3A_847 = arith.select %gt3A_844, %scan3A_637, %select_n3A_830 : vector<16xi1>, vector<16xf32>
            %select_n3A_848 = arith.select %gt3A_844, %get3A_843, %select_n3A_831 : vector<16xi1>, vector<16xi32>
            %swap3A_849 = arith.constant 4 : i32
            %swap3A_850 = arith.constant 3 : i32
            %swap3A_851 = arith.index_cast %swap3A_849 : i32 to index
            %swap3A_852 = arith.index_cast %swap3A_850 : i32 to index
            %swap3A_853 = arith.constant 0 : index
            %swap3A_854 = tpu.vector_load %arg6[%swap3A_851, %swap3A_852, %swap3A_853] {strides = array<i32>} : memref<8x4x16xi32, #tpu.memory_space<vmem>>, vector<16xi32>,
            tpu.vector_store %arg6[%swap3A_851, %swap3A_852, %swap3A_853], %select_n3A_846 {strides = array<i32>} : memref<8x4x16xi32, #tpu.memory_space<vmem>>, vector<16xi32>,
            scf.yield %select_n3A_794, %select_n3A_811, %select_n3A_828, %select_n3A_845 : vector<16xf32>, vector<16xf32>, vector<16xf32>, vector<16xf32>
          } else {
            scf.yield %scan3A_634, %scan3A_635, %scan3A_636, %scan3A_637 : vector<16xf32>, vector<16xf32>, vector<16xf32>, vector<16xf32>
          }
          %gt3A_752 = arith.cmpf ogt, %get3A_676, %scan3A_641 : vector<16xf32>
          %all_reduce_population_count3A_753 = tpu.all_reduce %gt3A_752 {dim = 0 : i64, kind = #tpu.reduction_kind<sum>} : vector<16xi1> -> vector<16xi32>
          %slice3A_754 = vector.extract_strided_slice %all_reduce_population_count3A_753 {offsets = [0], sizes = [1], strides = [1]} : vector<16xi32> to vector<1xi32>
          %squeeze3A_755 = vector.extract %slice3A_754[0] : i32 from vector<1xi32>
          %gt3A_756 = arith.constant 0 : i32
          %gt3A_757 = arith.cmpi sgt, %squeeze3A_755, %gt3A_756 : i32
          %convert_element_type3A_758 = arith.extui %gt3A_757 : i1 to i32
          %cond3A_759 = arith.constant 0 : i32
          %cond3A_760 = arith.cmpi ne, %convert_element_type3A_758, %cond3A_759 : i32
          %cond3A_761:4 = scf.if %cond3A_760 -> (vector<16xf32>, vector<16xf32>, vector<16xf32>, vector<16xf32>) {
            %mul3A_782 = arith.constant 0 : i32
            %mul3A_783 = vector.broadcast %mul3A_782 : i32 to vector<16xi32>
            %mul3A_784 = arith.muli %iota3A, %mul3A_783 : vector<16xi32>
            %add3A_785 = vector.broadcast %add3A_652 : i32 to vector<16xi32>
            %add3A_786 = arith.addi %mul3A_784, %add3A_785 : vector<16xi32>
            %get3A_787 = arith.constant 5 : i32
            %get3A_788 = arith.constant 0 : i32
            %get3A_789 = arith.index_cast %get3A_787 : i32 to index
            %get3A_790 = arith.index_cast %get3A_788 : i32 to index
            %get3A_791 = arith.constant 0 : index
            %get3A_792 = tpu.vector_load %arg6[%get3A_789, %get3A_790, %get3A_791] {strides = array<i32>} : memref<8x4x16xi32, #tpu.memory_space<vmem>>, vector<16xi32>,
            %gt3A_793 = arith.cmpf ogt, %get3A_676, %scan3A_638 : vector<16xf32>
            %select_n3A_794 = arith.select %gt3A_793, %get3A_676, %scan3A_638 : vector<16xi1>, vector<16xf32>
            %select_n3A_795 = arith.select %gt3A_793, %add3A_786, %get3A_792 : vector<16xi1>, vector<16xi32>
            %select_n3A_796 = arith.select %gt3A_793, %scan3A_638, %get3A_676 : vector<16xi1>, vector<16xf32>
            %select_n3A_797 = arith.select %gt3A_793, %get3A_792, %add3A_786 : vector<16xi1>, vector<16xi32>
            %swap3A_798 = arith.constant 5 : i32
            %swap3A_799 = arith.constant 0 : i32
            %swap3A_800 = arith.index_cast %swap3A_798 : i32 to index
            %swap3A_801 = arith.index_cast %swap3A_799 : i32 to index
            %swap3A_802 = arith.constant 0 : index
            %swap3A_803 = tpu.vector_load %arg6[%swap3A_800, %swap3A_801, %swap3A_802] {strides = array<i32>} : memref<8x4x16xi32, #tpu.memory_space<vmem>>, vector<16xi32>,
            tpu.vector_store %arg6[%swap3A_800, %swap3A_801, %swap3A_802], %select_n3A_795 {strides = array<i32>} : memref<8x4x16xi32, #tpu.memory_space<vmem>>, vector<16xi32>,
            %get3A_804 = arith.constant 5 : i32
            %get3A_805 = arith.constant 1 : i32
            %get3A_806 = arith.index_cast %get3A_804 : i32 to index
            %get3A_807 = arith.index_cast %get3A_805 : i32 to index
            %get3A_808 = arith.constant 0 : index
            %get3A_809 = tpu.vector_load %arg6[%get3A_806, %get3A_807, %get3A_808] {strides = array<i32>} : memref<8x4x16xi32, #tpu.memory_space<vmem>>, vector<16xi32>,
            %gt3A_810 = arith.cmpf ogt, %select_n3A_796, %scan3A_639 : vector<16xf32>
            %select_n3A_811 = arith.select %gt3A_810, %select_n3A_796, %scan3A_639 : vector<16xi1>, vector<16xf32>
            %select_n3A_812 = arith.select %gt3A_810, %select_n3A_797, %get3A_809 : vector<16xi1>, vector<16xi32>
            %select_n3A_813 = arith.select %gt3A_810, %scan3A_639, %select_n3A_796 : vector<16xi1>, vector<16xf32>
            %select_n3A_814 = arith.select %gt3A_810, %get3A_809, %select_n3A_797 : vector<16xi1>, vector<16xi32>
            %swap3A_815 = arith.constant 5 : i32
            %swap3A_816 = arith.constant 1 : i32
            %swap3A_817 = arith.index_cast %swap3A_815 : i32 to index
            %swap3A_818 = arith.index_cast %swap3A_816 : i32 to index
            %swap3A_819 = arith.constant 0 : index
            %swap3A_820 = tpu.vector_load %arg6[%swap3A_817, %swap3A_818, %swap3A_819] {strides = array<i32>} : memref<8x4x16xi32, #tpu.memory_space<vmem>>, vector<16xi32>,
            tpu.vector_store %arg6[%swap3A_817, %swap3A_818, %swap3A_819], %select_n3A_812 {strides = array<i32>} : memref<8x4x16xi32, #tpu.memory_space<vmem>>, vector<16xi32>,
            %get3A_821 = arith.constant 5 : i32
            %get3A_822 = arith.constant 2 : i32
            %get3A_823 = arith.index_cast %get3A_821 : i32 to index
            %get3A_824 = arith.index_cast %get3A_822 : i32 to index
            %get3A_825 = arith.constant 0 : index
            %get3A_826 = tpu.vector_load %arg6[%get3A_823, %get3A_824, %get3A_825] {strides = array<i32>} : memref<8x4x16xi32, #tpu.memory_space<vmem>>, vector<16xi32>,
            %gt3A_827 = arith.cmpf ogt, %select_n3A_813, %scan3A_640 : vector<16xf32>
            %select_n3A_828 = arith.select %gt3A_827, %select_n3A_813, %scan3A_640 : vector<16xi1>, vector<16xf32>
            %select_n3A_829 = arith.select %gt3A_827, %select_n3A_814, %get3A_826 : vector<16xi1>, vector<16xi32>
            %select_n3A_830 = arith.select %gt3A_827, %scan3A_640, %select_n3A_813 : vector<16xi1>, vector<16xf32>
            %select_n3A_831 = arith.select %gt3A_827, %get3A_826, %select_n3A_814 : vector<16xi1>, vector<16xi32>
            %swap3A_832 = arith.constant 5 : i32
            %swap3A_833 = arith.constant 2 : i32
            %swap3A_834 = arith.index_cast %swap3A_832 : i32 to index
            %swap3A_835 = arith.index_cast %swap3A_833 : i32 to index
            %swap3A_836 = arith.constant 0 : index
            %swap3A_837 = tpu.vector_load %arg6[%swap3A_834, %swap3A_835, %swap3A_836] {strides = array<i32>} : memref<8x4x16xi32, #tpu.memory_space<vmem>>, vector<16xi32>,
            tpu.vector_store %arg6[%swap3A_834, %swap3A_835, %swap3A_836], %select_n3A_829 {strides = array<i32>} : memref<8x4x16xi32, #tpu.memory_space<vmem>>, vector<16xi32>,
            %get3A_838 = arith.constant 5 : i32
            %get3A_839 = arith.constant 3 : i32
            %get3A_840 = arith.index_cast %get3A_838 : i32 to index
            %get3A_841 = arith.index_cast %get3A_839 : i32 to index
            %get3A_842 = arith.constant 0 : index
            %get3A_843 = tpu.vector_load %arg6[%get3A_840, %get3A_841, %get3A_842] {strides = array<i32>} : memref<8x4x16xi32, #tpu.memory_space<vmem>>, vector<16xi32>,
            %gt3A_844 = arith.cmpf ogt, %select_n3A_830, %scan3A_641 : vector<16xf32>
            %select_n3A_845 = arith.select %gt3A_844, %select_n3A_830, %scan3A_641 : vector<16xi1>, vector<16xf32>
            %select_n3A_846 = arith.select %gt3A_844, %select_n3A_831, %get3A_843 : vector<16xi1>, vector<16xi32>
            %select_n3A_847 = arith.select %gt3A_844, %scan3A_641, %select_n3A_830 : vector<16xi1>, vector<16xf32>
            %select_n3A_848 = arith.select %gt3A_844, %get3A_843, %select_n3A_831 : vector<16xi1>, vector<16xi32>
            %swap3A_849 = arith.constant 5 : i32
            %swap3A_850 = arith.constant 3 : i32
            %swap3A_851 = arith.index_cast %swap3A_849 : i32 to index
            %swap3A_852 = arith.index_cast %swap3A_850 : i32 to index
            %swap3A_853 = arith.constant 0 : index
            %swap3A_854 = tpu.vector_load %arg6[%swap3A_851, %swap3A_852, %swap3A_853] {strides = array<i32>} : memref<8x4x16xi32, #tpu.memory_space<vmem>>, vector<16xi32>,
            tpu.vector_store %arg6[%swap3A_851, %swap3A_852, %swap3A_853], %select_n3A_846 {strides = array<i32>} : memref<8x4x16xi32, #tpu.memory_space<vmem>>, vector<16xi32>,
            scf.yield %select_n3A_794, %select_n3A_811, %select_n3A_828, %select_n3A_845 : vector<16xf32>, vector<16xf32>, vector<16xf32>, vector<16xf32>
          } else {
            scf.yield %scan3A_638, %scan3A_639, %scan3A_640, %scan3A_641 : vector<16xf32>, vector<16xf32>, vector<16xf32>, vector<16xf32>
          }
          %gt3A_762 = arith.cmpf ogt, %get3A_680, %scan3A_645 : vector<16xf32>
          %all_reduce_population_count3A_763 = tpu.all_reduce %gt3A_762 {dim = 0 : i64, kind = #tpu.reduction_kind<sum>} : vector<16xi1> -> vector<16xi32>
          %slice3A_764 = vector.extract_strided_slice %all_reduce_population_count3A_763 {offsets = [0], sizes = [1], strides = [1]} : vector<16xi32> to vector<1xi32>
          %squeeze3A_765 = vector.extract %slice3A_764[0] : i32 from vector<1xi32>
          %gt3A_766 = arith.constant 0 : i32
          %gt3A_767 = arith.cmpi sgt, %squeeze3A_765, %gt3A_766 : i32
          %convert_element_type3A_768 = arith.extui %gt3A_767 : i1 to i32
          %cond3A_769 = arith.constant 0 : i32
          %cond3A_770 = arith.cmpi ne, %convert_element_type3A_768, %cond3A_769 : i32
          %cond3A_771:4 = scf.if %cond3A_770 -> (vector<16xf32>, vector<16xf32>, vector<16xf32>, vector<16xf32>) {
            %mul3A_782 = arith.constant 0 : i32
            %mul3A_783 = vector.broadcast %mul3A_782 : i32 to vector<16xi32>
            %mul3A_784 = arith.muli %iota3A, %mul3A_783 : vector<16xi32>
            %add3A_785 = vector.broadcast %add3A_652 : i32 to vector<16xi32>
            %add3A_786 = arith.addi %mul3A_784, %add3A_785 : vector<16xi32>
            %get3A_787 = arith.constant 6 : i32
            %get3A_788 = arith.constant 0 : i32
            %get3A_789 = arith.index_cast %get3A_787 : i32 to index
            %get3A_790 = arith.index_cast %get3A_788 : i32 to index
            %get3A_791 = arith.constant 0 : index
            %get3A_792 = tpu.vector_load %arg6[%get3A_789, %get3A_790, %get3A_791] {strides = array<i32>} : memref<8x4x16xi32, #tpu.memory_space<vmem>>, vector<16xi32>,
            %gt3A_793 = arith.cmpf ogt, %get3A_680, %scan3A_642 : vector<16xf32>
            %select_n3A_794 = arith.select %gt3A_793, %get3A_680, %scan3A_642 : vector<16xi1>, vector<16xf32>
            %select_n3A_795 = arith.select %gt3A_793, %add3A_786, %get3A_792 : vector<16xi1>, vector<16xi32>
            %select_n3A_796 = arith.select %gt3A_793, %scan3A_642, %get3A_680 : vector<16xi1>, vector<16xf32>
            %select_n3A_797 = arith.select %gt3A_793, %get3A_792, %add3A_786 : vector<16xi1>, vector<16xi32>
            %swap3A_798 = arith.constant 6 : i32
            %swap3A_799 = arith.constant 0 : i32
            %swap3A_800 = arith.index_cast %swap3A_798 : i32 to index
            %swap3A_801 = arith.index_cast %swap3A_799 : i32 to index
            %swap3A_802 = arith.constant 0 : index
            %swap3A_803 = tpu.vector_load %arg6[%swap3A_800, %swap3A_801, %swap3A_802] {strides = array<i32>} : memref<8x4x16xi32, #tpu.memory_space<vmem>>, vector<16xi32>,
            tpu.vector_store %arg6[%swap3A_800, %swap3A_801, %swap3A_802], %select_n3A_795 {strides = array<i32>} : memref<8x4x16xi32, #tpu.memory_space<vmem>>, vector<16xi32>,
            %get3A_804 = arith.constant 6 : i32
            %get3A_805 = arith.constant 1 : i32
            %get3A_806 = arith.index_cast %get3A_804 : i32 to index
            %get3A_807 = arith.index_cast %get3A_805 : i32 to index
            %get3A_808 = arith.constant 0 : index
            %get3A_809 = tpu.vector_load %arg6[%get3A_806, %get3A_807, %get3A_808] {strides = array<i32>} : memref<8x4x16xi32, #tpu.memory_space<vmem>>, vector<16xi32>,
            %gt3A_810 = arith.cmpf ogt, %select_n3A_796, %scan3A_643 : vector<16xf32>
            %select_n3A_811 = arith.select %gt3A_810, %select_n3A_796, %scan3A_643 : vector<16xi1>, vector<16xf32>
            %select_n3A_812 = arith.select %gt3A_810, %select_n3A_797, %get3A_809 : vector<16xi1>, vector<16xi32>
            %select_n3A_813 = arith.select %gt3A_810, %scan3A_643, %select_n3A_796 : vector<16xi1>, vector<16xf32>
            %select_n3A_814 = arith.select %gt3A_810, %get3A_809, %select_n3A_797 : vector<16xi1>, vector<16xi32>
            %swap3A_815 = arith.constant 6 : i32
            %swap3A_816 = arith.constant 1 : i32
            %swap3A_817 = arith.index_cast %swap3A_815 : i32 to index
            %swap3A_818 = arith.index_cast %swap3A_816 : i32 to index
            %swap3A_819 = arith.constant 0 : index
            %swap3A_820 = tpu.vector_load %arg6[%swap3A_817, %swap3A_818, %swap3A_819] {strides = array<i32>} : memref<8x4x16xi32, #tpu.memory_space<vmem>>, vector<16xi32>,
            tpu.vector_store %arg6[%swap3A_817, %swap3A_818, %swap3A_819], %select_n3A_812 {strides = array<i32>} : memref<8x4x16xi32, #tpu.memory_space<vmem>>, vector<16xi32>,
            %get3A_821 = arith.constant 6 : i32
            %get3A_822 = arith.constant 2 : i32
            %get3A_823 = arith.index_cast %get3A_821 : i32 to index
            %get3A_824 = arith.index_cast %get3A_822 : i32 to index
            %get3A_825 = arith.constant 0 : index
            %get3A_826 = tpu.vector_load %arg6[%get3A_823, %get3A_824, %get3A_825] {strides = array<i32>} : memref<8x4x16xi32, #tpu.memory_space<vmem>>, vector<16xi32>,
            %gt3A_827 = arith.cmpf ogt, %select_n3A_813, %scan3A_644 : vector<16xf32>
            %select_n3A_828 = arith.select %gt3A_827, %select_n3A_813, %scan3A_644 : vector<16xi1>, vector<16xf32>
            %select_n3A_829 = arith.select %gt3A_827, %select_n3A_814, %get3A_826 : vector<16xi1>, vector<16xi32>
            %select_n3A_830 = arith.select %gt3A_827, %scan3A_644, %select_n3A_813 : vector<16xi1>, vector<16xf32>
            %select_n3A_831 = arith.select %gt3A_827, %get3A_826, %select_n3A_814 : vector<16xi1>, vector<16xi32>
            %swap3A_832 = arith.constant 6 : i32
            %swap3A_833 = arith.constant 2 : i32
            %swap3A_834 = arith.index_cast %swap3A_832 : i32 to index
            %swap3A_835 = arith.index_cast %swap3A_833 : i32 to index
            %swap3A_836 = arith.constant 0 : index
            %swap3A_837 = tpu.vector_load %arg6[%swap3A_834, %swap3A_835, %swap3A_836] {strides = array<i32>} : memref<8x4x16xi32, #tpu.memory_space<vmem>>, vector<16xi32>,
            tpu.vector_store %arg6[%swap3A_834, %swap3A_835, %swap3A_836], %select_n3A_829 {strides = array<i32>} : memref<8x4x16xi32, #tpu.memory_space<vmem>>, vector<16xi32>,
            %get3A_838 = arith.constant 6 : i32
            %get3A_839 = arith.constant 3 : i32
            %get3A_840 = arith.index_cast %get3A_838 : i32 to index
            %get3A_841 = arith.index_cast %get3A_839 : i32 to index
            %get3A_842 = arith.constant 0 : index
            %get3A_843 = tpu.vector_load %arg6[%get3A_840, %get3A_841, %get3A_842] {strides = array<i32>} : memref<8x4x16xi32, #tpu.memory_space<vmem>>, vector<16xi32>,
            %gt3A_844 = arith.cmpf ogt, %select_n3A_830, %scan3A_645 : vector<16xf32>
            %select_n3A_845 = arith.select %gt3A_844, %select_n3A_830, %scan3A_645 : vector<16xi1>, vector<16xf32>
            %select_n3A_846 = arith.select %gt3A_844, %select_n3A_831, %get3A_843 : vector<16xi1>, vector<16xi32>
            %select_n3A_847 = arith.select %gt3A_844, %scan3A_645, %select_n3A_830 : vector<16xi1>, vector<16xf32>
            %select_n3A_848 = arith.select %gt3A_844, %get3A_843, %select_n3A_831 : vector<16xi1>, vector<16xi32>
            %swap3A_849 = arith.constant 6 : i32
            %swap3A_850 = arith.constant 3 : i32
            %swap3A_851 = arith.index_cast %swap3A_849 : i32 to index
            %swap3A_852 = arith.index_cast %swap3A_850 : i32 to index
            %swap3A_853 = arith.constant 0 : index
            %swap3A_854 = tpu.vector_load %arg6[%swap3A_851, %swap3A_852, %swap3A_853] {strides = array<i32>} : memref<8x4x16xi32, #tpu.memory_space<vmem>>, vector<16xi32>,
            tpu.vector_store %arg6[%swap3A_851, %swap3A_852, %swap3A_853], %select_n3A_846 {strides = array<i32>} : memref<8x4x16xi32, #tpu.memory_space<vmem>>, vector<16xi32>,
            scf.yield %select_n3A_794, %select_n3A_811, %select_n3A_828, %select_n3A_845 : vector<16xf32>, vector<16xf32>, vector<16xf32>, vector<16xf32>
          } else {
            scf.yield %scan3A_642, %scan3A_643, %scan3A_644, %scan3A_645 : vector<16xf32>, vector<16xf32>, vector<16xf32>, vector<16xf32>
          }
          %gt3A_772 = arith.cmpf ogt, %get3A_684, %scan3A_649 : vector<16xf32>
          %all_reduce_population_count3A_773 = tpu.all_reduce %gt3A_772 {dim = 0 : i64, kind = #tpu.reduction_kind<sum>} : vector<16xi1> -> vector<16xi32>
          %slice3A_774 = vector.extract_strided_slice %all_reduce_population_count3A_773 {offsets = [0], sizes = [1], strides = [1]} : vector<16xi32> to vector<1xi32>
          %squeeze3A_775 = vector.extract %slice3A_774[0] : i32 from vector<1xi32>
          %gt3A_776 = arith.constant 0 : i32
          %gt3A_777 = arith.cmpi sgt, %squeeze3A_775, %gt3A_776 : i32
          %convert_element_type3A_778 = arith.extui %gt3A_777 : i1 to i32
          %cond3A_779 = arith.constant 0 : i32
          %cond3A_780 = arith.cmpi ne, %convert_element_type3A_778, %cond3A_779 : i32
          %cond3A_781:4 = scf.if %cond3A_780 -> (vector<16xf32>, vector<16xf32>, vector<16xf32>, vector<16xf32>) {
            %mul3A_782 = arith.constant 0 : i32
            %mul3A_783 = vector.broadcast %mul3A_782 : i32 to vector<16xi32>
            %mul3A_784 = arith.muli %iota3A, %mul3A_783 : vector<16xi32>
            %add3A_785 = vector.broadcast %add3A_652 : i32 to vector<16xi32>
            %add3A_786 = arith.addi %mul3A_784, %add3A_785 : vector<16xi32>
            %get3A_787 = arith.constant 7 : i32
            %get3A_788 = arith.constant 0 : i32
            %get3A_789 = arith.index_cast %get3A_787 : i32 to index
            %get3A_790 = arith.index_cast %get3A_788 : i32 to index
            %get3A_791 = arith.constant 0 : index
            %get3A_792 = tpu.vector_load %arg6[%get3A_789, %get3A_790, %get3A_791] {strides = array<i32>} : memref<8x4x16xi32, #tpu.memory_space<vmem>>, vector<16xi32>,
            %gt3A_793 = arith.cmpf ogt, %get3A_684, %scan3A_646 : vector<16xf32>
            %select_n3A_794 = arith.select %gt3A_793, %get3A_684, %scan3A_646 : vector<16xi1>, vector<16xf32>
            %select_n3A_795 = arith.select %gt3A_793, %add3A_786, %get3A_792 : vector<16xi1>, vector<16xi32>
            %select_n3A_796 = arith.select %gt3A_793, %scan3A_646, %get3A_684 : vector<16xi1>, vector<16xf32>
            %select_n3A_797 = arith.select %gt3A_793, %get3A_792, %add3A_786 : vector<16xi1>, vector<16xi32>
            %swap3A_798 = arith.constant 7 : i32
            %swap3A_799 = arith.constant 0 : i32
            %swap3A_800 = arith.index_cast %swap3A_798 : i32 to index
            %swap3A_801 = arith.index_cast %swap3A_799 : i32 to index
            %swap3A_802 = arith.constant 0 : index
            %swap3A_803 = tpu.vector_load %arg6[%swap3A_800, %swap3A_801, %swap3A_802] {strides = array<i32>} : memref<8x4x16xi32, #tpu.memory_space<vmem>>, vector<16xi32>,
            tpu.vector_store %arg6[%swap3A_800, %swap3A_801, %swap3A_802], %select_n3A_795 {strides = array<i32>} : memref<8x4x16xi32, #tpu.memory_space<vmem>>, vector<16xi32>,
            %get3A_804 = arith.constant 7 : i32
            %get3A_805 = arith.constant 1 : i32
            %get3A_806 = arith.index_cast %get3A_804 : i32 to index
            %get3A_807 = arith.index_cast %get3A_805 : i32 to index
            %get3A_808 = arith.constant 0 : index
            %get3A_809 = tpu.vector_load %arg6[%get3A_806, %get3A_807, %get3A_808] {strides = array<i32>} : memref<8x4x16xi32, #tpu.memory_space<vmem>>, vector<16xi32>,
            %gt3A_810 = arith.cmpf ogt, %select_n3A_796, %scan3A_647 : vector<16xf32>
            %select_n3A_811 = arith.select %gt3A_810, %select_n3A_796, %scan3A_647 : vector<16xi1>, vector<16xf32>
            %select_n3A_812 = arith.select %gt3A_810, %select_n3A_797, %get3A_809 : vector<16xi1>, vector<16xi32>
            %select_n3A_813 = arith.select %gt3A_810, %scan3A_647, %select_n3A_796 : vector<16xi1>, vector<16xf32>
            %select_n3A_814 = arith.select %gt3A_810, %get3A_809, %select_n3A_797 : vector<16xi1>, vector<16xi32>
            %swap3A_815 = arith.constant 7 : i32
            %swap3A_816 = arith.constant 1 : i32
            %swap3A_817 = arith.index_cast %swap3A_815 : i32 to index
            %swap3A_818 = arith.index_cast %swap3A_816 : i32 to index
            %swap3A_819 = arith.constant 0 : index
            %swap3A_820 = tpu.vector_load %arg6[%swap3A_817, %swap3A_818, %swap3A_819] {strides = array<i32>} : memref<8x4x16xi32, #tpu.memory_space<vmem>>, vector<16xi32>,
            tpu.vector_store %arg6[%swap3A_817, %swap3A_818, %swap3A_819], %select_n3A_812 {strides = array<i32>} : memref<8x4x16xi32, #tpu.memory_space<vmem>>, vector<16xi32>,
            %get3A_821 = arith.constant 7 : i32
            %get3A_822 = arith.constant 2 : i32
            %get3A_823 = arith.index_cast %get3A_821 : i32 to index
            %get3A_824 = arith.index_cast %get3A_822 : i32 to index
            %get3A_825 = arith.constant 0 : index
            %get3A_826 = tpu.vector_load %arg6[%get3A_823, %get3A_824, %get3A_825] {strides = array<i32>} : memref<8x4x16xi32, #tpu.memory_space<vmem>>, vector<16xi32>,
            %gt3A_827 = arith.cmpf ogt, %select_n3A_813, %scan3A_648 : vector<16xf32>
            %select_n3A_828 = arith.select %gt3A_827, %select_n3A_813, %scan3A_648 : vector<16xi1>, vector<16xf32>
            %select_n3A_829 = arith.select %gt3A_827, %select_n3A_814, %get3A_826 : vector<16xi1>, vector<16xi32>
            %select_n3A_830 = arith.select %gt3A_827, %scan3A_648, %select_n3A_813 : vector<16xi1>, vector<16xf32>
            %select_n3A_831 = arith.select %gt3A_827, %get3A_826, %select_n3A_814 : vector<16xi1>, vector<16xi32>
            %swap3A_832 = arith.constant 7 : i32
            %swap3A_833 = arith.constant 2 : i32
            %swap3A_834 = arith.index_cast %swap3A_832 : i32 to index
            %swap3A_835 = arith.index_cast %swap3A_833 : i32 to index
            %swap3A_836 = arith.constant 0 : index
            %swap3A_837 = tpu.vector_load %arg6[%swap3A_834, %swap3A_835, %swap3A_836] {strides = array<i32>} : memref<8x4x16xi32, #tpu.memory_space<vmem>>, vector<16xi32>,
            tpu.vector_store %arg6[%swap3A_834, %swap3A_835, %swap3A_836], %select_n3A_829 {strides = array<i32>} : memref<8x4x16xi32, #tpu.memory_space<vmem>>, vector<16xi32>,
            %get3A_838 = arith.constant 7 : i32
            %get3A_839 = arith.constant 3 : i32
            %get3A_840 = arith.index_cast %get3A_838 : i32 to index
            %get3A_841 = arith.index_cast %get3A_839 : i32 to index
            %get3A_842 = arith.constant 0 : index
            %get3A_843 = tpu.vector_load %arg6[%get3A_840, %get3A_841, %get3A_842] {strides = array<i32>} : memref<8x4x16xi32, #tpu.memory_space<vmem>>, vector<16xi32>,
            %gt3A_844 = arith.cmpf ogt, %select_n3A_830, %scan3A_649 : vector<16xf32>
            %select_n3A_845 = arith.select %gt3A_844, %select_n3A_830, %scan3A_649 : vector<16xi1>, vector<16xf32>
            %select_n3A_846 = arith.select %gt3A_844, %select_n3A_831, %get3A_843 : vector<16xi1>, vector<16xi32>
            %select_n3A_847 = arith.select %gt3A_844, %scan3A_649, %select_n3A_830 : vector<16xi1>, vector<16xf32>
            %select_n3A_848 = arith.select %gt3A_844, %get3A_843, %select_n3A_831 : vector<16xi1>, vector<16xi32>
            %swap3A_849 = arith.constant 7 : i32
            %swap3A_850 = arith.constant 3 : i32
            %swap3A_851 = arith.index_cast %swap3A_849 : i32 to index
            %swap3A_852 = arith.index_cast %swap3A_850 : i32 to index
            %swap3A_853 = arith.constant 0 : index
            %swap3A_854 = tpu.vector_load %arg6[%swap3A_851, %swap3A_852, %swap3A_853] {strides = array<i32>} : memref<8x4x16xi32, #tpu.memory_space<vmem>>, vector<16xi32>,
            tpu.vector_store %arg6[%swap3A_851, %swap3A_852, %swap3A_853], %select_n3A_846 {strides = array<i32>} : memref<8x4x16xi32, #tpu.memory_space<vmem>>, vector<16xi32>,
            scf.yield %select_n3A_794, %select_n3A_811, %select_n3A_828, %select_n3A_845 : vector<16xf32>, vector<16xf32>, vector<16xf32>, vector<16xf32>
          } else {
            scf.yield %scan3A_646, %scan3A_647, %scan3A_648, %scan3A_649 : vector<16xf32>, vector<16xf32>, vector<16xf32>, vector<16xf32>
          }
          scf.yield %cond3A_711#0, %cond3A_711#1, %cond3A_711#2, %cond3A_711#3, %cond3A_721#0, %cond3A_721#1, %cond3A_721#2, %cond3A_721#3, %cond3A_731#0, %cond3A_731#1, %cond3A_731#2, %cond3A_731#3, %cond3A_741#0, %cond3A_741#1, %cond3A_741#2, %cond3A_741#3, %cond3A_751#0, %cond3A_751#1, %cond3A_751#2, %cond3A_751#3, %cond3A_761#0, %cond3A_761#1, %cond3A_761#2, %cond3A_761#3, %cond3A_771#0, %cond3A_771#1, %cond3A_771#2, %cond3A_771#3, %cond3A_781#0, %cond3A_781#1, %cond3A_781#2, %cond3A_781#3 : vector<16xf32>, vector<16xf32>, vector<16xf32>, vector<16xf32>, vector<16xf32>, vector<16xf32>, vector<16xf32>, vector<16xf32>, vector<16xf32>, vector<16xf32>, vector<16xf32>, vector<16xf32>, vector<16xf32>, vector<16xf32>, vector<16xf32>, vector<16xf32>, vector<16xf32>, vector<16xf32>, vector<16xf32>, vector<16xf32>, vector<16xf32>, vector<16xf32>, vector<16xf32>, vector<16xf32>, vector<16xf32>, vector<16xf32>, vector<16xf32>, vector<16xf32>, vector<16xf32>, vector<16xf32>, vector<16xf32>, vector<16xf32>
        } else {
          scf.yield %scan3A_618, %scan3A_619, %scan3A_620, %scan3A_621, %scan3A_622, %scan3A_623, %scan3A_624, %scan3A_625, %scan3A_626, %scan3A_627, %scan3A_628, %scan3A_629, %scan3A_630, %scan3A_631, %scan3A_632, %scan3A_633, %scan3A_634, %scan3A_635, %scan3A_636, %scan3A_637, %scan3A_638, %scan3A_639, %scan3A_640, %scan3A_641, %scan3A_642, %scan3A_643, %scan3A_644, %scan3A_645, %scan3A_646, %scan3A_647, %scan3A_648, %scan3A_649 : vector<16xf32>, vector<16xf32>, vector<16xf32>, vector<16xf32>, vector<16xf32>, vector<16xf32>, vector<16xf32>, vector<16xf32>, vector<16xf32>, vector<16xf32>, vector<16xf32>, vector<16xf32>, vector<16xf32>, vector<16xf32>, vector<16xf32>, vector<16xf32>, vector<16xf32>, vector<16xf32>, vector<16xf32>, vector<16xf32>, vector<16xf32>, vector<16xf32>, vector<16xf32>, vector<16xf32>, vector<16xf32>, vector<16xf32>, vector<16xf32>, vector<16xf32>, vector<16xf32>, vector<16xf32>, vector<16xf32>, vector<16xf32>
        }
        scf.yield %cond3A_701#0, %cond3A_701#1, %cond3A_701#2, %cond3A_701#3, %cond3A_701#4, %cond3A_701#5, %cond3A_701#6, %cond3A_701#7, %cond3A_701#8, %cond3A_701#9, %cond3A_701#10, %cond3A_701#11, %cond3A_701#12, %cond3A_701#13, %cond3A_701#14, %cond3A_701#15, %cond3A_701#16, %cond3A_701#17, %cond3A_701#18, %cond3A_701#19, %cond3A_701#20, %cond3A_701#21, %cond3A_701#22, %cond3A_701#23, %cond3A_701#24, %cond3A_701#25, %cond3A_701#26, %cond3A_701#27, %cond3A_701#28, %cond3A_701#29, %cond3A_701#30, %cond3A_701#31 : vector<16xf32>, vector<16xf32>, vector<16xf32>, vector<16xf32>, vector<16xf32>, vector<16xf32>, vector<16xf32>, vector<16xf32>, vector<16xf32>, vector<16xf32>, vector<16xf32>, vector<16xf32>, vector<16xf32>, vector<16xf32>, vector<16xf32>, vector<16xf32>, vector<16xf32>, vector<16xf32>, vector<16xf32>, vector<16xf32>, vector<16xf32>, vector<16xf32>, vector<16xf32>, vector<16xf32>, vector<16xf32>, vector<16xf32>, vector<16xf32>, vector<16xf32>, vector<16xf32>, vector<16xf32>, vector<16xf32>, vector<16xf32>
      }
      %scan3A_616 = arith.constant 400 : i32
      scf.yield %scan3A_615#0, %scan3A_615#1, %scan3A_615#2, %scan3A_615#3, %scan3A_615#4, %scan3A_615#5, %scan3A_615#6, %scan3A_615#7, %scan3A_615#8, %scan3A_615#9, %scan3A_615#10, %scan3A_615#11, %scan3A_615#12, %scan3A_615#13, %scan3A_615#14, %scan3A_615#15, %scan3A_615#16, %scan3A_615#17, %scan3A_615#18, %scan3A_615#19, %scan3A_615#20, %scan3A_615#21, %scan3A_615#22, %scan3A_615#23, %scan3A_615#24, %scan3A_615#25, %scan3A_615#26, %scan3A_615#27, %scan3A_615#28, %scan3A_615#29, %scan3A_615#30, %scan3A_615#31 : vector<16xf32>, vector<16xf32>, vector<16xf32>, vector<16xf32>, vector<16xf32>, vector<16xf32>, vector<16xf32>, vector<16xf32>, vector<16xf32>, vector<16xf32>, vector<16xf32>, vector<16xf32>, vector<16xf32>, vector<16xf32>, vector<16xf32>, vector<16xf32>, vector<16xf32>, vector<16xf32>, vector<16xf32>, vector<16xf32>, vector<16xf32>, vector<16xf32>, vector<16xf32>, vector<16xf32>, vector<16xf32>, vector<16xf32>, vector<16xf32>, vector<16xf32>, vector<16xf32>, vector<16xf32>, vector<16xf32>, vector<16xf32>
    }
    %while3A_73 = arith.constant 1 : i32
    %while3A_74:32 = scf.for %while3A_537 = %while3A_70 to %while3A_66 step %while3A_73 iter_args(%while3A_538 = %while3A_72#0, %while3A_539 = %while3A_72#1, %while3A_540 = %while3A_72#2, %while3A_541 = %while3A_72#3, %while3A_542 = %while3A_72#4, %while3A_543 = %while3A_72#5, %while3A_544 = %while3A_72#6, %while3A_545 = %while3A_72#7, %while3A_546 = %while3A_72#8, %while3A_547 = %while3A_72#9, %while3A_548 = %while3A_72#10, %while3A_549 = %while3A_72#11, %while3A_550 = %while3A_72#12, %while3A_551 = %while3A_72#13, %while3A_552 = %while3A_72#14, %while3A_553 = %while3A_72#15, %while3A_554 = %while3A_72#16, %while3A_555 = %while3A_72#17, %while3A_556 = %while3A_72#18, %while3A_557 = %while3A_72#19, %while3A_558 = %while3A_72#20, %while3A_559 = %while3A_72#21, %while3A_560 = %while3A_72#22, %while3A_561 = %while3A_72#23, %while3A_562 = %while3A_72#24, %while3A_563 = %while3A_72#25, %while3A_564 = %while3A_72#26, %while3A_565 = %while3A_72#27, %while3A_566 = %while3A_72#28, %while3A_567 = %while3A_72#29, %while3A_568 = %while3A_72#30, %while3A_569 = %while3A_72#31) -> (vector<16xf32>, vector<16xf32>, vector<16xf32>, vector<16xf32>, vector<16xf32>, vector<16xf32>, vector<16xf32>, vector<16xf32>, vector<16xf32>, vector<16xf32>, vector<16xf32>, vector<16xf32>, vector<16xf32>, vector<16xf32>, vector<16xf32>, vector<16xf32>, vector<16xf32>, vector<16xf32>, vector<16xf32>, vector<16xf32>, vector<16xf32>, vector<16xf32>, vector<16xf32>, vector<16xf32>, vector<16xf32>, vector<16xf32>, vector<16xf32>, vector<16xf32>, vector<16xf32>, vector<16xf32>, vector<16xf32>, vector<16xf32>)  : i32 {
      %mul3A_570 = arith.constant 8 : i32
      %mul3A_571 = arith.muli %mul3A_570, %while3A_537 : i32
      %add3A_572 = arith.addi %sub3A_19, %mul3A_571 : i32
      %rem3A_573 = arith.constant 2 : i32
      %rem3A_574 = arith.remsi %while3A_537, %rem3A_573 : i32
      %add3A_575 = arith.constant 8 : i32
      %add3A_576 = arith.addi %add3A_572, %add3A_575 : i32
      %min3A = arith.constant 249 : i32
      %min3A_577 = arith.minsi %add3A_576, %min3A : i32
      %mul3A_578 = arith.constant 400 : i32
      %mul3A_579 = arith.muli %min3A_577, %mul3A_578 : i32
      %sub3A_580 = arith.constant 1 : i32
      %sub3A_581 = arith.subi %sub3A_580, %rem3A_574 : i32
      %dma_start3A_582 = arith.constant 0 : i32
      %dma_start3A_583 = arith.constant 0 : i32
      %dma_start3A_584 = tpu.memref_slice %arg5[%sub3A_581, %dma_start3A_582, %dma_start3A_583] : memref<2x400x128xf32, #tpu.memory_space<vmem>> -> memref<1x400x128xf32, #tpu.memory_space<vmem>>
      %dma_start3A_585 = tpu.memref_squeeze %dma_start3A_584 : memref<1x400x128xf32, #tpu.memory_space<vmem>> -> memref<400x128xf32, #tpu.memory_space<vmem>>
      %dma_start3A_586 = arith.constant 0 : i32
      %dma_start3A_587 = tpu.memref_slice %arg2[%select_n3A, %mul3A_579, %dma_start3A_586] : memref<4x100000x128xf32, #tpu.memory_space<hbm>> -> memref<1x400x128xf32, #tpu.memory_space<hbm>>
      %dma_start3A_588 = tpu.memref_squeeze %dma_start3A_587 : memref<1x400x128xf32, #tpu.memory_space<hbm>> -> memref<400x128xf32, #tpu.memory_space<hbm>>
      %dma_start3A_589 = arith.constant 0 : i32
      %dma_start3A_590 = arith.constant 0 : i32
      %dma_start3A_591 = tpu.memref_slice %arg5[%sub3A_581, %dma_start3A_589, %dma_start3A_590] : memref<2x400x128xf32, #tpu.memory_space<vmem>> -> memref<1x400x128xf32, #tpu.memory_space<vmem>>
      %dma_start3A_592 = tpu.memref_squeeze %dma_start3A_591 : memref<1x400x128xf32, #tpu.memory_space<vmem>> -> memref<400x128xf32, #tpu.memory_space<vmem>>
      %dma_start3A_593 = arith.constant 0 : i32
      %dma_start3A_594 = tpu.memref_slice %arg2[%select_n3A, %mul3A_579, %dma_start3A_593] : memref<4x100000x128xf32, #tpu.memory_space<hbm>> -> memref<1x400x128xf32, #tpu.memory_space<hbm>>
      %dma_start3A_595 = tpu.memref_squeeze %dma_start3A_594 : memref<1x400x128xf32, #tpu.memory_space<hbm>> -> memref<400x128xf32, #tpu.memory_space<hbm>>
      tpu.enqueue_dma source(%dma_start3A_595 : memref<400x128xf32, #tpu.memory_space<hbm>>) target(%dma_start3A_592 : memref<400x128xf32, #tpu.memory_space<vmem>>) target_semaphore(%arg9 : memref<!tpu.dma_semaphore, #tpu.memory_space<semaphore_mem>>)
      %mul3A_596 = arith.constant 400 : i32
      %mul3A_597 = arith.muli %add3A_572, %mul3A_596 : i32
      %dma_wait3A_598 = arith.constant 0 : i32
      %dma_wait3A_599 = arith.constant 0 : i32
      %dma_wait3A_600 = tpu.memref_slice %arg5[%rem3A_574, %dma_wait3A_598, %dma_wait3A_599] : memref<2x400x128xf32, #tpu.memory_space<vmem>> -> memref<1x400x128xf32, #tpu.memory_space<vmem>>
      %dma_wait3A_601 = tpu.memref_squeeze %dma_wait3A_600 : memref<1x400x128xf32, #tpu.memory_space<vmem>> -> memref<400x128xf32, #tpu.memory_space<vmem>>
      %dma_wait3A_602 = arith.constant 0 : i32
      %dma_wait3A_603 = tpu.memref_slice %arg2[%select_n3A, %mul3A_597, %dma_wait3A_602] : memref<4x100000x128xf32, #tpu.memory_space<hbm>> -> memref<1x400x128xf32, #tpu.memory_space<hbm>>
      %dma_wait3A_604 = tpu.memref_squeeze %dma_wait3A_603 : memref<1x400x128xf32, #tpu.memory_space<hbm>> -> memref<400x128xf32, #tpu.memory_space<hbm>>
      %dma_wait3A_605 = arith.constant 0 : i32
      %dma_wait3A_606 = arith.constant 0 : i32
      %dma_wait3A_607 = tpu.memref_slice %arg5[%rem3A_574, %dma_wait3A_605, %dma_wait3A_606] : memref<2x400x128xf32, #tpu.memory_space<vmem>> -> memref<1x400x128xf32, #tpu.memory_space<vmem>>
      %dma_wait3A_608 = tpu.memref_squeeze %dma_wait3A_607 : memref<1x400x128xf32, #tpu.memory_space<vmem>> -> memref<400x128xf32, #tpu.memory_space<vmem>>
      %dma_wait3A_609 = arith.constant 0 : i32
      %dma_wait3A_610 = tpu.memref_slice %arg2[%select_n3A, %mul3A_597, %dma_wait3A_609] : memref<4x100000x128xf32, #tpu.memory_space<hbm>> -> memref<1x400x128xf32, #tpu.memory_space<hbm>>
      %dma_wait3A_611 = tpu.memref_squeeze %dma_wait3A_610 : memref<1x400x128xf32, #tpu.memory_space<hbm>> -> memref<400x128xf32, #tpu.memory_space<hbm>>
      tpu.wait_dma2 semaphore(%arg9 : memref<!tpu.dma_semaphore, #tpu.memory_space<semaphore_mem>>) src(%dma_wait3A_611 : memref<400x128xf32, #tpu.memory_space<hbm>>) dst(%dma_wait3A_608 : memref<400x128xf32, #tpu.memory_space<vmem>>)
      %scan3A = arith.constant 0 : i32
      %scan3A_612 = arith.constant 400 : i32
      %scan3A_613 = arith.addi %scan3A, %scan3A_612 : i32
      %scan3A_614 = arith.constant 1 : i32
      %scan3A_615:32 = scf.for %scan3A_617 = %scan3A to %scan3A_613 step %scan3A_614 iter_args(%scan3A_618 = %while3A_538, %scan3A_619 = %while3A_539, %scan3A_620 = %while3A_540, %scan3A_621 = %while3A_541, %scan3A_622 = %while3A_542, %scan3A_623 = %while3A_543, %scan3A_624 = %while3A_544, %scan3A_625 = %while3A_545, %scan3A_626 = %while3A_546, %scan3A_627 = %while3A_547, %scan3A_628 = %while3A_548, %scan3A_629 = %while3A_549, %scan3A_630 = %while3A_550, %scan3A_631 = %while3A_551, %scan3A_632 = %while3A_552, %scan3A_633 = %while3A_553, %scan3A_634 = %while3A_554, %scan3A_635 = %while3A_555, %scan3A_636 = %while3A_556, %scan3A_637 = %while3A_557, %scan3A_638 = %while3A_558, %scan3A_639 = %while3A_559, %scan3A_640 = %while3A_560, %scan3A_641 = %while3A_561, %scan3A_642 = %while3A_562, %scan3A_643 = %while3A_563, %scan3A_644 = %while3A_564, %scan3A_645 = %while3A_565, %scan3A_646 = %while3A_566, %scan3A_647 = %while3A_567, %scan3A_648 = %while3A_568, %scan3A_649 = %while3A_569) -> (vector<16xf32>, vector<16xf32>, vector<16xf32>, vector<16xf32>, vector<16xf32>, vector<16xf32>, vector<16xf32>, vector<16xf32>, vector<16xf32>, vector<16xf32>, vector<16xf32>, vector<16xf32>, vector<16xf32>, vector<16xf32>, vector<16xf32>, vector<16xf32>, vector<16xf32>, vector<16xf32>, vector<16xf32>, vector<16xf32>, vector<16xf32>, vector<16xf32>, vector<16xf32>, vector<16xf32>, vector<16xf32>, vector<16xf32>, vector<16xf32>, vector<16xf32>, vector<16xf32>, vector<16xf32>, vector<16xf32>, vector<16xf32>)  : i32 {
        %mul3A_650 = arith.constant 400 : i32
        %mul3A_651 = arith.muli %add3A_572, %mul3A_650 : i32
        %add3A_652 = arith.addi %mul3A_651, %scan3A_617 : i32
        %get3A_653 = arith.index_cast %rem3A_574 : i32 to index
        %get3A_654 = arith.index_cast %scan3A_617 : i32 to index
        %get3A_655 = arith.constant 0 : index
        %get3A_656 = tpu.vector_load %arg5[%get3A_653, %get3A_654, %get3A_655] {strides = array<i32>} : memref<2x400x128xf32, #tpu.memory_space<vmem>>, vector<16xf32>,
        %get3A_657 = arith.index_cast %rem3A_574 : i32 to index
        %get3A_658 = arith.index_cast %scan3A_617 : i32 to index
        %get3A_659 = arith.constant 16 : index
        %get3A_660 = tpu.vector_load %arg5[%get3A_657, %get3A_658, %get3A_659] {strides = array<i32>} : memref<2x400x128xf32, #tpu.memory_space<vmem>>, vector<16xf32>,
        %get3A_661 = arith.index_cast %rem3A_574 : i32 to index
        %get3A_662 = arith.index_cast %scan3A_617 : i32 to index
        %get3A_663 = arith.constant 32 : index
        %get3A_664 = tpu.vector_load %arg5[%get3A_661, %get3A_662, %get3A_663] {strides = array<i32>} : memref<2x400x128xf32, #tpu.memory_space<vmem>>, vector<16xf32>,
        %get3A_665 = arith.index_cast %rem3A_574 : i32 to index
        %get3A_666 = arith.index_cast %scan3A_617 : i32 to index
        %get3A_667 = arith.constant 48 : index
        %get3A_668 = tpu.vector_load %arg5[%get3A_665, %get3A_666, %get3A_667] {strides = array<i32>} : memref<2x400x128xf32, #tpu.memory_space<vmem>>, vector<16xf32>,
        %get3A_669 = arith.index_cast %rem3A_574 : i32 to index
        %get3A_670 = arith.index_cast %scan3A_617 : i32 to index
        %get3A_671 = arith.constant 64 : index
        %get3A_672 = tpu.vector_load %arg5[%get3A_669, %get3A_670, %get3A_671] {strides = array<i32>} : memref<2x400x128xf32, #tpu.memory_space<vmem>>, vector<16xf32>,
        %get3A_673 = arith.index_cast %rem3A_574 : i32 to index
        %get3A_674 = arith.index_cast %scan3A_617 : i32 to index
        %get3A_675 = arith.constant 80 : index
        %get3A_676 = tpu.vector_load %arg5[%get3A_673, %get3A_674, %get3A_675] {strides = array<i32>} : memref<2x400x128xf32, #tpu.memory_space<vmem>>, vector<16xf32>,
        %get3A_677 = arith.index_cast %rem3A_574 : i32 to index
        %get3A_678 = arith.index_cast %scan3A_617 : i32 to index
        %get3A_679 = arith.constant 96 : index
        %get3A_680 = tpu.vector_load %arg5[%get3A_677, %get3A_678, %get3A_679] {strides = array<i32>} : memref<2x400x128xf32, #tpu.memory_space<vmem>>, vector<16xf32>,
        %get3A_681 = arith.index_cast %rem3A_574 : i32 to index
        %get3A_682 = arith.index_cast %scan3A_617 : i32 to index
        %get3A_683 = arith.constant 112 : index
        %get3A_684 = tpu.vector_load %arg5[%get3A_681, %get3A_682, %get3A_683] {strides = array<i32>} : memref<2x400x128xf32, #tpu.memory_space<vmem>>, vector<16xf32>,
        %gt3A = arith.cmpf ogt, %get3A_656, %scan3A_621 : vector<16xf32>
        %gt3A_685 = arith.cmpf ogt, %get3A_660, %scan3A_625 : vector<16xf32>
        %gt3A_686 = arith.cmpf ogt, %get3A_664, %scan3A_629 : vector<16xf32>
        %gt3A_687 = arith.cmpf ogt, %get3A_668, %scan3A_633 : vector<16xf32>
        %gt3A_688 = arith.cmpf ogt, %get3A_672, %scan3A_637 : vector<16xf32>
        %gt3A_689 = arith.cmpf ogt, %get3A_676, %scan3A_641 : vector<16xf32>
        %gt3A_690 = arith.cmpf ogt, %get3A_680, %scan3A_645 : vector<16xf32>
        %gt3A_691 = arith.cmpf ogt, %get3A_684, %scan3A_649 : vector<16xf32>
        %or3A = arith.ori %gt3A, %gt3A_685 : vector<16xi1>
        %or3A_692 = arith.ori %gt3A_686, %gt3A_687 : vector<16xi1>
        %or3A_693 = arith.ori %gt3A_688, %gt3A_689 : vector<16xi1>
        %or3A_694 = arith.ori %gt3A_690, %gt3A_691 : vector<16xi1>
        %or3A_695 = arith.ori %or3A, %or3A_692 : vector<16xi1>
        %or3A_696 = arith.ori %or3A_693, %or3A_694 : vector<16xi1>
        %or3A_697 = arith.ori %or3A_695, %or3A_696 : vector<16xi1>
        %all_reduce_population_count3A = tpu.all_reduce %or3A_697 {dim = 0 : i64, kind = #tpu.reduction_kind<sum>} : vector<16xi1> -> vector<16xi32>
        %slice3A = vector.extract_strided_slice %all_reduce_population_count3A {offsets = [0], sizes = [1], strides = [1]} : vector<16xi32> to vector<1xi32>
        %squeeze3A = vector.extract %slice3A[0] : i32 from vector<1xi32>
        %gt3A_698 = arith.constant 0 : i32
        %gt3A_699 = arith.cmpi sgt, %squeeze3A, %gt3A_698 : i32
        %convert_element_type3A = arith.extui %gt3A_699 : i1 to i32
        %cond3A = arith.constant 0 : i32
        %cond3A_700 = arith.cmpi ne, %convert_element_type3A, %cond3A : i32
        %cond3A_701:32 = scf.if %cond3A_700 -> (vector<16xf32>, vector<16xf32>, vector<16xf32>, vector<16xf32>, vector<16xf32>, vector<16xf32>, vector<16xf32>, vector<16xf32>, vector<16xf32>, vector<16xf32>, vector<16xf32>, vector<16xf32>, vector<16xf32>, vector<16xf32>, vector<16xf32>, vector<16xf32>, vector<16xf32>, vector<16xf32>, vector<16xf32>, vector<16xf32>, vector<16xf32>, vector<16xf32>, vector<16xf32>, vector<16xf32>, vector<16xf32>, vector<16xf32>, vector<16xf32>, vector<16xf32>, vector<16xf32>, vector<16xf32>, vector<16xf32>, vector<16xf32>) {
          %gt3A_702 = arith.cmpf ogt, %get3A_656, %scan3A_621 : vector<16xf32>
          %all_reduce_population_count3A_703 = tpu.all_reduce %gt3A_702 {dim = 0 : i64, kind = #tpu.reduction_kind<sum>} : vector<16xi1> -> vector<16xi32>
          %slice3A_704 = vector.extract_strided_slice %all_reduce_population_count3A_703 {offsets = [0], sizes = [1], strides = [1]} : vector<16xi32> to vector<1xi32>
          %squeeze3A_705 = vector.extract %slice3A_704[0] : i32 from vector<1xi32>
          %gt3A_706 = arith.constant 0 : i32
          %gt3A_707 = arith.cmpi sgt, %squeeze3A_705, %gt3A_706 : i32
          %convert_element_type3A_708 = arith.extui %gt3A_707 : i1 to i32
          %cond3A_709 = arith.constant 0 : i32
          %cond3A_710 = arith.cmpi ne, %convert_element_type3A_708, %cond3A_709 : i32
          %cond3A_711:4 = scf.if %cond3A_710 -> (vector<16xf32>, vector<16xf32>, vector<16xf32>, vector<16xf32>) {
            %mul3A_782 = arith.constant 0 : i32
            %mul3A_783 = vector.broadcast %mul3A_782 : i32 to vector<16xi32>
            %mul3A_784 = arith.muli %iota3A, %mul3A_783 : vector<16xi32>
            %add3A_785 = vector.broadcast %add3A_652 : i32 to vector<16xi32>
            %add3A_786 = arith.addi %mul3A_784, %add3A_785 : vector<16xi32>
            %get3A_787 = arith.constant 0 : i32
            %get3A_788 = arith.constant 0 : i32
            %get3A_789 = arith.index_cast %get3A_787 : i32 to index
            %get3A_790 = arith.index_cast %get3A_788 : i32 to index
            %get3A_791 = arith.constant 0 : index
            %get3A_792 = tpu.vector_load %arg6[%get3A_789, %get3A_790, %get3A_791] {strides = array<i32>} : memref<8x4x16xi32, #tpu.memory_space<vmem>>, vector<16xi32>,
            %gt3A_793 = arith.cmpf ogt, %get3A_656, %scan3A_618 : vector<16xf32>
            %select_n3A_794 = arith.select %gt3A_793, %get3A_656, %scan3A_618 : vector<16xi1>, vector<16xf32>
            %select_n3A_795 = arith.select %gt3A_793, %add3A_786, %get3A_792 : vector<16xi1>, vector<16xi32>
            %select_n3A_796 = arith.select %gt3A_793, %scan3A_618, %get3A_656 : vector<16xi1>, vector<16xf32>
            %select_n3A_797 = arith.select %gt3A_793, %get3A_792, %add3A_786 : vector<16xi1>, vector<16xi32>
            %swap3A_798 = arith.constant 0 : i32
            %swap3A_799 = arith.constant 0 : i32
            %swap3A_800 = arith.index_cast %swap3A_798 : i32 to index
            %swap3A_801 = arith.index_cast %swap3A_799 : i32 to index
            %swap3A_802 = arith.constant 0 : index
            %swap3A_803 = tpu.vector_load %arg6[%swap3A_800, %swap3A_801, %swap3A_802] {strides = array<i32>} : memref<8x4x16xi32, #tpu.memory_space<vmem>>, vector<16xi32>,
            tpu.vector_store %arg6[%swap3A_800, %swap3A_801, %swap3A_802], %select_n3A_795 {strides = array<i32>} : memref<8x4x16xi32, #tpu.memory_space<vmem>>, vector<16xi32>,
            %get3A_804 = arith.constant 0 : i32
            %get3A_805 = arith.constant 1 : i32
            %get3A_806 = arith.index_cast %get3A_804 : i32 to index
            %get3A_807 = arith.index_cast %get3A_805 : i32 to index
            %get3A_808 = arith.constant 0 : index
            %get3A_809 = tpu.vector_load %arg6[%get3A_806, %get3A_807, %get3A_808] {strides = array<i32>} : memref<8x4x16xi32, #tpu.memory_space<vmem>>, vector<16xi32>,
            %gt3A_810 = arith.cmpf ogt, %select_n3A_796, %scan3A_619 : vector<16xf32>
            %select_n3A_811 = arith.select %gt3A_810, %select_n3A_796, %scan3A_619 : vector<16xi1>, vector<16xf32>
            %select_n3A_812 = arith.select %gt3A_810, %select_n3A_797, %get3A_809 : vector<16xi1>, vector<16xi32>
            %select_n3A_813 = arith.select %gt3A_810, %scan3A_619, %select_n3A_796 : vector<16xi1>, vector<16xf32>
            %select_n3A_814 = arith.select %gt3A_810, %get3A_809, %select_n3A_797 : vector<16xi1>, vector<16xi32>
            %swap3A_815 = arith.constant 0 : i32
            %swap3A_816 = arith.constant 1 : i32
            %swap3A_817 = arith.index_cast %swap3A_815 : i32 to index
            %swap3A_818 = arith.index_cast %swap3A_816 : i32 to index
            %swap3A_819 = arith.constant 0 : index
            %swap3A_820 = tpu.vector_load %arg6[%swap3A_817, %swap3A_818, %swap3A_819] {strides = array<i32>} : memref<8x4x16xi32, #tpu.memory_space<vmem>>, vector<16xi32>,
            tpu.vector_store %arg6[%swap3A_817, %swap3A_818, %swap3A_819], %select_n3A_812 {strides = array<i32>} : memref<8x4x16xi32, #tpu.memory_space<vmem>>, vector<16xi32>,
            %get3A_821 = arith.constant 0 : i32
            %get3A_822 = arith.constant 2 : i32
            %get3A_823 = arith.index_cast %get3A_821 : i32 to index
            %get3A_824 = arith.index_cast %get3A_822 : i32 to index
            %get3A_825 = arith.constant 0 : index
            %get3A_826 = tpu.vector_load %arg6[%get3A_823, %get3A_824, %get3A_825] {strides = array<i32>} : memref<8x4x16xi32, #tpu.memory_space<vmem>>, vector<16xi32>,
            %gt3A_827 = arith.cmpf ogt, %select_n3A_813, %scan3A_620 : vector<16xf32>
            %select_n3A_828 = arith.select %gt3A_827, %select_n3A_813, %scan3A_620 : vector<16xi1>, vector<16xf32>
            %select_n3A_829 = arith.select %gt3A_827, %select_n3A_814, %get3A_826 : vector<16xi1>, vector<16xi32>
            %select_n3A_830 = arith.select %gt3A_827, %scan3A_620, %select_n3A_813 : vector<16xi1>, vector<16xf32>
            %select_n3A_831 = arith.select %gt3A_827, %get3A_826, %select_n3A_814 : vector<16xi1>, vector<16xi32>
            %swap3A_832 = arith.constant 0 : i32
            %swap3A_833 = arith.constant 2 : i32
            %swap3A_834 = arith.index_cast %swap3A_832 : i32 to index
            %swap3A_835 = arith.index_cast %swap3A_833 : i32 to index
            %swap3A_836 = arith.constant 0 : index
            %swap3A_837 = tpu.vector_load %arg6[%swap3A_834, %swap3A_835, %swap3A_836] {strides = array<i32>} : memref<8x4x16xi32, #tpu.memory_space<vmem>>, vector<16xi32>,
            tpu.vector_store %arg6[%swap3A_834, %swap3A_835, %swap3A_836], %select_n3A_829 {strides = array<i32>} : memref<8x4x16xi32, #tpu.memory_space<vmem>>, vector<16xi32>,
            %get3A_838 = arith.constant 0 : i32
            %get3A_839 = arith.constant 3 : i32
            %get3A_840 = arith.index_cast %get3A_838 : i32 to index
            %get3A_841 = arith.index_cast %get3A_839 : i32 to index
            %get3A_842 = arith.constant 0 : index
            %get3A_843 = tpu.vector_load %arg6[%get3A_840, %get3A_841, %get3A_842] {strides = array<i32>} : memref<8x4x16xi32, #tpu.memory_space<vmem>>, vector<16xi32>,
            %gt3A_844 = arith.cmpf ogt, %select_n3A_830, %scan3A_621 : vector<16xf32>
            %select_n3A_845 = arith.select %gt3A_844, %select_n3A_830, %scan3A_621 : vector<16xi1>, vector<16xf32>
            %select_n3A_846 = arith.select %gt3A_844, %select_n3A_831, %get3A_843 : vector<16xi1>, vector<16xi32>
            %select_n3A_847 = arith.select %gt3A_844, %scan3A_621, %select_n3A_830 : vector<16xi1>, vector<16xf32>
            %select_n3A_848 = arith.select %gt3A_844, %get3A_843, %select_n3A_831 : vector<16xi1>, vector<16xi32>
            %swap3A_849 = arith.constant 0 : i32
            %swap3A_850 = arith.constant 3 : i32
            %swap3A_851 = arith.index_cast %swap3A_849 : i32 to index
            %swap3A_852 = arith.index_cast %swap3A_850 : i32 to index
            %swap3A_853 = arith.constant 0 : index
            %swap3A_854 = tpu.vector_load %arg6[%swap3A_851, %swap3A_852, %swap3A_853] {strides = array<i32>} : memref<8x4x16xi32, #tpu.memory_space<vmem>>, vector<16xi32>,
            tpu.vector_store %arg6[%swap3A_851, %swap3A_852, %swap3A_853], %select_n3A_846 {strides = array<i32>} : memref<8x4x16xi32, #tpu.memory_space<vmem>>, vector<16xi32>,
            scf.yield %select_n3A_794, %select_n3A_811, %select_n3A_828, %select_n3A_845 : vector<16xf32>, vector<16xf32>, vector<16xf32>, vector<16xf32>
          } else {
            scf.yield %scan3A_618, %scan3A_619, %scan3A_620, %scan3A_621 : vector<16xf32>, vector<16xf32>, vector<16xf32>, vector<16xf32>
          }
          %gt3A_712 = arith.cmpf ogt, %get3A_660, %scan3A_625 : vector<16xf32>
          %all_reduce_population_count3A_713 = tpu.all_reduce %gt3A_712 {dim = 0 : i64, kind = #tpu.reduction_kind<sum>} : vector<16xi1> -> vector<16xi32>
          %slice3A_714 = vector.extract_strided_slice %all_reduce_population_count3A_713 {offsets = [0], sizes = [1], strides = [1]} : vector<16xi32> to vector<1xi32>
          %squeeze3A_715 = vector.extract %slice3A_714[0] : i32 from vector<1xi32>
          %gt3A_716 = arith.constant 0 : i32
          %gt3A_717 = arith.cmpi sgt, %squeeze3A_715, %gt3A_716 : i32
          %convert_element_type3A_718 = arith.extui %gt3A_717 : i1 to i32
          %cond3A_719 = arith.constant 0 : i32
          %cond3A_720 = arith.cmpi ne, %convert_element_type3A_718, %cond3A_719 : i32
          %cond3A_721:4 = scf.if %cond3A_720 -> (vector<16xf32>, vector<16xf32>, vector<16xf32>, vector<16xf32>) {
            %mul3A_782 = arith.constant 0 : i32
            %mul3A_783 = vector.broadcast %mul3A_782 : i32 to vector<16xi32>
            %mul3A_784 = arith.muli %iota3A, %mul3A_783 : vector<16xi32>
            %add3A_785 = vector.broadcast %add3A_652 : i32 to vector<16xi32>
            %add3A_786 = arith.addi %mul3A_784, %add3A_785 : vector<16xi32>
            %get3A_787 = arith.constant 1 : i32
            %get3A_788 = arith.constant 0 : i32
            %get3A_789 = arith.index_cast %get3A_787 : i32 to index
            %get3A_790 = arith.index_cast %get3A_788 : i32 to index
            %get3A_791 = arith.constant 0 : index
            %get3A_792 = tpu.vector_load %arg6[%get3A_789, %get3A_790, %get3A_791] {strides = array<i32>} : memref<8x4x16xi32, #tpu.memory_space<vmem>>, vector<16xi32>,
            %gt3A_793 = arith.cmpf ogt, %get3A_660, %scan3A_622 : vector<16xf32>
            %select_n3A_794 = arith.select %gt3A_793, %get3A_660, %scan3A_622 : vector<16xi1>, vector<16xf32>
            %select_n3A_795 = arith.select %gt3A_793, %add3A_786, %get3A_792 : vector<16xi1>, vector<16xi32>
            %select_n3A_796 = arith.select %gt3A_793, %scan3A_622, %get3A_660 : vector<16xi1>, vector<16xf32>
            %select_n3A_797 = arith.select %gt3A_793, %get3A_792, %add3A_786 : vector<16xi1>, vector<16xi32>
            %swap3A_798 = arith.constant 1 : i32
            %swap3A_799 = arith.constant 0 : i32
            %swap3A_800 = arith.index_cast %swap3A_798 : i32 to index
            %swap3A_801 = arith.index_cast %swap3A_799 : i32 to index
            %swap3A_802 = arith.constant 0 : index
            %swap3A_803 = tpu.vector_load %arg6[%swap3A_800, %swap3A_801, %swap3A_802] {strides = array<i32>} : memref<8x4x16xi32, #tpu.memory_space<vmem>>, vector<16xi32>,
            tpu.vector_store %arg6[%swap3A_800, %swap3A_801, %swap3A_802], %select_n3A_795 {strides = array<i32>} : memref<8x4x16xi32, #tpu.memory_space<vmem>>, vector<16xi32>,
            %get3A_804 = arith.constant 1 : i32
            %get3A_805 = arith.constant 1 : i32
            %get3A_806 = arith.index_cast %get3A_804 : i32 to index
            %get3A_807 = arith.index_cast %get3A_805 : i32 to index
            %get3A_808 = arith.constant 0 : index
            %get3A_809 = tpu.vector_load %arg6[%get3A_806, %get3A_807, %get3A_808] {strides = array<i32>} : memref<8x4x16xi32, #tpu.memory_space<vmem>>, vector<16xi32>,
            %gt3A_810 = arith.cmpf ogt, %select_n3A_796, %scan3A_623 : vector<16xf32>
            %select_n3A_811 = arith.select %gt3A_810, %select_n3A_796, %scan3A_623 : vector<16xi1>, vector<16xf32>
            %select_n3A_812 = arith.select %gt3A_810, %select_n3A_797, %get3A_809 : vector<16xi1>, vector<16xi32>
            %select_n3A_813 = arith.select %gt3A_810, %scan3A_623, %select_n3A_796 : vector<16xi1>, vector<16xf32>
            %select_n3A_814 = arith.select %gt3A_810, %get3A_809, %select_n3A_797 : vector<16xi1>, vector<16xi32>
            %swap3A_815 = arith.constant 1 : i32
            %swap3A_816 = arith.constant 1 : i32
            %swap3A_817 = arith.index_cast %swap3A_815 : i32 to index
            %swap3A_818 = arith.index_cast %swap3A_816 : i32 to index
            %swap3A_819 = arith.constant 0 : index
            %swap3A_820 = tpu.vector_load %arg6[%swap3A_817, %swap3A_818, %swap3A_819] {strides = array<i32>} : memref<8x4x16xi32, #tpu.memory_space<vmem>>, vector<16xi32>,
            tpu.vector_store %arg6[%swap3A_817, %swap3A_818, %swap3A_819], %select_n3A_812 {strides = array<i32>} : memref<8x4x16xi32, #tpu.memory_space<vmem>>, vector<16xi32>,
            %get3A_821 = arith.constant 1 : i32
            %get3A_822 = arith.constant 2 : i32
            %get3A_823 = arith.index_cast %get3A_821 : i32 to index
            %get3A_824 = arith.index_cast %get3A_822 : i32 to index
            %get3A_825 = arith.constant 0 : index
            %get3A_826 = tpu.vector_load %arg6[%get3A_823, %get3A_824, %get3A_825] {strides = array<i32>} : memref<8x4x16xi32, #tpu.memory_space<vmem>>, vector<16xi32>,
            %gt3A_827 = arith.cmpf ogt, %select_n3A_813, %scan3A_624 : vector<16xf32>
            %select_n3A_828 = arith.select %gt3A_827, %select_n3A_813, %scan3A_624 : vector<16xi1>, vector<16xf32>
            %select_n3A_829 = arith.select %gt3A_827, %select_n3A_814, %get3A_826 : vector<16xi1>, vector<16xi32>
            %select_n3A_830 = arith.select %gt3A_827, %scan3A_624, %select_n3A_813 : vector<16xi1>, vector<16xf32>
            %select_n3A_831 = arith.select %gt3A_827, %get3A_826, %select_n3A_814 : vector<16xi1>, vector<16xi32>
            %swap3A_832 = arith.constant 1 : i32
            %swap3A_833 = arith.constant 2 : i32
            %swap3A_834 = arith.index_cast %swap3A_832 : i32 to index
            %swap3A_835 = arith.index_cast %swap3A_833 : i32 to index
            %swap3A_836 = arith.constant 0 : index
            %swap3A_837 = tpu.vector_load %arg6[%swap3A_834, %swap3A_835, %swap3A_836] {strides = array<i32>} : memref<8x4x16xi32, #tpu.memory_space<vmem>>, vector<16xi32>,
            tpu.vector_store %arg6[%swap3A_834, %swap3A_835, %swap3A_836], %select_n3A_829 {strides = array<i32>} : memref<8x4x16xi32, #tpu.memory_space<vmem>>, vector<16xi32>,
            %get3A_838 = arith.constant 1 : i32
            %get3A_839 = arith.constant 3 : i32
            %get3A_840 = arith.index_cast %get3A_838 : i32 to index
            %get3A_841 = arith.index_cast %get3A_839 : i32 to index
            %get3A_842 = arith.constant 0 : index
            %get3A_843 = tpu.vector_load %arg6[%get3A_840, %get3A_841, %get3A_842] {strides = array<i32>} : memref<8x4x16xi32, #tpu.memory_space<vmem>>, vector<16xi32>,
            %gt3A_844 = arith.cmpf ogt, %select_n3A_830, %scan3A_625 : vector<16xf32>
            %select_n3A_845 = arith.select %gt3A_844, %select_n3A_830, %scan3A_625 : vector<16xi1>, vector<16xf32>
            %select_n3A_846 = arith.select %gt3A_844, %select_n3A_831, %get3A_843 : vector<16xi1>, vector<16xi32>
            %select_n3A_847 = arith.select %gt3A_844, %scan3A_625, %select_n3A_830 : vector<16xi1>, vector<16xf32>
            %select_n3A_848 = arith.select %gt3A_844, %get3A_843, %select_n3A_831 : vector<16xi1>, vector<16xi32>
            %swap3A_849 = arith.constant 1 : i32
            %swap3A_850 = arith.constant 3 : i32
            %swap3A_851 = arith.index_cast %swap3A_849 : i32 to index
            %swap3A_852 = arith.index_cast %swap3A_850 : i32 to index
            %swap3A_853 = arith.constant 0 : index
            %swap3A_854 = tpu.vector_load %arg6[%swap3A_851, %swap3A_852, %swap3A_853] {strides = array<i32>} : memref<8x4x16xi32, #tpu.memory_space<vmem>>, vector<16xi32>,
            tpu.vector_store %arg6[%swap3A_851, %swap3A_852, %swap3A_853], %select_n3A_846 {strides = array<i32>} : memref<8x4x16xi32, #tpu.memory_space<vmem>>, vector<16xi32>,
            scf.yield %select_n3A_794, %select_n3A_811, %select_n3A_828, %select_n3A_845 : vector<16xf32>, vector<16xf32>, vector<16xf32>, vector<16xf32>
          } else {
            scf.yield %scan3A_622, %scan3A_623, %scan3A_624, %scan3A_625 : vector<16xf32>, vector<16xf32>, vector<16xf32>, vector<16xf32>
          }
          %gt3A_722 = arith.cmpf ogt, %get3A_664, %scan3A_629 : vector<16xf32>
          %all_reduce_population_count3A_723 = tpu.all_reduce %gt3A_722 {dim = 0 : i64, kind = #tpu.reduction_kind<sum>} : vector<16xi1> -> vector<16xi32>
          %slice3A_724 = vector.extract_strided_slice %all_reduce_population_count3A_723 {offsets = [0], sizes = [1], strides = [1]} : vector<16xi32> to vector<1xi32>
          %squeeze3A_725 = vector.extract %slice3A_724[0] : i32 from vector<1xi32>
          %gt3A_726 = arith.constant 0 : i32
          %gt3A_727 = arith.cmpi sgt, %squeeze3A_725, %gt3A_726 : i32
          %convert_element_type3A_728 = arith.extui %gt3A_727 : i1 to i32
          %cond3A_729 = arith.constant 0 : i32
          %cond3A_730 = arith.cmpi ne, %convert_element_type3A_728, %cond3A_729 : i32
          %cond3A_731:4 = scf.if %cond3A_730 -> (vector<16xf32>, vector<16xf32>, vector<16xf32>, vector<16xf32>) {
            %mul3A_782 = arith.constant 0 : i32
            %mul3A_783 = vector.broadcast %mul3A_782 : i32 to vector<16xi32>
            %mul3A_784 = arith.muli %iota3A, %mul3A_783 : vector<16xi32>
            %add3A_785 = vector.broadcast %add3A_652 : i32 to vector<16xi32>
            %add3A_786 = arith.addi %mul3A_784, %add3A_785 : vector<16xi32>
            %get3A_787 = arith.constant 2 : i32
            %get3A_788 = arith.constant 0 : i32
            %get3A_789 = arith.index_cast %get3A_787 : i32 to index
            %get3A_790 = arith.index_cast %get3A_788 : i32 to index
            %get3A_791 = arith.constant 0 : index
            %get3A_792 = tpu.vector_load %arg6[%get3A_789, %get3A_790, %get3A_791] {strides = array<i32>} : memref<8x4x16xi32, #tpu.memory_space<vmem>>, vector<16xi32>,
            %gt3A_793 = arith.cmpf ogt, %get3A_664, %scan3A_626 : vector<16xf32>
            %select_n3A_794 = arith.select %gt3A_793, %get3A_664, %scan3A_626 : vector<16xi1>, vector<16xf32>
            %select_n3A_795 = arith.select %gt3A_793, %add3A_786, %get3A_792 : vector<16xi1>, vector<16xi32>
            %select_n3A_796 = arith.select %gt3A_793, %scan3A_626, %get3A_664 : vector<16xi1>, vector<16xf32>
            %select_n3A_797 = arith.select %gt3A_793, %get3A_792, %add3A_786 : vector<16xi1>, vector<16xi32>
            %swap3A_798 = arith.constant 2 : i32
            %swap3A_799 = arith.constant 0 : i32
            %swap3A_800 = arith.index_cast %swap3A_798 : i32 to index
            %swap3A_801 = arith.index_cast %swap3A_799 : i32 to index
            %swap3A_802 = arith.constant 0 : index
            %swap3A_803 = tpu.vector_load %arg6[%swap3A_800, %swap3A_801, %swap3A_802] {strides = array<i32>} : memref<8x4x16xi32, #tpu.memory_space<vmem>>, vector<16xi32>,
            tpu.vector_store %arg6[%swap3A_800, %swap3A_801, %swap3A_802], %select_n3A_795 {strides = array<i32>} : memref<8x4x16xi32, #tpu.memory_space<vmem>>, vector<16xi32>,
            %get3A_804 = arith.constant 2 : i32
            %get3A_805 = arith.constant 1 : i32
            %get3A_806 = arith.index_cast %get3A_804 : i32 to index
            %get3A_807 = arith.index_cast %get3A_805 : i32 to index
            %get3A_808 = arith.constant 0 : index
            %get3A_809 = tpu.vector_load %arg6[%get3A_806, %get3A_807, %get3A_808] {strides = array<i32>} : memref<8x4x16xi32, #tpu.memory_space<vmem>>, vector<16xi32>,
            %gt3A_810 = arith.cmpf ogt, %select_n3A_796, %scan3A_627 : vector<16xf32>
            %select_n3A_811 = arith.select %gt3A_810, %select_n3A_796, %scan3A_627 : vector<16xi1>, vector<16xf32>
            %select_n3A_812 = arith.select %gt3A_810, %select_n3A_797, %get3A_809 : vector<16xi1>, vector<16xi32>
            %select_n3A_813 = arith.select %gt3A_810, %scan3A_627, %select_n3A_796 : vector<16xi1>, vector<16xf32>
            %select_n3A_814 = arith.select %gt3A_810, %get3A_809, %select_n3A_797 : vector<16xi1>, vector<16xi32>
            %swap3A_815 = arith.constant 2 : i32
            %swap3A_816 = arith.constant 1 : i32
            %swap3A_817 = arith.index_cast %swap3A_815 : i32 to index
            %swap3A_818 = arith.index_cast %swap3A_816 : i32 to index
            %swap3A_819 = arith.constant 0 : index
            %swap3A_820 = tpu.vector_load %arg6[%swap3A_817, %swap3A_818, %swap3A_819] {strides = array<i32>} : memref<8x4x16xi32, #tpu.memory_space<vmem>>, vector<16xi32>,
            tpu.vector_store %arg6[%swap3A_817, %swap3A_818, %swap3A_819], %select_n3A_812 {strides = array<i32>} : memref<8x4x16xi32, #tpu.memory_space<vmem>>, vector<16xi32>,
            %get3A_821 = arith.constant 2 : i32
            %get3A_822 = arith.constant 2 : i32
            %get3A_823 = arith.index_cast %get3A_821 : i32 to index
            %get3A_824 = arith.index_cast %get3A_822 : i32 to index
            %get3A_825 = arith.constant 0 : index
            %get3A_826 = tpu.vector_load %arg6[%get3A_823, %get3A_824, %get3A_825] {strides = array<i32>} : memref<8x4x16xi32, #tpu.memory_space<vmem>>, vector<16xi32>,
            %gt3A_827 = arith.cmpf ogt, %select_n3A_813, %scan3A_628 : vector<16xf32>
            %select_n3A_828 = arith.select %gt3A_827, %select_n3A_813, %scan3A_628 : vector<16xi1>, vector<16xf32>
            %select_n3A_829 = arith.select %gt3A_827, %select_n3A_814, %get3A_826 : vector<16xi1>, vector<16xi32>
            %select_n3A_830 = arith.select %gt3A_827, %scan3A_628, %select_n3A_813 : vector<16xi1>, vector<16xf32>
            %select_n3A_831 = arith.select %gt3A_827, %get3A_826, %select_n3A_814 : vector<16xi1>, vector<16xi32>
            %swap3A_832 = arith.constant 2 : i32
            %swap3A_833 = arith.constant 2 : i32
            %swap3A_834 = arith.index_cast %swap3A_832 : i32 to index
            %swap3A_835 = arith.index_cast %swap3A_833 : i32 to index
            %swap3A_836 = arith.constant 0 : index
            %swap3A_837 = tpu.vector_load %arg6[%swap3A_834, %swap3A_835, %swap3A_836] {strides = array<i32>} : memref<8x4x16xi32, #tpu.memory_space<vmem>>, vector<16xi32>,
            tpu.vector_store %arg6[%swap3A_834, %swap3A_835, %swap3A_836], %select_n3A_829 {strides = array<i32>} : memref<8x4x16xi32, #tpu.memory_space<vmem>>, vector<16xi32>,
            %get3A_838 = arith.constant 2 : i32
            %get3A_839 = arith.constant 3 : i32
            %get3A_840 = arith.index_cast %get3A_838 : i32 to index
            %get3A_841 = arith.index_cast %get3A_839 : i32 to index
            %get3A_842 = arith.constant 0 : index
            %get3A_843 = tpu.vector_load %arg6[%get3A_840, %get3A_841, %get3A_842] {strides = array<i32>} : memref<8x4x16xi32, #tpu.memory_space<vmem>>, vector<16xi32>,
            %gt3A_844 = arith.cmpf ogt, %select_n3A_830, %scan3A_629 : vector<16xf32>
            %select_n3A_845 = arith.select %gt3A_844, %select_n3A_830, %scan3A_629 : vector<16xi1>, vector<16xf32>
            %select_n3A_846 = arith.select %gt3A_844, %select_n3A_831, %get3A_843 : vector<16xi1>, vector<16xi32>
            %select_n3A_847 = arith.select %gt3A_844, %scan3A_629, %select_n3A_830 : vector<16xi1>, vector<16xf32>
            %select_n3A_848 = arith.select %gt3A_844, %get3A_843, %select_n3A_831 : vector<16xi1>, vector<16xi32>
            %swap3A_849 = arith.constant 2 : i32
            %swap3A_850 = arith.constant 3 : i32
            %swap3A_851 = arith.index_cast %swap3A_849 : i32 to index
            %swap3A_852 = arith.index_cast %swap3A_850 : i32 to index
            %swap3A_853 = arith.constant 0 : index
            %swap3A_854 = tpu.vector_load %arg6[%swap3A_851, %swap3A_852, %swap3A_853] {strides = array<i32>} : memref<8x4x16xi32, #tpu.memory_space<vmem>>, vector<16xi32>,
            tpu.vector_store %arg6[%swap3A_851, %swap3A_852, %swap3A_853], %select_n3A_846 {strides = array<i32>} : memref<8x4x16xi32, #tpu.memory_space<vmem>>, vector<16xi32>,
            scf.yield %select_n3A_794, %select_n3A_811, %select_n3A_828, %select_n3A_845 : vector<16xf32>, vector<16xf32>, vector<16xf32>, vector<16xf32>
          } else {
            scf.yield %scan3A_626, %scan3A_627, %scan3A_628, %scan3A_629 : vector<16xf32>, vector<16xf32>, vector<16xf32>, vector<16xf32>
          }
          %gt3A_732 = arith.cmpf ogt, %get3A_668, %scan3A_633 : vector<16xf32>
          %all_reduce_population_count3A_733 = tpu.all_reduce %gt3A_732 {dim = 0 : i64, kind = #tpu.reduction_kind<sum>} : vector<16xi1> -> vector<16xi32>
          %slice3A_734 = vector.extract_strided_slice %all_reduce_population_count3A_733 {offsets = [0], sizes = [1], strides = [1]} : vector<16xi32> to vector<1xi32>
          %squeeze3A_735 = vector.extract %slice3A_734[0] : i32 from vector<1xi32>
          %gt3A_736 = arith.constant 0 : i32
          %gt3A_737 = arith.cmpi sgt, %squeeze3A_735, %gt3A_736 : i32
          %convert_element_type3A_738 = arith.extui %gt3A_737 : i1 to i32
          %cond3A_739 = arith.constant 0 : i32
          %cond3A_740 = arith.cmpi ne, %convert_element_type3A_738, %cond3A_739 : i32
          %cond3A_741:4 = scf.if %cond3A_740 -> (vector<16xf32>, vector<16xf32>, vector<16xf32>, vector<16xf32>) {
            %mul3A_782 = arith.constant 0 : i32
            %mul3A_783 = vector.broadcast %mul3A_782 : i32 to vector<16xi32>
            %mul3A_784 = arith.muli %iota3A, %mul3A_783 : vector<16xi32>
            %add3A_785 = vector.broadcast %add3A_652 : i32 to vector<16xi32>
            %add3A_786 = arith.addi %mul3A_784, %add3A_785 : vector<16xi32>
            %get3A_787 = arith.constant 3 : i32
            %get3A_788 = arith.constant 0 : i32
            %get3A_789 = arith.index_cast %get3A_787 : i32 to index
            %get3A_790 = arith.index_cast %get3A_788 : i32 to index
            %get3A_791 = arith.constant 0 : index
            %get3A_792 = tpu.vector_load %arg6[%get3A_789, %get3A_790, %get3A_791] {strides = array<i32>} : memref<8x4x16xi32, #tpu.memory_space<vmem>>, vector<16xi32>,
            %gt3A_793 = arith.cmpf ogt, %get3A_668, %scan3A_630 : vector<16xf32>
            %select_n3A_794 = arith.select %gt3A_793, %get3A_668, %scan3A_630 : vector<16xi1>, vector<16xf32>
            %select_n3A_795 = arith.select %gt3A_793, %add3A_786, %get3A_792 : vector<16xi1>, vector<16xi32>
            %select_n3A_796 = arith.select %gt3A_793, %scan3A_630, %get3A_668 : vector<16xi1>, vector<16xf32>
            %select_n3A_797 = arith.select %gt3A_793, %get3A_792, %add3A_786 : vector<16xi1>, vector<16xi32>
            %swap3A_798 = arith.constant 3 : i32
            %swap3A_799 = arith.constant 0 : i32
            %swap3A_800 = arith.index_cast %swap3A_798 : i32 to index
            %swap3A_801 = arith.index_cast %swap3A_799 : i32 to index
            %swap3A_802 = arith.constant 0 : index
            %swap3A_803 = tpu.vector_load %arg6[%swap3A_800, %swap3A_801, %swap3A_802] {strides = array<i32>} : memref<8x4x16xi32, #tpu.memory_space<vmem>>, vector<16xi32>,
            tpu.vector_store %arg6[%swap3A_800, %swap3A_801, %swap3A_802], %select_n3A_795 {strides = array<i32>} : memref<8x4x16xi32, #tpu.memory_space<vmem>>, vector<16xi32>,
            %get3A_804 = arith.constant 3 : i32
            %get3A_805 = arith.constant 1 : i32
            %get3A_806 = arith.index_cast %get3A_804 : i32 to index
            %get3A_807 = arith.index_cast %get3A_805 : i32 to index
            %get3A_808 = arith.constant 0 : index
            %get3A_809 = tpu.vector_load %arg6[%get3A_806, %get3A_807, %get3A_808] {strides = array<i32>} : memref<8x4x16xi32, #tpu.memory_space<vmem>>, vector<16xi32>,
            %gt3A_810 = arith.cmpf ogt, %select_n3A_796, %scan3A_631 : vector<16xf32>
            %select_n3A_811 = arith.select %gt3A_810, %select_n3A_796, %scan3A_631 : vector<16xi1>, vector<16xf32>
            %select_n3A_812 = arith.select %gt3A_810, %select_n3A_797, %get3A_809 : vector<16xi1>, vector<16xi32>
            %select_n3A_813 = arith.select %gt3A_810, %scan3A_631, %select_n3A_796 : vector<16xi1>, vector<16xf32>
            %select_n3A_814 = arith.select %gt3A_810, %get3A_809, %select_n3A_797 : vector<16xi1>, vector<16xi32>
            %swap3A_815 = arith.constant 3 : i32
            %swap3A_816 = arith.constant 1 : i32
            %swap3A_817 = arith.index_cast %swap3A_815 : i32 to index
            %swap3A_818 = arith.index_cast %swap3A_816 : i32 to index
            %swap3A_819 = arith.constant 0 : index
            %swap3A_820 = tpu.vector_load %arg6[%swap3A_817, %swap3A_818, %swap3A_819] {strides = array<i32>} : memref<8x4x16xi32, #tpu.memory_space<vmem>>, vector<16xi32>,
            tpu.vector_store %arg6[%swap3A_817, %swap3A_818, %swap3A_819], %select_n3A_812 {strides = array<i32>} : memref<8x4x16xi32, #tpu.memory_space<vmem>>, vector<16xi32>,
            %get3A_821 = arith.constant 3 : i32
            %get3A_822 = arith.constant 2 : i32
            %get3A_823 = arith.index_cast %get3A_821 : i32 to index
            %get3A_824 = arith.index_cast %get3A_822 : i32 to index
            %get3A_825 = arith.constant 0 : index
            %get3A_826 = tpu.vector_load %arg6[%get3A_823, %get3A_824, %get3A_825] {strides = array<i32>} : memref<8x4x16xi32, #tpu.memory_space<vmem>>, vector<16xi32>,
            %gt3A_827 = arith.cmpf ogt, %select_n3A_813, %scan3A_632 : vector<16xf32>
            %select_n3A_828 = arith.select %gt3A_827, %select_n3A_813, %scan3A_632 : vector<16xi1>, vector<16xf32>
            %select_n3A_829 = arith.select %gt3A_827, %select_n3A_814, %get3A_826 : vector<16xi1>, vector<16xi32>
            %select_n3A_830 = arith.select %gt3A_827, %scan3A_632, %select_n3A_813 : vector<16xi1>, vector<16xf32>
            %select_n3A_831 = arith.select %gt3A_827, %get3A_826, %select_n3A_814 : vector<16xi1>, vector<16xi32>
            %swap3A_832 = arith.constant 3 : i32
            %swap3A_833 = arith.constant 2 : i32
            %swap3A_834 = arith.index_cast %swap3A_832 : i32 to index
            %swap3A_835 = arith.index_cast %swap3A_833 : i32 to index
            %swap3A_836 = arith.constant 0 : index
            %swap3A_837 = tpu.vector_load %arg6[%swap3A_834, %swap3A_835, %swap3A_836] {strides = array<i32>} : memref<8x4x16xi32, #tpu.memory_space<vmem>>, vector<16xi32>,
            tpu.vector_store %arg6[%swap3A_834, %swap3A_835, %swap3A_836], %select_n3A_829 {strides = array<i32>} : memref<8x4x16xi32, #tpu.memory_space<vmem>>, vector<16xi32>,
            %get3A_838 = arith.constant 3 : i32
            %get3A_839 = arith.constant 3 : i32
            %get3A_840 = arith.index_cast %get3A_838 : i32 to index
            %get3A_841 = arith.index_cast %get3A_839 : i32 to index
            %get3A_842 = arith.constant 0 : index
            %get3A_843 = tpu.vector_load %arg6[%get3A_840, %get3A_841, %get3A_842] {strides = array<i32>} : memref<8x4x16xi32, #tpu.memory_space<vmem>>, vector<16xi32>,
            %gt3A_844 = arith.cmpf ogt, %select_n3A_830, %scan3A_633 : vector<16xf32>
            %select_n3A_845 = arith.select %gt3A_844, %select_n3A_830, %scan3A_633 : vector<16xi1>, vector<16xf32>
            %select_n3A_846 = arith.select %gt3A_844, %select_n3A_831, %get3A_843 : vector<16xi1>, vector<16xi32>
            %select_n3A_847 = arith.select %gt3A_844, %scan3A_633, %select_n3A_830 : vector<16xi1>, vector<16xf32>
            %select_n3A_848 = arith.select %gt3A_844, %get3A_843, %select_n3A_831 : vector<16xi1>, vector<16xi32>
            %swap3A_849 = arith.constant 3 : i32
            %swap3A_850 = arith.constant 3 : i32
            %swap3A_851 = arith.index_cast %swap3A_849 : i32 to index
            %swap3A_852 = arith.index_cast %swap3A_850 : i32 to index
            %swap3A_853 = arith.constant 0 : index
            %swap3A_854 = tpu.vector_load %arg6[%swap3A_851, %swap3A_852, %swap3A_853] {strides = array<i32>} : memref<8x4x16xi32, #tpu.memory_space<vmem>>, vector<16xi32>,
            tpu.vector_store %arg6[%swap3A_851, %swap3A_852, %swap3A_853], %select_n3A_846 {strides = array<i32>} : memref<8x4x16xi32, #tpu.memory_space<vmem>>, vector<16xi32>,
            scf.yield %select_n3A_794, %select_n3A_811, %select_n3A_828, %select_n3A_845 : vector<16xf32>, vector<16xf32>, vector<16xf32>, vector<16xf32>
          } else {
            scf.yield %scan3A_630, %scan3A_631, %scan3A_632, %scan3A_633 : vector<16xf32>, vector<16xf32>, vector<16xf32>, vector<16xf32>
          }
          %gt3A_742 = arith.cmpf ogt, %get3A_672, %scan3A_637 : vector<16xf32>
          %all_reduce_population_count3A_743 = tpu.all_reduce %gt3A_742 {dim = 0 : i64, kind = #tpu.reduction_kind<sum>} : vector<16xi1> -> vector<16xi32>
          %slice3A_744 = vector.extract_strided_slice %all_reduce_population_count3A_743 {offsets = [0], sizes = [1], strides = [1]} : vector<16xi32> to vector<1xi32>
          %squeeze3A_745 = vector.extract %slice3A_744[0] : i32 from vector<1xi32>
          %gt3A_746 = arith.constant 0 : i32
          %gt3A_747 = arith.cmpi sgt, %squeeze3A_745, %gt3A_746 : i32
          %convert_element_type3A_748 = arith.extui %gt3A_747 : i1 to i32
          %cond3A_749 = arith.constant 0 : i32
          %cond3A_750 = arith.cmpi ne, %convert_element_type3A_748, %cond3A_749 : i32
          %cond3A_751:4 = scf.if %cond3A_750 -> (vector<16xf32>, vector<16xf32>, vector<16xf32>, vector<16xf32>) {
            %mul3A_782 = arith.constant 0 : i32
            %mul3A_783 = vector.broadcast %mul3A_782 : i32 to vector<16xi32>
            %mul3A_784 = arith.muli %iota3A, %mul3A_783 : vector<16xi32>
            %add3A_785 = vector.broadcast %add3A_652 : i32 to vector<16xi32>
            %add3A_786 = arith.addi %mul3A_784, %add3A_785 : vector<16xi32>
            %get3A_787 = arith.constant 4 : i32
            %get3A_788 = arith.constant 0 : i32
            %get3A_789 = arith.index_cast %get3A_787 : i32 to index
            %get3A_790 = arith.index_cast %get3A_788 : i32 to index
            %get3A_791 = arith.constant 0 : index
            %get3A_792 = tpu.vector_load %arg6[%get3A_789, %get3A_790, %get3A_791] {strides = array<i32>} : memref<8x4x16xi32, #tpu.memory_space<vmem>>, vector<16xi32>,
            %gt3A_793 = arith.cmpf ogt, %get3A_672, %scan3A_634 : vector<16xf32>
            %select_n3A_794 = arith.select %gt3A_793, %get3A_672, %scan3A_634 : vector<16xi1>, vector<16xf32>
            %select_n3A_795 = arith.select %gt3A_793, %add3A_786, %get3A_792 : vector<16xi1>, vector<16xi32>
            %select_n3A_796 = arith.select %gt3A_793, %scan3A_634, %get3A_672 : vector<16xi1>, vector<16xf32>
            %select_n3A_797 = arith.select %gt3A_793, %get3A_792, %add3A_786 : vector<16xi1>, vector<16xi32>
            %swap3A_798 = arith.constant 4 : i32
            %swap3A_799 = arith.constant 0 : i32
            %swap3A_800 = arith.index_cast %swap3A_798 : i32 to index
            %swap3A_801 = arith.index_cast %swap3A_799 : i32 to index
            %swap3A_802 = arith.constant 0 : index
            %swap3A_803 = tpu.vector_load %arg6[%swap3A_800, %swap3A_801, %swap3A_802] {strides = array<i32>} : memref<8x4x16xi32, #tpu.memory_space<vmem>>, vector<16xi32>,
            tpu.vector_store %arg6[%swap3A_800, %swap3A_801, %swap3A_802], %select_n3A_795 {strides = array<i32>} : memref<8x4x16xi32, #tpu.memory_space<vmem>>, vector<16xi32>,
            %get3A_804 = arith.constant 4 : i32
            %get3A_805 = arith.constant 1 : i32
            %get3A_806 = arith.index_cast %get3A_804 : i32 to index
            %get3A_807 = arith.index_cast %get3A_805 : i32 to index
            %get3A_808 = arith.constant 0 : index
            %get3A_809 = tpu.vector_load %arg6[%get3A_806, %get3A_807, %get3A_808] {strides = array<i32>} : memref<8x4x16xi32, #tpu.memory_space<vmem>>, vector<16xi32>,
            %gt3A_810 = arith.cmpf ogt, %select_n3A_796, %scan3A_635 : vector<16xf32>
            %select_n3A_811 = arith.select %gt3A_810, %select_n3A_796, %scan3A_635 : vector<16xi1>, vector<16xf32>
            %select_n3A_812 = arith.select %gt3A_810, %select_n3A_797, %get3A_809 : vector<16xi1>, vector<16xi32>
            %select_n3A_813 = arith.select %gt3A_810, %scan3A_635, %select_n3A_796 : vector<16xi1>, vector<16xf32>
            %select_n3A_814 = arith.select %gt3A_810, %get3A_809, %select_n3A_797 : vector<16xi1>, vector<16xi32>
            %swap3A_815 = arith.constant 4 : i32
            %swap3A_816 = arith.constant 1 : i32
            %swap3A_817 = arith.index_cast %swap3A_815 : i32 to index
            %swap3A_818 = arith.index_cast %swap3A_816 : i32 to index
            %swap3A_819 = arith.constant 0 : index
            %swap3A_820 = tpu.vector_load %arg6[%swap3A_817, %swap3A_818, %swap3A_819] {strides = array<i32>} : memref<8x4x16xi32, #tpu.memory_space<vmem>>, vector<16xi32>,
            tpu.vector_store %arg6[%swap3A_817, %swap3A_818, %swap3A_819], %select_n3A_812 {strides = array<i32>} : memref<8x4x16xi32, #tpu.memory_space<vmem>>, vector<16xi32>,
            %get3A_821 = arith.constant 4 : i32
            %get3A_822 = arith.constant 2 : i32
            %get3A_823 = arith.index_cast %get3A_821 : i32 to index
            %get3A_824 = arith.index_cast %get3A_822 : i32 to index
            %get3A_825 = arith.constant 0 : index
            %get3A_826 = tpu.vector_load %arg6[%get3A_823, %get3A_824, %get3A_825] {strides = array<i32>} : memref<8x4x16xi32, #tpu.memory_space<vmem>>, vector<16xi32>,
            %gt3A_827 = arith.cmpf ogt, %select_n3A_813, %scan3A_636 : vector<16xf32>
            %select_n3A_828 = arith.select %gt3A_827, %select_n3A_813, %scan3A_636 : vector<16xi1>, vector<16xf32>
            %select_n3A_829 = arith.select %gt3A_827, %select_n3A_814, %get3A_826 : vector<16xi1>, vector<16xi32>
            %select_n3A_830 = arith.select %gt3A_827, %scan3A_636, %select_n3A_813 : vector<16xi1>, vector<16xf32>
            %select_n3A_831 = arith.select %gt3A_827, %get3A_826, %select_n3A_814 : vector<16xi1>, vector<16xi32>
            %swap3A_832 = arith.constant 4 : i32
            %swap3A_833 = arith.constant 2 : i32
            %swap3A_834 = arith.index_cast %swap3A_832 : i32 to index
            %swap3A_835 = arith.index_cast %swap3A_833 : i32 to index
            %swap3A_836 = arith.constant 0 : index
            %swap3A_837 = tpu.vector_load %arg6[%swap3A_834, %swap3A_835, %swap3A_836] {strides = array<i32>} : memref<8x4x16xi32, #tpu.memory_space<vmem>>, vector<16xi32>,
            tpu.vector_store %arg6[%swap3A_834, %swap3A_835, %swap3A_836], %select_n3A_829 {strides = array<i32>} : memref<8x4x16xi32, #tpu.memory_space<vmem>>, vector<16xi32>,
            %get3A_838 = arith.constant 4 : i32
            %get3A_839 = arith.constant 3 : i32
            %get3A_840 = arith.index_cast %get3A_838 : i32 to index
            %get3A_841 = arith.index_cast %get3A_839 : i32 to index
            %get3A_842 = arith.constant 0 : index
            %get3A_843 = tpu.vector_load %arg6[%get3A_840, %get3A_841, %get3A_842] {strides = array<i32>} : memref<8x4x16xi32, #tpu.memory_space<vmem>>, vector<16xi32>,
            %gt3A_844 = arith.cmpf ogt, %select_n3A_830, %scan3A_637 : vector<16xf32>
            %select_n3A_845 = arith.select %gt3A_844, %select_n3A_830, %scan3A_637 : vector<16xi1>, vector<16xf32>
            %select_n3A_846 = arith.select %gt3A_844, %select_n3A_831, %get3A_843 : vector<16xi1>, vector<16xi32>
            %select_n3A_847 = arith.select %gt3A_844, %scan3A_637, %select_n3A_830 : vector<16xi1>, vector<16xf32>
            %select_n3A_848 = arith.select %gt3A_844, %get3A_843, %select_n3A_831 : vector<16xi1>, vector<16xi32>
            %swap3A_849 = arith.constant 4 : i32
            %swap3A_850 = arith.constant 3 : i32
            %swap3A_851 = arith.index_cast %swap3A_849 : i32 to index
            %swap3A_852 = arith.index_cast %swap3A_850 : i32 to index
            %swap3A_853 = arith.constant 0 : index
            %swap3A_854 = tpu.vector_load %arg6[%swap3A_851, %swap3A_852, %swap3A_853] {strides = array<i32>} : memref<8x4x16xi32, #tpu.memory_space<vmem>>, vector<16xi32>,
            tpu.vector_store %arg6[%swap3A_851, %swap3A_852, %swap3A_853], %select_n3A_846 {strides = array<i32>} : memref<8x4x16xi32, #tpu.memory_space<vmem>>, vector<16xi32>,
            scf.yield %select_n3A_794, %select_n3A_811, %select_n3A_828, %select_n3A_845 : vector<16xf32>, vector<16xf32>, vector<16xf32>, vector<16xf32>
          } else {
            scf.yield %scan3A_634, %scan3A_635, %scan3A_636, %scan3A_637 : vector<16xf32>, vector<16xf32>, vector<16xf32>, vector<16xf32>
          }
          %gt3A_752 = arith.cmpf ogt, %get3A_676, %scan3A_641 : vector<16xf32>
          %all_reduce_population_count3A_753 = tpu.all_reduce %gt3A_752 {dim = 0 : i64, kind = #tpu.reduction_kind<sum>} : vector<16xi1> -> vector<16xi32>
          %slice3A_754 = vector.extract_strided_slice %all_reduce_population_count3A_753 {offsets = [0], sizes = [1], strides = [1]} : vector<16xi32> to vector<1xi32>
          %squeeze3A_755 = vector.extract %slice3A_754[0] : i32 from vector<1xi32>
          %gt3A_756 = arith.constant 0 : i32
          %gt3A_757 = arith.cmpi sgt, %squeeze3A_755, %gt3A_756 : i32
          %convert_element_type3A_758 = arith.extui %gt3A_757 : i1 to i32
          %cond3A_759 = arith.constant 0 : i32
          %cond3A_760 = arith.cmpi ne, %convert_element_type3A_758, %cond3A_759 : i32
          %cond3A_761:4 = scf.if %cond3A_760 -> (vector<16xf32>, vector<16xf32>, vector<16xf32>, vector<16xf32>) {
            %mul3A_782 = arith.constant 0 : i32
            %mul3A_783 = vector.broadcast %mul3A_782 : i32 to vector<16xi32>
            %mul3A_784 = arith.muli %iota3A, %mul3A_783 : vector<16xi32>
            %add3A_785 = vector.broadcast %add3A_652 : i32 to vector<16xi32>
            %add3A_786 = arith.addi %mul3A_784, %add3A_785 : vector<16xi32>
            %get3A_787 = arith.constant 5 : i32
            %get3A_788 = arith.constant 0 : i32
            %get3A_789 = arith.index_cast %get3A_787 : i32 to index
            %get3A_790 = arith.index_cast %get3A_788 : i32 to index
            %get3A_791 = arith.constant 0 : index
            %get3A_792 = tpu.vector_load %arg6[%get3A_789, %get3A_790, %get3A_791] {strides = array<i32>} : memref<8x4x16xi32, #tpu.memory_space<vmem>>, vector<16xi32>,
            %gt3A_793 = arith.cmpf ogt, %get3A_676, %scan3A_638 : vector<16xf32>
            %select_n3A_794 = arith.select %gt3A_793, %get3A_676, %scan3A_638 : vector<16xi1>, vector<16xf32>
            %select_n3A_795 = arith.select %gt3A_793, %add3A_786, %get3A_792 : vector<16xi1>, vector<16xi32>
            %select_n3A_796 = arith.select %gt3A_793, %scan3A_638, %get3A_676 : vector<16xi1>, vector<16xf32>
            %select_n3A_797 = arith.select %gt3A_793, %get3A_792, %add3A_786 : vector<16xi1>, vector<16xi32>
            %swap3A_798 = arith.constant 5 : i32
            %swap3A_799 = arith.constant 0 : i32
            %swap3A_800 = arith.index_cast %swap3A_798 : i32 to index
            %swap3A_801 = arith.index_cast %swap3A_799 : i32 to index
            %swap3A_802 = arith.constant 0 : index
            %swap3A_803 = tpu.vector_load %arg6[%swap3A_800, %swap3A_801, %swap3A_802] {strides = array<i32>} : memref<8x4x16xi32, #tpu.memory_space<vmem>>, vector<16xi32>,
            tpu.vector_store %arg6[%swap3A_800, %swap3A_801, %swap3A_802], %select_n3A_795 {strides = array<i32>} : memref<8x4x16xi32, #tpu.memory_space<vmem>>, vector<16xi32>,
            %get3A_804 = arith.constant 5 : i32
            %get3A_805 = arith.constant 1 : i32
            %get3A_806 = arith.index_cast %get3A_804 : i32 to index
            %get3A_807 = arith.index_cast %get3A_805 : i32 to index
            %get3A_808 = arith.constant 0 : index
            %get3A_809 = tpu.vector_load %arg6[%get3A_806, %get3A_807, %get3A_808] {strides = array<i32>} : memref<8x4x16xi32, #tpu.memory_space<vmem>>, vector<16xi32>,
            %gt3A_810 = arith.cmpf ogt, %select_n3A_796, %scan3A_639 : vector<16xf32>
            %select_n3A_811 = arith.select %gt3A_810, %select_n3A_796, %scan3A_639 : vector<16xi1>, vector<16xf32>
            %select_n3A_812 = arith.select %gt3A_810, %select_n3A_797, %get3A_809 : vector<16xi1>, vector<16xi32>
            %select_n3A_813 = arith.select %gt3A_810, %scan3A_639, %select_n3A_796 : vector<16xi1>, vector<16xf32>
            %select_n3A_814 = arith.select %gt3A_810, %get3A_809, %select_n3A_797 : vector<16xi1>, vector<16xi32>
            %swap3A_815 = arith.constant 5 : i32
            %swap3A_816 = arith.constant 1 : i32
            %swap3A_817 = arith.index_cast %swap3A_815 : i32 to index
            %swap3A_818 = arith.index_cast %swap3A_816 : i32 to index
            %swap3A_819 = arith.constant 0 : index
            %swap3A_820 = tpu.vector_load %arg6[%swap3A_817, %swap3A_818, %swap3A_819] {strides = array<i32>} : memref<8x4x16xi32, #tpu.memory_space<vmem>>, vector<16xi32>,
            tpu.vector_store %arg6[%swap3A_817, %swap3A_818, %swap3A_819], %select_n3A_812 {strides = array<i32>} : memref<8x4x16xi32, #tpu.memory_space<vmem>>, vector<16xi32>,
            %get3A_821 = arith.constant 5 : i32
            %get3A_822 = arith.constant 2 : i32
            %get3A_823 = arith.index_cast %get3A_821 : i32 to index
            %get3A_824 = arith.index_cast %get3A_822 : i32 to index
            %get3A_825 = arith.constant 0 : index
            %get3A_826 = tpu.vector_load %arg6[%get3A_823, %get3A_824, %get3A_825] {strides = array<i32>} : memref<8x4x16xi32, #tpu.memory_space<vmem>>, vector<16xi32>,
            %gt3A_827 = arith.cmpf ogt, %select_n3A_813, %scan3A_640 : vector<16xf32>
            %select_n3A_828 = arith.select %gt3A_827, %select_n3A_813, %scan3A_640 : vector<16xi1>, vector<16xf32>
            %select_n3A_829 = arith.select %gt3A_827, %select_n3A_814, %get3A_826 : vector<16xi1>, vector<16xi32>
            %select_n3A_830 = arith.select %gt3A_827, %scan3A_640, %select_n3A_813 : vector<16xi1>, vector<16xf32>
            %select_n3A_831 = arith.select %gt3A_827, %get3A_826, %select_n3A_814 : vector<16xi1>, vector<16xi32>
            %swap3A_832 = arith.constant 5 : i32
            %swap3A_833 = arith.constant 2 : i32
            %swap3A_834 = arith.index_cast %swap3A_832 : i32 to index
            %swap3A_835 = arith.index_cast %swap3A_833 : i32 to index
            %swap3A_836 = arith.constant 0 : index
            %swap3A_837 = tpu.vector_load %arg6[%swap3A_834, %swap3A_835, %swap3A_836] {strides = array<i32>} : memref<8x4x16xi32, #tpu.memory_space<vmem>>, vector<16xi32>,
            tpu.vector_store %arg6[%swap3A_834, %swap3A_835, %swap3A_836], %select_n3A_829 {strides = array<i32>} : memref<8x4x16xi32, #tpu.memory_space<vmem>>, vector<16xi32>,
            %get3A_838 = arith.constant 5 : i32
            %get3A_839 = arith.constant 3 : i32
            %get3A_840 = arith.index_cast %get3A_838 : i32 to index
            %get3A_841 = arith.index_cast %get3A_839 : i32 to index
            %get3A_842 = arith.constant 0 : index
            %get3A_843 = tpu.vector_load %arg6[%get3A_840, %get3A_841, %get3A_842] {strides = array<i32>} : memref<8x4x16xi32, #tpu.memory_space<vmem>>, vector<16xi32>,
            %gt3A_844 = arith.cmpf ogt, %select_n3A_830, %scan3A_641 : vector<16xf32>
            %select_n3A_845 = arith.select %gt3A_844, %select_n3A_830, %scan3A_641 : vector<16xi1>, vector<16xf32>
            %select_n3A_846 = arith.select %gt3A_844, %select_n3A_831, %get3A_843 : vector<16xi1>, vector<16xi32>
            %select_n3A_847 = arith.select %gt3A_844, %scan3A_641, %select_n3A_830 : vector<16xi1>, vector<16xf32>
            %select_n3A_848 = arith.select %gt3A_844, %get3A_843, %select_n3A_831 : vector<16xi1>, vector<16xi32>
            %swap3A_849 = arith.constant 5 : i32
            %swap3A_850 = arith.constant 3 : i32
            %swap3A_851 = arith.index_cast %swap3A_849 : i32 to index
            %swap3A_852 = arith.index_cast %swap3A_850 : i32 to index
            %swap3A_853 = arith.constant 0 : index
            %swap3A_854 = tpu.vector_load %arg6[%swap3A_851, %swap3A_852, %swap3A_853] {strides = array<i32>} : memref<8x4x16xi32, #tpu.memory_space<vmem>>, vector<16xi32>,
            tpu.vector_store %arg6[%swap3A_851, %swap3A_852, %swap3A_853], %select_n3A_846 {strides = array<i32>} : memref<8x4x16xi32, #tpu.memory_space<vmem>>, vector<16xi32>,
            scf.yield %select_n3A_794, %select_n3A_811, %select_n3A_828, %select_n3A_845 : vector<16xf32>, vector<16xf32>, vector<16xf32>, vector<16xf32>
          } else {
            scf.yield %scan3A_638, %scan3A_639, %scan3A_640, %scan3A_641 : vector<16xf32>, vector<16xf32>, vector<16xf32>, vector<16xf32>
          }
          %gt3A_762 = arith.cmpf ogt, %get3A_680, %scan3A_645 : vector<16xf32>
          %all_reduce_population_count3A_763 = tpu.all_reduce %gt3A_762 {dim = 0 : i64, kind = #tpu.reduction_kind<sum>} : vector<16xi1> -> vector<16xi32>
          %slice3A_764 = vector.extract_strided_slice %all_reduce_population_count3A_763 {offsets = [0], sizes = [1], strides = [1]} : vector<16xi32> to vector<1xi32>
          %squeeze3A_765 = vector.extract %slice3A_764[0] : i32 from vector<1xi32>
          %gt3A_766 = arith.constant 0 : i32
          %gt3A_767 = arith.cmpi sgt, %squeeze3A_765, %gt3A_766 : i32
          %convert_element_type3A_768 = arith.extui %gt3A_767 : i1 to i32
          %cond3A_769 = arith.constant 0 : i32
          %cond3A_770 = arith.cmpi ne, %convert_element_type3A_768, %cond3A_769 : i32
          %cond3A_771:4 = scf.if %cond3A_770 -> (vector<16xf32>, vector<16xf32>, vector<16xf32>, vector<16xf32>) {
            %mul3A_782 = arith.constant 0 : i32
            %mul3A_783 = vector.broadcast %mul3A_782 : i32 to vector<16xi32>
            %mul3A_784 = arith.muli %iota3A, %mul3A_783 : vector<16xi32>
            %add3A_785 = vector.broadcast %add3A_652 : i32 to vector<16xi32>
            %add3A_786 = arith.addi %mul3A_784, %add3A_785 : vector<16xi32>
            %get3A_787 = arith.constant 6 : i32
            %get3A_788 = arith.constant 0 : i32
            %get3A_789 = arith.index_cast %get3A_787 : i32 to index
            %get3A_790 = arith.index_cast %get3A_788 : i32 to index
            %get3A_791 = arith.constant 0 : index
            %get3A_792 = tpu.vector_load %arg6[%get3A_789, %get3A_790, %get3A_791] {strides = array<i32>} : memref<8x4x16xi32, #tpu.memory_space<vmem>>, vector<16xi32>,
            %gt3A_793 = arith.cmpf ogt, %get3A_680, %scan3A_642 : vector<16xf32>
            %select_n3A_794 = arith.select %gt3A_793, %get3A_680, %scan3A_642 : vector<16xi1>, vector<16xf32>
            %select_n3A_795 = arith.select %gt3A_793, %add3A_786, %get3A_792 : vector<16xi1>, vector<16xi32>
            %select_n3A_796 = arith.select %gt3A_793, %scan3A_642, %get3A_680 : vector<16xi1>, vector<16xf32>
            %select_n3A_797 = arith.select %gt3A_793, %get3A_792, %add3A_786 : vector<16xi1>, vector<16xi32>
            %swap3A_798 = arith.constant 6 : i32
            %swap3A_799 = arith.constant 0 : i32
            %swap3A_800 = arith.index_cast %swap3A_798 : i32 to index
            %swap3A_801 = arith.index_cast %swap3A_799 : i32 to index
            %swap3A_802 = arith.constant 0 : index
            %swap3A_803 = tpu.vector_load %arg6[%swap3A_800, %swap3A_801, %swap3A_802] {strides = array<i32>} : memref<8x4x16xi32, #tpu.memory_space<vmem>>, vector<16xi32>,
            tpu.vector_store %arg6[%swap3A_800, %swap3A_801, %swap3A_802], %select_n3A_795 {strides = array<i32>} : memref<8x4x16xi32, #tpu.memory_space<vmem>>, vector<16xi32>,
            %get3A_804 = arith.constant 6 : i32
            %get3A_805 = arith.constant 1 : i32
            %get3A_806 = arith.index_cast %get3A_804 : i32 to index
            %get3A_807 = arith.index_cast %get3A_805 : i32 to index
            %get3A_808 = arith.constant 0 : index
            %get3A_809 = tpu.vector_load %arg6[%get3A_806, %get3A_807, %get3A_808] {strides = array<i32>} : memref<8x4x16xi32, #tpu.memory_space<vmem>>, vector<16xi32>,
            %gt3A_810 = arith.cmpf ogt, %select_n3A_796, %scan3A_643 : vector<16xf32>
            %select_n3A_811 = arith.select %gt3A_810, %select_n3A_796, %scan3A_643 : vector<16xi1>, vector<16xf32>
            %select_n3A_812 = arith.select %gt3A_810, %select_n3A_797, %get3A_809 : vector<16xi1>, vector<16xi32>
            %select_n3A_813 = arith.select %gt3A_810, %scan3A_643, %select_n3A_796 : vector<16xi1>, vector<16xf32>
            %select_n3A_814 = arith.select %gt3A_810, %get3A_809, %select_n3A_797 : vector<16xi1>, vector<16xi32>
            %swap3A_815 = arith.constant 6 : i32
            %swap3A_816 = arith.constant 1 : i32
            %swap3A_817 = arith.index_cast %swap3A_815 : i32 to index
            %swap3A_818 = arith.index_cast %swap3A_816 : i32 to index
            %swap3A_819 = arith.constant 0 : index
            %swap3A_820 = tpu.vector_load %arg6[%swap3A_817, %swap3A_818, %swap3A_819] {strides = array<i32>} : memref<8x4x16xi32, #tpu.memory_space<vmem>>, vector<16xi32>,
            tpu.vector_store %arg6[%swap3A_817, %swap3A_818, %swap3A_819], %select_n3A_812 {strides = array<i32>} : memref<8x4x16xi32, #tpu.memory_space<vmem>>, vector<16xi32>,
            %get3A_821 = arith.constant 6 : i32
            %get3A_822 = arith.constant 2 : i32
            %get3A_823 = arith.index_cast %get3A_821 : i32 to index
            %get3A_824 = arith.index_cast %get3A_822 : i32 to index
            %get3A_825 = arith.constant 0 : index
            %get3A_826 = tpu.vector_load %arg6[%get3A_823, %get3A_824, %get3A_825] {strides = array<i32>} : memref<8x4x16xi32, #tpu.memory_space<vmem>>, vector<16xi32>,
            %gt3A_827 = arith.cmpf ogt, %select_n3A_813, %scan3A_644 : vector<16xf32>
            %select_n3A_828 = arith.select %gt3A_827, %select_n3A_813, %scan3A_644 : vector<16xi1>, vector<16xf32>
            %select_n3A_829 = arith.select %gt3A_827, %select_n3A_814, %get3A_826 : vector<16xi1>, vector<16xi32>
            %select_n3A_830 = arith.select %gt3A_827, %scan3A_644, %select_n3A_813 : vector<16xi1>, vector<16xf32>
            %select_n3A_831 = arith.select %gt3A_827, %get3A_826, %select_n3A_814 : vector<16xi1>, vector<16xi32>
            %swap3A_832 = arith.constant 6 : i32
            %swap3A_833 = arith.constant 2 : i32
            %swap3A_834 = arith.index_cast %swap3A_832 : i32 to index
            %swap3A_835 = arith.index_cast %swap3A_833 : i32 to index
            %swap3A_836 = arith.constant 0 : index
            %swap3A_837 = tpu.vector_load %arg6[%swap3A_834, %swap3A_835, %swap3A_836] {strides = array<i32>} : memref<8x4x16xi32, #tpu.memory_space<vmem>>, vector<16xi32>,
            tpu.vector_store %arg6[%swap3A_834, %swap3A_835, %swap3A_836], %select_n3A_829 {strides = array<i32>} : memref<8x4x16xi32, #tpu.memory_space<vmem>>, vector<16xi32>,
            %get3A_838 = arith.constant 6 : i32
            %get3A_839 = arith.constant 3 : i32
            %get3A_840 = arith.index_cast %get3A_838 : i32 to index
            %get3A_841 = arith.index_cast %get3A_839 : i32 to index
            %get3A_842 = arith.constant 0 : index
            %get3A_843 = tpu.vector_load %arg6[%get3A_840, %get3A_841, %get3A_842] {strides = array<i32>} : memref<8x4x16xi32, #tpu.memory_space<vmem>>, vector<16xi32>,
            %gt3A_844 = arith.cmpf ogt, %select_n3A_830, %scan3A_645 : vector<16xf32>
            %select_n3A_845 = arith.select %gt3A_844, %select_n3A_830, %scan3A_645 : vector<16xi1>, vector<16xf32>
            %select_n3A_846 = arith.select %gt3A_844, %select_n3A_831, %get3A_843 : vector<16xi1>, vector<16xi32>
            %select_n3A_847 = arith.select %gt3A_844, %scan3A_645, %select_n3A_830 : vector<16xi1>, vector<16xf32>
            %select_n3A_848 = arith.select %gt3A_844, %get3A_843, %select_n3A_831 : vector<16xi1>, vector<16xi32>
            %swap3A_849 = arith.constant 6 : i32
            %swap3A_850 = arith.constant 3 : i32
            %swap3A_851 = arith.index_cast %swap3A_849 : i32 to index
            %swap3A_852 = arith.index_cast %swap3A_850 : i32 to index
            %swap3A_853 = arith.constant 0 : index
            %swap3A_854 = tpu.vector_load %arg6[%swap3A_851, %swap3A_852, %swap3A_853] {strides = array<i32>} : memref<8x4x16xi32, #tpu.memory_space<vmem>>, vector<16xi32>,
            tpu.vector_store %arg6[%swap3A_851, %swap3A_852, %swap3A_853], %select_n3A_846 {strides = array<i32>} : memref<8x4x16xi32, #tpu.memory_space<vmem>>, vector<16xi32>,
            scf.yield %select_n3A_794, %select_n3A_811, %select_n3A_828, %select_n3A_845 : vector<16xf32>, vector<16xf32>, vector<16xf32>, vector<16xf32>
          } else {
            scf.yield %scan3A_642, %scan3A_643, %scan3A_644, %scan3A_645 : vector<16xf32>, vector<16xf32>, vector<16xf32>, vector<16xf32>
          }
          %gt3A_772 = arith.cmpf ogt, %get3A_684, %scan3A_649 : vector<16xf32>
          %all_reduce_population_count3A_773 = tpu.all_reduce %gt3A_772 {dim = 0 : i64, kind = #tpu.reduction_kind<sum>} : vector<16xi1> -> vector<16xi32>
          %slice3A_774 = vector.extract_strided_slice %all_reduce_population_count3A_773 {offsets = [0], sizes = [1], strides = [1]} : vector<16xi32> to vector<1xi32>
          %squeeze3A_775 = vector.extract %slice3A_774[0] : i32 from vector<1xi32>
          %gt3A_776 = arith.constant 0 : i32
          %gt3A_777 = arith.cmpi sgt, %squeeze3A_775, %gt3A_776 : i32
          %convert_element_type3A_778 = arith.extui %gt3A_777 : i1 to i32
          %cond3A_779 = arith.constant 0 : i32
          %cond3A_780 = arith.cmpi ne, %convert_element_type3A_778, %cond3A_779 : i32
          %cond3A_781:4 = scf.if %cond3A_780 -> (vector<16xf32>, vector<16xf32>, vector<16xf32>, vector<16xf32>) {
            %mul3A_782 = arith.constant 0 : i32
            %mul3A_783 = vector.broadcast %mul3A_782 : i32 to vector<16xi32>
            %mul3A_784 = arith.muli %iota3A, %mul3A_783 : vector<16xi32>
            %add3A_785 = vector.broadcast %add3A_652 : i32 to vector<16xi32>
            %add3A_786 = arith.addi %mul3A_784, %add3A_785 : vector<16xi32>
            %get3A_787 = arith.constant 7 : i32
            %get3A_788 = arith.constant 0 : i32
            %get3A_789 = arith.index_cast %get3A_787 : i32 to index
            %get3A_790 = arith.index_cast %get3A_788 : i32 to index
            %get3A_791 = arith.constant 0 : index
            %get3A_792 = tpu.vector_load %arg6[%get3A_789, %get3A_790, %get3A_791] {strides = array<i32>} : memref<8x4x16xi32, #tpu.memory_space<vmem>>, vector<16xi32>,
            %gt3A_793 = arith.cmpf ogt, %get3A_684, %scan3A_646 : vector<16xf32>
            %select_n3A_794 = arith.select %gt3A_793, %get3A_684, %scan3A_646 : vector<16xi1>, vector<16xf32>
            %select_n3A_795 = arith.select %gt3A_793, %add3A_786, %get3A_792 : vector<16xi1>, vector<16xi32>
            %select_n3A_796 = arith.select %gt3A_793, %scan3A_646, %get3A_684 : vector<16xi1>, vector<16xf32>
            %select_n3A_797 = arith.select %gt3A_793, %get3A_792, %add3A_786 : vector<16xi1>, vector<16xi32>
            %swap3A_798 = arith.constant 7 : i32
            %swap3A_799 = arith.constant 0 : i32
            %swap3A_800 = arith.index_cast %swap3A_798 : i32 to index
            %swap3A_801 = arith.index_cast %swap3A_799 : i32 to index
            %swap3A_802 = arith.constant 0 : index
            %swap3A_803 = tpu.vector_load %arg6[%swap3A_800, %swap3A_801, %swap3A_802] {strides = array<i32>} : memref<8x4x16xi32, #tpu.memory_space<vmem>>, vector<16xi32>,
            tpu.vector_store %arg6[%swap3A_800, %swap3A_801, %swap3A_802], %select_n3A_795 {strides = array<i32>} : memref<8x4x16xi32, #tpu.memory_space<vmem>>, vector<16xi32>,
            %get3A_804 = arith.constant 7 : i32
            %get3A_805 = arith.constant 1 : i32
            %get3A_806 = arith.index_cast %get3A_804 : i32 to index
            %get3A_807 = arith.index_cast %get3A_805 : i32 to index
            %get3A_808 = arith.constant 0 : index
            %get3A_809 = tpu.vector_load %arg6[%get3A_806, %get3A_807, %get3A_808] {strides = array<i32>} : memref<8x4x16xi32, #tpu.memory_space<vmem>>, vector<16xi32>,
            %gt3A_810 = arith.cmpf ogt, %select_n3A_796, %scan3A_647 : vector<16xf32>
            %select_n3A_811 = arith.select %gt3A_810, %select_n3A_796, %scan3A_647 : vector<16xi1>, vector<16xf32>
            %select_n3A_812 = arith.select %gt3A_810, %select_n3A_797, %get3A_809 : vector<16xi1>, vector<16xi32>
            %select_n3A_813 = arith.select %gt3A_810, %scan3A_647, %select_n3A_796 : vector<16xi1>, vector<16xf32>
            %select_n3A_814 = arith.select %gt3A_810, %get3A_809, %select_n3A_797 : vector<16xi1>, vector<16xi32>
            %swap3A_815 = arith.constant 7 : i32
            %swap3A_816 = arith.constant 1 : i32
            %swap3A_817 = arith.index_cast %swap3A_815 : i32 to index
            %swap3A_818 = arith.index_cast %swap3A_816 : i32 to index
            %swap3A_819 = arith.constant 0 : index
            %swap3A_820 = tpu.vector_load %arg6[%swap3A_817, %swap3A_818, %swap3A_819] {strides = array<i32>} : memref<8x4x16xi32, #tpu.memory_space<vmem>>, vector<16xi32>,
            tpu.vector_store %arg6[%swap3A_817, %swap3A_818, %swap3A_819], %select_n3A_812 {strides = array<i32>} : memref<8x4x16xi32, #tpu.memory_space<vmem>>, vector<16xi32>,
            %get3A_821 = arith.constant 7 : i32
            %get3A_822 = arith.constant 2 : i32
            %get3A_823 = arith.index_cast %get3A_821 : i32 to index
            %get3A_824 = arith.index_cast %get3A_822 : i32 to index
            %get3A_825 = arith.constant 0 : index
            %get3A_826 = tpu.vector_load %arg6[%get3A_823, %get3A_824, %get3A_825] {strides = array<i32>} : memref<8x4x16xi32, #tpu.memory_space<vmem>>, vector<16xi32>,
            %gt3A_827 = arith.cmpf ogt, %select_n3A_813, %scan3A_648 : vector<16xf32>
            %select_n3A_828 = arith.select %gt3A_827, %select_n3A_813, %scan3A_648 : vector<16xi1>, vector<16xf32>
            %select_n3A_829 = arith.select %gt3A_827, %select_n3A_814, %get3A_826 : vector<16xi1>, vector<16xi32>
            %select_n3A_830 = arith.select %gt3A_827, %scan3A_648, %select_n3A_813 : vector<16xi1>, vector<16xf32>
            %select_n3A_831 = arith.select %gt3A_827, %get3A_826, %select_n3A_814 : vector<16xi1>, vector<16xi32>
            %swap3A_832 = arith.constant 7 : i32
            %swap3A_833 = arith.constant 2 : i32
            %swap3A_834 = arith.index_cast %swap3A_832 : i32 to index
            %swap3A_835 = arith.index_cast %swap3A_833 : i32 to index
            %swap3A_836 = arith.constant 0 : index
            %swap3A_837 = tpu.vector_load %arg6[%swap3A_834, %swap3A_835, %swap3A_836] {strides = array<i32>} : memref<8x4x16xi32, #tpu.memory_space<vmem>>, vector<16xi32>,
            tpu.vector_store %arg6[%swap3A_834, %swap3A_835, %swap3A_836], %select_n3A_829 {strides = array<i32>} : memref<8x4x16xi32, #tpu.memory_space<vmem>>, vector<16xi32>,
            %get3A_838 = arith.constant 7 : i32
            %get3A_839 = arith.constant 3 : i32
            %get3A_840 = arith.index_cast %get3A_838 : i32 to index
            %get3A_841 = arith.index_cast %get3A_839 : i32 to index
            %get3A_842 = arith.constant 0 : index
            %get3A_843 = tpu.vector_load %arg6[%get3A_840, %get3A_841, %get3A_842] {strides = array<i32>} : memref<8x4x16xi32, #tpu.memory_space<vmem>>, vector<16xi32>,
            %gt3A_844 = arith.cmpf ogt, %select_n3A_830, %scan3A_649 : vector<16xf32>
            %select_n3A_845 = arith.select %gt3A_844, %select_n3A_830, %scan3A_649 : vector<16xi1>, vector<16xf32>
            %select_n3A_846 = arith.select %gt3A_844, %select_n3A_831, %get3A_843 : vector<16xi1>, vector<16xi32>
            %select_n3A_847 = arith.select %gt3A_844, %scan3A_649, %select_n3A_830 : vector<16xi1>, vector<16xf32>
            %select_n3A_848 = arith.select %gt3A_844, %get3A_843, %select_n3A_831 : vector<16xi1>, vector<16xi32>
            %swap3A_849 = arith.constant 7 : i32
            %swap3A_850 = arith.constant 3 : i32
            %swap3A_851 = arith.index_cast %swap3A_849 : i32 to index
            %swap3A_852 = arith.index_cast %swap3A_850 : i32 to index
            %swap3A_853 = arith.constant 0 : index
            %swap3A_854 = tpu.vector_load %arg6[%swap3A_851, %swap3A_852, %swap3A_853] {strides = array<i32>} : memref<8x4x16xi32, #tpu.memory_space<vmem>>, vector<16xi32>,
            tpu.vector_store %arg6[%swap3A_851, %swap3A_852, %swap3A_853], %select_n3A_846 {strides = array<i32>} : memref<8x4x16xi32, #tpu.memory_space<vmem>>, vector<16xi32>,
            scf.yield %select_n3A_794, %select_n3A_811, %select_n3A_828, %select_n3A_845 : vector<16xf32>, vector<16xf32>, vector<16xf32>, vector<16xf32>
          } else {
            scf.yield %scan3A_646, %scan3A_647, %scan3A_648, %scan3A_649 : vector<16xf32>, vector<16xf32>, vector<16xf32>, vector<16xf32>
          }
          scf.yield %cond3A_711#0, %cond3A_711#1, %cond3A_711#2, %cond3A_711#3, %cond3A_721#0, %cond3A_721#1, %cond3A_721#2, %cond3A_721#3, %cond3A_731#0, %cond3A_731#1, %cond3A_731#2, %cond3A_731#3, %cond3A_741#0, %cond3A_741#1, %cond3A_741#2, %cond3A_741#3, %cond3A_751#0, %cond3A_751#1, %cond3A_751#2, %cond3A_751#3, %cond3A_761#0, %cond3A_761#1, %cond3A_761#2, %cond3A_761#3, %cond3A_771#0, %cond3A_771#1, %cond3A_771#2, %cond3A_771#3, %cond3A_781#0, %cond3A_781#1, %cond3A_781#2, %cond3A_781#3 : vector<16xf32>, vector<16xf32>, vector<16xf32>, vector<16xf32>, vector<16xf32>, vector<16xf32>, vector<16xf32>, vector<16xf32>, vector<16xf32>, vector<16xf32>, vector<16xf32>, vector<16xf32>, vector<16xf32>, vector<16xf32>, vector<16xf32>, vector<16xf32>, vector<16xf32>, vector<16xf32>, vector<16xf32>, vector<16xf32>, vector<16xf32>, vector<16xf32>, vector<16xf32>, vector<16xf32>, vector<16xf32>, vector<16xf32>, vector<16xf32>, vector<16xf32>, vector<16xf32>, vector<16xf32>, vector<16xf32>, vector<16xf32>
        } else {
          scf.yield %scan3A_618, %scan3A_619, %scan3A_620, %scan3A_621, %scan3A_622, %scan3A_623, %scan3A_624, %scan3A_625, %scan3A_626, %scan3A_627, %scan3A_628, %scan3A_629, %scan3A_630, %scan3A_631, %scan3A_632, %scan3A_633, %scan3A_634, %scan3A_635, %scan3A_636, %scan3A_637, %scan3A_638, %scan3A_639, %scan3A_640, %scan3A_641, %scan3A_642, %scan3A_643, %scan3A_644, %scan3A_645, %scan3A_646, %scan3A_647, %scan3A_648, %scan3A_649 : vector<16xf32>, vector<16xf32>, vector<16xf32>, vector<16xf32>, vector<16xf32>, vector<16xf32>, vector<16xf32>, vector<16xf32>, vector<16xf32>, vector<16xf32>, vector<16xf32>, vector<16xf32>, vector<16xf32>, vector<16xf32>, vector<16xf32>, vector<16xf32>, vector<16xf32>, vector<16xf32>, vector<16xf32>, vector<16xf32>, vector<16xf32>, vector<16xf32>, vector<16xf32>, vector<16xf32>, vector<16xf32>, vector<16xf32>, vector<16xf32>, vector<16xf32>, vector<16xf32>, vector<16xf32>, vector<16xf32>, vector<16xf32>
        }
        scf.yield %cond3A_701#0, %cond3A_701#1, %cond3A_701#2, %cond3A_701#3, %cond3A_701#4, %cond3A_701#5, %cond3A_701#6, %cond3A_701#7, %cond3A_701#8, %cond3A_701#9, %cond3A_701#10, %cond3A_701#11, %cond3A_701#12, %cond3A_701#13, %cond3A_701#14, %cond3A_701#15, %cond3A_701#16, %cond3A_701#17, %cond3A_701#18, %cond3A_701#19, %cond3A_701#20, %cond3A_701#21, %cond3A_701#22, %cond3A_701#23, %cond3A_701#24, %cond3A_701#25, %cond3A_701#26, %cond3A_701#27, %cond3A_701#28, %cond3A_701#29, %cond3A_701#30, %cond3A_701#31 : vector<16xf32>, vector<16xf32>, vector<16xf32>, vector<16xf32>, vector<16xf32>, vector<16xf32>, vector<16xf32>, vector<16xf32>, vector<16xf32>, vector<16xf32>, vector<16xf32>, vector<16xf32>, vector<16xf32>, vector<16xf32>, vector<16xf32>, vector<16xf32>, vector<16xf32>, vector<16xf32>, vector<16xf32>, vector<16xf32>, vector<16xf32>, vector<16xf32>, vector<16xf32>, vector<16xf32>, vector<16xf32>, vector<16xf32>, vector<16xf32>, vector<16xf32>, vector<16xf32>, vector<16xf32>, vector<16xf32>, vector<16xf32>
      }
      %scan3A_616 = arith.constant 400 : i32
      scf.yield %scan3A_615#0, %scan3A_615#1, %scan3A_615#2, %scan3A_615#3, %scan3A_615#4, %scan3A_615#5, %scan3A_615#6, %scan3A_615#7, %scan3A_615#8, %scan3A_615#9, %scan3A_615#10, %scan3A_615#11, %scan3A_615#12, %scan3A_615#13, %scan3A_615#14, %scan3A_615#15, %scan3A_615#16, %scan3A_615#17, %scan3A_615#18, %scan3A_615#19, %scan3A_615#20, %scan3A_615#21, %scan3A_615#22, %scan3A_615#23, %scan3A_615#24, %scan3A_615#25, %scan3A_615#26, %scan3A_615#27, %scan3A_615#28, %scan3A_615#29, %scan3A_615#30, %scan3A_615#31 : vector<16xf32>, vector<16xf32>, vector<16xf32>, vector<16xf32>, vector<16xf32>, vector<16xf32>, vector<16xf32>, vector<16xf32>, vector<16xf32>, vector<16xf32>, vector<16xf32>, vector<16xf32>, vector<16xf32>, vector<16xf32>, vector<16xf32>, vector<16xf32>, vector<16xf32>, vector<16xf32>, vector<16xf32>, vector<16xf32>, vector<16xf32>, vector<16xf32>, vector<16xf32>, vector<16xf32>, vector<16xf32>, vector<16xf32>, vector<16xf32>, vector<16xf32>, vector<16xf32>, vector<16xf32>, vector<16xf32>, vector<16xf32>
    }
    %dma_wait3A = arith.constant 0 : i32
    %dma_wait3A_75 = arith.constant 0 : i32
    %dma_wait3A_76 = arith.constant 0 : i32
    %dma_wait3A_77 = tpu.memref_slice %arg5[%dma_wait3A, %dma_wait3A_75, %dma_wait3A_76] : memref<2x400x128xf32, #tpu.memory_space<vmem>> -> memref<1x400x128xf32, #tpu.memory_space<vmem>>
    %dma_wait3A_78 = tpu.memref_squeeze %dma_wait3A_77 : memref<1x400x128xf32, #tpu.memory_space<vmem>> -> memref<400x128xf32, #tpu.memory_space<vmem>>
    %dma_wait3A_79 = arith.constant 0 : i32
    %dma_wait3A_80 = arith.constant 0 : i32
    %dma_wait3A_81 = tpu.memref_slice %arg2[%select_n3A, %dma_wait3A_79, %dma_wait3A_80] : memref<4x100000x128xf32, #tpu.memory_space<hbm>> -> memref<1x400x128xf32, #tpu.memory_space<hbm>>
    %dma_wait3A_82 = tpu.memref_squeeze %dma_wait3A_81 : memref<1x400x128xf32, #tpu.memory_space<hbm>> -> memref<400x128xf32, #tpu.memory_space<hbm>>
    %dma_wait3A_83 = arith.constant 0 : i32
    %dma_wait3A_84 = arith.constant 0 : i32
    %dma_wait3A_85 = tpu.memref_slice %arg5[%dma_wait3A, %dma_wait3A_83, %dma_wait3A_84] : memref<2x400x128xf32, #tpu.memory_space<vmem>> -> memref<1x400x128xf32, #tpu.memory_space<vmem>>
    %dma_wait3A_86 = tpu.memref_squeeze %dma_wait3A_85 : memref<1x400x128xf32, #tpu.memory_space<vmem>> -> memref<400x128xf32, #tpu.memory_space<vmem>>
    %dma_wait3A_87 = arith.constant 0 : i32
    %dma_wait3A_88 = arith.constant 0 : i32
    %dma_wait3A_89 = tpu.memref_slice %arg2[%select_n3A, %dma_wait3A_87, %dma_wait3A_88] : memref<4x100000x128xf32, #tpu.memory_space<hbm>> -> memref<1x400x128xf32, #tpu.memory_space<hbm>>
    %dma_wait3A_90 = tpu.memref_squeeze %dma_wait3A_89 : memref<1x400x128xf32, #tpu.memory_space<hbm>> -> memref<400x128xf32, #tpu.memory_space<hbm>>
    tpu.wait_dma2 semaphore(%arg9 : memref<!tpu.dma_semaphore, #tpu.memory_space<semaphore_mem>>) src(%dma_wait3A_90 : memref<400x128xf32, #tpu.memory_space<hbm>>) dst(%dma_wait3A_86 : memref<400x128xf32, #tpu.memory_space<vmem>>)
    %swap3A = arith.constant 0 : i32
    %swap3A_91 = arith.index_cast %swap3A : i32 to index
    %swap3A_92 = arith.constant 0 : index
    %swap3A_93 = tpu.vector_load %arg7[%swap3A_91, %swap3A_92] {strides = array<i32>} : memref<4x128xf32, #tpu.memory_space<vmem>>, vector<16xf32>,
    tpu.vector_store %arg7[%swap3A_91, %swap3A_92], %while3A_74#0 {strides = array<i32>} : memref<4x128xf32, #tpu.memory_space<vmem>>, vector<16xf32>,
    %get3A = arith.constant 0 : i32
    %get3A_94 = arith.constant 0 : i32
    %get3A_95 = arith.index_cast %get3A : i32 to index
    %get3A_96 = arith.index_cast %get3A_94 : i32 to index
    %get3A_97 = arith.constant 0 : index
    %get3A_98 = tpu.vector_load %arg6[%get3A_95, %get3A_96, %get3A_97] {strides = array<i32>} : memref<8x4x16xi32, #tpu.memory_space<vmem>>, vector<16xi32>,
    %swap3A_99 = arith.constant 0 : i32
    %swap3A_100 = arith.index_cast %swap3A_99 : i32 to index
    %swap3A_101 = arith.constant 0 : index
    %swap3A_102 = tpu.vector_load %arg8[%swap3A_100, %swap3A_101] {strides = array<i32>} : memref<4x128xi32, #tpu.memory_space<vmem>>, vector<16xi32>,
    tpu.vector_store %arg8[%swap3A_100, %swap3A_101], %get3A_98 {strides = array<i32>} : memref<4x128xi32, #tpu.memory_space<vmem>>, vector<16xi32>,
    %swap3A_103 = arith.constant 0 : i32
    %swap3A_104 = arith.index_cast %swap3A_103 : i32 to index
    %swap3A_105 = arith.constant 16 : index
    %swap3A_106 = tpu.vector_load %arg7[%swap3A_104, %swap3A_105] {strides = array<i32>} : memref<4x128xf32, #tpu.memory_space<vmem>>, vector<16xf32>,
    tpu.vector_store %arg7[%swap3A_104, %swap3A_105], %while3A_74#4 {strides = array<i32>} : memref<4x128xf32, #tpu.memory_space<vmem>>, vector<16xf32>,
    %get3A_107 = arith.constant 1 : i32
    %get3A_108 = arith.constant 0 : i32
    %get3A_109 = arith.index_cast %get3A_107 : i32 to index
    %get3A_110 = arith.index_cast %get3A_108 : i32 to index
    %get3A_111 = arith.constant 0 : index
    %get3A_112 = tpu.vector_load %arg6[%get3A_109, %get3A_110, %get3A_111] {strides = array<i32>} : memref<8x4x16xi32, #tpu.memory_space<vmem>>, vector<16xi32>,
    %swap3A_113 = arith.constant 0 : i32
    %swap3A_114 = arith.index_cast %swap3A_113 : i32 to index
    %swap3A_115 = arith.constant 16 : index
    %swap3A_116 = tpu.vector_load %arg8[%swap3A_114, %swap3A_115] {strides = array<i32>} : memref<4x128xi32, #tpu.memory_space<vmem>>, vector<16xi32>,
    tpu.vector_store %arg8[%swap3A_114, %swap3A_115], %get3A_112 {strides = array<i32>} : memref<4x128xi32, #tpu.memory_space<vmem>>, vector<16xi32>,
    %swap3A_117 = arith.constant 0 : i32
    %swap3A_118 = arith.index_cast %swap3A_117 : i32 to index
    %swap3A_119 = arith.constant 32 : index
    %swap3A_120 = tpu.vector_load %arg7[%swap3A_118, %swap3A_119] {strides = array<i32>} : memref<4x128xf32, #tpu.memory_space<vmem>>, vector<16xf32>,
    tpu.vector_store %arg7[%swap3A_118, %swap3A_119], %while3A_74#8 {strides = array<i32>} : memref<4x128xf32, #tpu.memory_space<vmem>>, vector<16xf32>,
    %get3A_121 = arith.constant 2 : i32
    %get3A_122 = arith.constant 0 : i32
    %get3A_123 = arith.index_cast %get3A_121 : i32 to index
    %get3A_124 = arith.index_cast %get3A_122 : i32 to index
    %get3A_125 = arith.constant 0 : index
    %get3A_126 = tpu.vector_load %arg6[%get3A_123, %get3A_124, %get3A_125] {strides = array<i32>} : memref<8x4x16xi32, #tpu.memory_space<vmem>>, vector<16xi32>,
    %swap3A_127 = arith.constant 0 : i32
    %swap3A_128 = arith.index_cast %swap3A_127 : i32 to index
    %swap3A_129 = arith.constant 32 : index
    %swap3A_130 = tpu.vector_load %arg8[%swap3A_128, %swap3A_129] {strides = array<i32>} : memref<4x128xi32, #tpu.memory_space<vmem>>, vector<16xi32>,
    tpu.vector_store %arg8[%swap3A_128, %swap3A_129], %get3A_126 {strides = array<i32>} : memref<4x128xi32, #tpu.memory_space<vmem>>, vector<16xi32>,
    %swap3A_131 = arith.constant 0 : i32
    %swap3A_132 = arith.index_cast %swap3A_131 : i32 to index
    %swap3A_133 = arith.constant 48 : index
    %swap3A_134 = tpu.vector_load %arg7[%swap3A_132, %swap3A_133] {strides = array<i32>} : memref<4x128xf32, #tpu.memory_space<vmem>>, vector<16xf32>,
    tpu.vector_store %arg7[%swap3A_132, %swap3A_133], %while3A_74#12 {strides = array<i32>} : memref<4x128xf32, #tpu.memory_space<vmem>>, vector<16xf32>,
    %get3A_135 = arith.constant 3 : i32
    %get3A_136 = arith.constant 0 : i32
    %get3A_137 = arith.index_cast %get3A_135 : i32 to index
    %get3A_138 = arith.index_cast %get3A_136 : i32 to index
    %get3A_139 = arith.constant 0 : index
    %get3A_140 = tpu.vector_load %arg6[%get3A_137, %get3A_138, %get3A_139] {strides = array<i32>} : memref<8x4x16xi32, #tpu.memory_space<vmem>>, vector<16xi32>,
    %swap3A_141 = arith.constant 0 : i32
    %swap3A_142 = arith.index_cast %swap3A_141 : i32 to index
    %swap3A_143 = arith.constant 48 : index
    %swap3A_144 = tpu.vector_load %arg8[%swap3A_142, %swap3A_143] {strides = array<i32>} : memref<4x128xi32, #tpu.memory_space<vmem>>, vector<16xi32>,
    tpu.vector_store %arg8[%swap3A_142, %swap3A_143], %get3A_140 {strides = array<i32>} : memref<4x128xi32, #tpu.memory_space<vmem>>, vector<16xi32>,
    %swap3A_145 = arith.constant 0 : i32
    %swap3A_146 = arith.index_cast %swap3A_145 : i32 to index
    %swap3A_147 = arith.constant 64 : index
    %swap3A_148 = tpu.vector_load %arg7[%swap3A_146, %swap3A_147] {strides = array<i32>} : memref<4x128xf32, #tpu.memory_space<vmem>>, vector<16xf32>,
    tpu.vector_store %arg7[%swap3A_146, %swap3A_147], %while3A_74#16 {strides = array<i32>} : memref<4x128xf32, #tpu.memory_space<vmem>>, vector<16xf32>,
    %get3A_149 = arith.constant 4 : i32
    %get3A_150 = arith.constant 0 : i32
    %get3A_151 = arith.index_cast %get3A_149 : i32 to index
    %get3A_152 = arith.index_cast %get3A_150 : i32 to index
    %get3A_153 = arith.constant 0 : index
    %get3A_154 = tpu.vector_load %arg6[%get3A_151, %get3A_152, %get3A_153] {strides = array<i32>} : memref<8x4x16xi32, #tpu.memory_space<vmem>>, vector<16xi32>,
    %swap3A_155 = arith.constant 0 : i32
    %swap3A_156 = arith.index_cast %swap3A_155 : i32 to index
    %swap3A_157 = arith.constant 64 : index
    %swap3A_158 = tpu.vector_load %arg8[%swap3A_156, %swap3A_157] {strides = array<i32>} : memref<4x128xi32, #tpu.memory_space<vmem>>, vector<16xi32>,
    tpu.vector_store %arg8[%swap3A_156, %swap3A_157], %get3A_154 {strides = array<i32>} : memref<4x128xi32, #tpu.memory_space<vmem>>, vector<16xi32>,
    %swap3A_159 = arith.constant 0 : i32
    %swap3A_160 = arith.index_cast %swap3A_159 : i32 to index
    %swap3A_161 = arith.constant 80 : index
    %swap3A_162 = tpu.vector_load %arg7[%swap3A_160, %swap3A_161] {strides = array<i32>} : memref<4x128xf32, #tpu.memory_space<vmem>>, vector<16xf32>,
    tpu.vector_store %arg7[%swap3A_160, %swap3A_161], %while3A_74#20 {strides = array<i32>} : memref<4x128xf32, #tpu.memory_space<vmem>>, vector<16xf32>,
    %get3A_163 = arith.constant 5 : i32
    %get3A_164 = arith.constant 0 : i32
    %get3A_165 = arith.index_cast %get3A_163 : i32 to index
    %get3A_166 = arith.index_cast %get3A_164 : i32 to index
    %get3A_167 = arith.constant 0 : index
    %get3A_168 = tpu.vector_load %arg6[%get3A_165, %get3A_166, %get3A_167] {strides = array<i32>} : memref<8x4x16xi32, #tpu.memory_space<vmem>>, vector<16xi32>,
    %swap3A_169 = arith.constant 0 : i32
    %swap3A_170 = arith.index_cast %swap3A_169 : i32 to index
    %swap3A_171 = arith.constant 80 : index
    %swap3A_172 = tpu.vector_load %arg8[%swap3A_170, %swap3A_171] {strides = array<i32>} : memref<4x128xi32, #tpu.memory_space<vmem>>, vector<16xi32>,
    tpu.vector_store %arg8[%swap3A_170, %swap3A_171], %get3A_168 {strides = array<i32>} : memref<4x128xi32, #tpu.memory_space<vmem>>, vector<16xi32>,
    %swap3A_173 = arith.constant 0 : i32
    %swap3A_174 = arith.index_cast %swap3A_173 : i32 to index
    %swap3A_175 = arith.constant 96 : index
    %swap3A_176 = tpu.vector_load %arg7[%swap3A_174, %swap3A_175] {strides = array<i32>} : memref<4x128xf32, #tpu.memory_space<vmem>>, vector<16xf32>,
    tpu.vector_store %arg7[%swap3A_174, %swap3A_175], %while3A_74#24 {strides = array<i32>} : memref<4x128xf32, #tpu.memory_space<vmem>>, vector<16xf32>,
    %get3A_177 = arith.constant 6 : i32
    %get3A_178 = arith.constant 0 : i32
    %get3A_179 = arith.index_cast %get3A_177 : i32 to index
    %get3A_180 = arith.index_cast %get3A_178 : i32 to index
    %get3A_181 = arith.constant 0 : index
    %get3A_182 = tpu.vector_load %arg6[%get3A_179, %get3A_180, %get3A_181] {strides = array<i32>} : memref<8x4x16xi32, #tpu.memory_space<vmem>>, vector<16xi32>,
    %swap3A_183 = arith.constant 0 : i32
    %swap3A_184 = arith.index_cast %swap3A_183 : i32 to index
    %swap3A_185 = arith.constant 96 : index
    %swap3A_186 = tpu.vector_load %arg8[%swap3A_184, %swap3A_185] {strides = array<i32>} : memref<4x128xi32, #tpu.memory_space<vmem>>, vector<16xi32>,
    tpu.vector_store %arg8[%swap3A_184, %swap3A_185], %get3A_182 {strides = array<i32>} : memref<4x128xi32, #tpu.memory_space<vmem>>, vector<16xi32>,
    %swap3A_187 = arith.constant 0 : i32
    %swap3A_188 = arith.index_cast %swap3A_187 : i32 to index
    %swap3A_189 = arith.constant 112 : index
    %swap3A_190 = tpu.vector_load %arg7[%swap3A_188, %swap3A_189] {strides = array<i32>} : memref<4x128xf32, #tpu.memory_space<vmem>>, vector<16xf32>,
    tpu.vector_store %arg7[%swap3A_188, %swap3A_189], %while3A_74#28 {strides = array<i32>} : memref<4x128xf32, #tpu.memory_space<vmem>>, vector<16xf32>,
    %get3A_191 = arith.constant 7 : i32
    %get3A_192 = arith.constant 0 : i32
    %get3A_193 = arith.index_cast %get3A_191 : i32 to index
    %get3A_194 = arith.index_cast %get3A_192 : i32 to index
    %get3A_195 = arith.constant 0 : index
    %get3A_196 = tpu.vector_load %arg6[%get3A_193, %get3A_194, %get3A_195] {strides = array<i32>} : memref<8x4x16xi32, #tpu.memory_space<vmem>>, vector<16xi32>,
    %swap3A_197 = arith.constant 0 : i32
    %swap3A_198 = arith.index_cast %swap3A_197 : i32 to index
    %swap3A_199 = arith.constant 112 : index
    %swap3A_200 = tpu.vector_load %arg8[%swap3A_198, %swap3A_199] {strides = array<i32>} : memref<4x128xi32, #tpu.memory_space<vmem>>, vector<16xi32>,
    tpu.vector_store %arg8[%swap3A_198, %swap3A_199], %get3A_196 {strides = array<i32>} : memref<4x128xi32, #tpu.memory_space<vmem>>, vector<16xi32>,
    %swap3A_201 = arith.constant 1 : i32
    %swap3A_202 = arith.index_cast %swap3A_201 : i32 to index
    %swap3A_203 = arith.constant 0 : index
    %swap3A_204 = tpu.vector_load %arg7[%swap3A_202, %swap3A_203] {strides = array<i32>} : memref<4x128xf32, #tpu.memory_space<vmem>>, vector<16xf32>,
    tpu.vector_store %arg7[%swap3A_202, %swap3A_203], %while3A_74#1 {strides = array<i32>} : memref<4x128xf32, #tpu.memory_space<vmem>>, vector<16xf32>,
    %get3A_205 = arith.constant 0 : i32
    %get3A_206 = arith.constant 1 : i32
    %get3A_207 = arith.index_cast %get3A_205 : i32 to index
    %get3A_208 = arith.index_cast %get3A_206 : i32 to index
    %get3A_209 = arith.constant 0 : index
    %get3A_210 = tpu.vector_load %arg6[%get3A_207, %get3A_208, %get3A_209] {strides = array<i32>} : memref<8x4x16xi32, #tpu.memory_space<vmem>>, vector<16xi32>,
    %swap3A_211 = arith.constant 1 : i32
    %swap3A_212 = arith.index_cast %swap3A_211 : i32 to index
    %swap3A_213 = arith.constant 0 : index
    %swap3A_214 = tpu.vector_load %arg8[%swap3A_212, %swap3A_213] {strides = array<i32>} : memref<4x128xi32, #tpu.memory_space<vmem>>, vector<16xi32>,
    tpu.vector_store %arg8[%swap3A_212, %swap3A_213], %get3A_210 {strides = array<i32>} : memref<4x128xi32, #tpu.memory_space<vmem>>, vector<16xi32>,
    %swap3A_215 = arith.constant 1 : i32
    %swap3A_216 = arith.index_cast %swap3A_215 : i32 to index
    %swap3A_217 = arith.constant 16 : index
    %swap3A_218 = tpu.vector_load %arg7[%swap3A_216, %swap3A_217] {strides = array<i32>} : memref<4x128xf32, #tpu.memory_space<vmem>>, vector<16xf32>,
    tpu.vector_store %arg7[%swap3A_216, %swap3A_217], %while3A_74#5 {strides = array<i32>} : memref<4x128xf32, #tpu.memory_space<vmem>>, vector<16xf32>,
    %get3A_219 = arith.constant 1 : i32
    %get3A_220 = arith.constant 1 : i32
    %get3A_221 = arith.index_cast %get3A_219 : i32 to index
    %get3A_222 = arith.index_cast %get3A_220 : i32 to index
    %get3A_223 = arith.constant 0 : index
    %get3A_224 = tpu.vector_load %arg6[%get3A_221, %get3A_222, %get3A_223] {strides = array<i32>} : memref<8x4x16xi32, #tpu.memory_space<vmem>>, vector<16xi32>,
    %swap3A_225 = arith.constant 1 : i32
    %swap3A_226 = arith.index_cast %swap3A_225 : i32 to index
    %swap3A_227 = arith.constant 16 : index
    %swap3A_228 = tpu.vector_load %arg8[%swap3A_226, %swap3A_227] {strides = array<i32>} : memref<4x128xi32, #tpu.memory_space<vmem>>, vector<16xi32>,
    tpu.vector_store %arg8[%swap3A_226, %swap3A_227], %get3A_224 {strides = array<i32>} : memref<4x128xi32, #tpu.memory_space<vmem>>, vector<16xi32>,
    %swap3A_229 = arith.constant 1 : i32
    %swap3A_230 = arith.index_cast %swap3A_229 : i32 to index
    %swap3A_231 = arith.constant 32 : index
    %swap3A_232 = tpu.vector_load %arg7[%swap3A_230, %swap3A_231] {strides = array<i32>} : memref<4x128xf32, #tpu.memory_space<vmem>>, vector<16xf32>,
    tpu.vector_store %arg7[%swap3A_230, %swap3A_231], %while3A_74#9 {strides = array<i32>} : memref<4x128xf32, #tpu.memory_space<vmem>>, vector<16xf32>,
    %get3A_233 = arith.constant 2 : i32
    %get3A_234 = arith.constant 1 : i32
    %get3A_235 = arith.index_cast %get3A_233 : i32 to index
    %get3A_236 = arith.index_cast %get3A_234 : i32 to index
    %get3A_237 = arith.constant 0 : index
    %get3A_238 = tpu.vector_load %arg6[%get3A_235, %get3A_236, %get3A_237] {strides = array<i32>} : memref<8x4x16xi32, #tpu.memory_space<vmem>>, vector<16xi32>,
    %swap3A_239 = arith.constant 1 : i32
    %swap3A_240 = arith.index_cast %swap3A_239 : i32 to index
    %swap3A_241 = arith.constant 32 : index
    %swap3A_242 = tpu.vector_load %arg8[%swap3A_240, %swap3A_241] {strides = array<i32>} : memref<4x128xi32, #tpu.memory_space<vmem>>, vector<16xi32>,
    tpu.vector_store %arg8[%swap3A_240, %swap3A_241], %get3A_238 {strides = array<i32>} : memref<4x128xi32, #tpu.memory_space<vmem>>, vector<16xi32>,
    %swap3A_243 = arith.constant 1 : i32
    %swap3A_244 = arith.index_cast %swap3A_243 : i32 to index
    %swap3A_245 = arith.constant 48 : index
    %swap3A_246 = tpu.vector_load %arg7[%swap3A_244, %swap3A_245] {strides = array<i32>} : memref<4x128xf32, #tpu.memory_space<vmem>>, vector<16xf32>,
    tpu.vector_store %arg7[%swap3A_244, %swap3A_245], %while3A_74#13 {strides = array<i32>} : memref<4x128xf32, #tpu.memory_space<vmem>>, vector<16xf32>,
    %get3A_247 = arith.constant 3 : i32
    %get3A_248 = arith.constant 1 : i32
    %get3A_249 = arith.index_cast %get3A_247 : i32 to index
    %get3A_250 = arith.index_cast %get3A_248 : i32 to index
    %get3A_251 = arith.constant 0 : index
    %get3A_252 = tpu.vector_load %arg6[%get3A_249, %get3A_250, %get3A_251] {strides = array<i32>} : memref<8x4x16xi32, #tpu.memory_space<vmem>>, vector<16xi32>,
    %swap3A_253 = arith.constant 1 : i32
    %swap3A_254 = arith.index_cast %swap3A_253 : i32 to index
    %swap3A_255 = arith.constant 48 : index
    %swap3A_256 = tpu.vector_load %arg8[%swap3A_254, %swap3A_255] {strides = array<i32>} : memref<4x128xi32, #tpu.memory_space<vmem>>, vector<16xi32>,
    tpu.vector_store %arg8[%swap3A_254, %swap3A_255], %get3A_252 {strides = array<i32>} : memref<4x128xi32, #tpu.memory_space<vmem>>, vector<16xi32>,
    %swap3A_257 = arith.constant 1 : i32
    %swap3A_258 = arith.index_cast %swap3A_257 : i32 to index
    %swap3A_259 = arith.constant 64 : index
    %swap3A_260 = tpu.vector_load %arg7[%swap3A_258, %swap3A_259] {strides = array<i32>} : memref<4x128xf32, #tpu.memory_space<vmem>>, vector<16xf32>,
    tpu.vector_store %arg7[%swap3A_258, %swap3A_259], %while3A_74#17 {strides = array<i32>} : memref<4x128xf32, #tpu.memory_space<vmem>>, vector<16xf32>,
    %get3A_261 = arith.constant 4 : i32
    %get3A_262 = arith.constant 1 : i32
    %get3A_263 = arith.index_cast %get3A_261 : i32 to index
    %get3A_264 = arith.index_cast %get3A_262 : i32 to index
    %get3A_265 = arith.constant 0 : index
    %get3A_266 = tpu.vector_load %arg6[%get3A_263, %get3A_264, %get3A_265] {strides = array<i32>} : memref<8x4x16xi32, #tpu.memory_space<vmem>>, vector<16xi32>,
    %swap3A_267 = arith.constant 1 : i32
    %swap3A_268 = arith.index_cast %swap3A_267 : i32 to index
    %swap3A_269 = arith.constant 64 : index
    %swap3A_270 = tpu.vector_load %arg8[%swap3A_268, %swap3A_269] {strides = array<i32>} : memref<4x128xi32, #tpu.memory_space<vmem>>, vector<16xi32>,
    tpu.vector_store %arg8[%swap3A_268, %swap3A_269], %get3A_266 {strides = array<i32>} : memref<4x128xi32, #tpu.memory_space<vmem>>, vector<16xi32>,
    %swap3A_271 = arith.constant 1 : i32
    %swap3A_272 = arith.index_cast %swap3A_271 : i32 to index
    %swap3A_273 = arith.constant 80 : index
    %swap3A_274 = tpu.vector_load %arg7[%swap3A_272, %swap3A_273] {strides = array<i32>} : memref<4x128xf32, #tpu.memory_space<vmem>>, vector<16xf32>,
    tpu.vector_store %arg7[%swap3A_272, %swap3A_273], %while3A_74#21 {strides = array<i32>} : memref<4x128xf32, #tpu.memory_space<vmem>>, vector<16xf32>,
    %get3A_275 = arith.constant 5 : i32
    %get3A_276 = arith.constant 1 : i32
    %get3A_277 = arith.index_cast %get3A_275 : i32 to index
    %get3A_278 = arith.index_cast %get3A_276 : i32 to index
    %get3A_279 = arith.constant 0 : index
    %get3A_280 = tpu.vector_load %arg6[%get3A_277, %get3A_278, %get3A_279] {strides = array<i32>} : memref<8x4x16xi32, #tpu.memory_space<vmem>>, vector<16xi32>,
    %swap3A_281 = arith.constant 1 : i32
    %swap3A_282 = arith.index_cast %swap3A_281 : i32 to index
    %swap3A_283 = arith.constant 80 : index
    %swap3A_284 = tpu.vector_load %arg8[%swap3A_282, %swap3A_283] {strides = array<i32>} : memref<4x128xi32, #tpu.memory_space<vmem>>, vector<16xi32>,
    tpu.vector_store %arg8[%swap3A_282, %swap3A_283], %get3A_280 {strides = array<i32>} : memref<4x128xi32, #tpu.memory_space<vmem>>, vector<16xi32>,
    %swap3A_285 = arith.constant 1 : i32
    %swap3A_286 = arith.index_cast %swap3A_285 : i32 to index
    %swap3A_287 = arith.constant 96 : index
    %swap3A_288 = tpu.vector_load %arg7[%swap3A_286, %swap3A_287] {strides = array<i32>} : memref<4x128xf32, #tpu.memory_space<vmem>>, vector<16xf32>,
    tpu.vector_store %arg7[%swap3A_286, %swap3A_287], %while3A_74#25 {strides = array<i32>} : memref<4x128xf32, #tpu.memory_space<vmem>>, vector<16xf32>,
    %get3A_289 = arith.constant 6 : i32
    %get3A_290 = arith.constant 1 : i32
    %get3A_291 = arith.index_cast %get3A_289 : i32 to index
    %get3A_292 = arith.index_cast %get3A_290 : i32 to index
    %get3A_293 = arith.constant 0 : index
    %get3A_294 = tpu.vector_load %arg6[%get3A_291, %get3A_292, %get3A_293] {strides = array<i32>} : memref<8x4x16xi32, #tpu.memory_space<vmem>>, vector<16xi32>,
    %swap3A_295 = arith.constant 1 : i32
    %swap3A_296 = arith.index_cast %swap3A_295 : i32 to index
    %swap3A_297 = arith.constant 96 : index
    %swap3A_298 = tpu.vector_load %arg8[%swap3A_296, %swap3A_297] {strides = array<i32>} : memref<4x128xi32, #tpu.memory_space<vmem>>, vector<16xi32>,
    tpu.vector_store %arg8[%swap3A_296, %swap3A_297], %get3A_294 {strides = array<i32>} : memref<4x128xi32, #tpu.memory_space<vmem>>, vector<16xi32>,
    %swap3A_299 = arith.constant 1 : i32
    %swap3A_300 = arith.index_cast %swap3A_299 : i32 to index
    %swap3A_301 = arith.constant 112 : index
    %swap3A_302 = tpu.vector_load %arg7[%swap3A_300, %swap3A_301] {strides = array<i32>} : memref<4x128xf32, #tpu.memory_space<vmem>>, vector<16xf32>,
    tpu.vector_store %arg7[%swap3A_300, %swap3A_301], %while3A_74#29 {strides = array<i32>} : memref<4x128xf32, #tpu.memory_space<vmem>>, vector<16xf32>,
    %get3A_303 = arith.constant 7 : i32
    %get3A_304 = arith.constant 1 : i32
    %get3A_305 = arith.index_cast %get3A_303 : i32 to index
    %get3A_306 = arith.index_cast %get3A_304 : i32 to index
    %get3A_307 = arith.constant 0 : index
    %get3A_308 = tpu.vector_load %arg6[%get3A_305, %get3A_306, %get3A_307] {strides = array<i32>} : memref<8x4x16xi32, #tpu.memory_space<vmem>>, vector<16xi32>,
    %swap3A_309 = arith.constant 1 : i32
    %swap3A_310 = arith.index_cast %swap3A_309 : i32 to index
    %swap3A_311 = arith.constant 112 : index
    %swap3A_312 = tpu.vector_load %arg8[%swap3A_310, %swap3A_311] {strides = array<i32>} : memref<4x128xi32, #tpu.memory_space<vmem>>, vector<16xi32>,
    tpu.vector_store %arg8[%swap3A_310, %swap3A_311], %get3A_308 {strides = array<i32>} : memref<4x128xi32, #tpu.memory_space<vmem>>, vector<16xi32>,
    %swap3A_313 = arith.constant 2 : i32
    %swap3A_314 = arith.index_cast %swap3A_313 : i32 to index
    %swap3A_315 = arith.constant 0 : index
    %swap3A_316 = tpu.vector_load %arg7[%swap3A_314, %swap3A_315] {strides = array<i32>} : memref<4x128xf32, #tpu.memory_space<vmem>>, vector<16xf32>,
    tpu.vector_store %arg7[%swap3A_314, %swap3A_315], %while3A_74#2 {strides = array<i32>} : memref<4x128xf32, #tpu.memory_space<vmem>>, vector<16xf32>,
    %get3A_317 = arith.constant 0 : i32
    %get3A_318 = arith.constant 2 : i32
    %get3A_319 = arith.index_cast %get3A_317 : i32 to index
    %get3A_320 = arith.index_cast %get3A_318 : i32 to index
    %get3A_321 = arith.constant 0 : index
    %get3A_322 = tpu.vector_load %arg6[%get3A_319, %get3A_320, %get3A_321] {strides = array<i32>} : memref<8x4x16xi32, #tpu.memory_space<vmem>>, vector<16xi32>,
    %swap3A_323 = arith.constant 2 : i32
    %swap3A_324 = arith.index_cast %swap3A_323 : i32 to index
    %swap3A_325 = arith.constant 0 : index
    %swap3A_326 = tpu.vector_load %arg8[%swap3A_324, %swap3A_325] {strides = array<i32>} : memref<4x128xi32, #tpu.memory_space<vmem>>, vector<16xi32>,
    tpu.vector_store %arg8[%swap3A_324, %swap3A_325], %get3A_322 {strides = array<i32>} : memref<4x128xi32, #tpu.memory_space<vmem>>, vector<16xi32>,
    %swap3A_327 = arith.constant 2 : i32
    %swap3A_328 = arith.index_cast %swap3A_327 : i32 to index
    %swap3A_329 = arith.constant 16 : index
    %swap3A_330 = tpu.vector_load %arg7[%swap3A_328, %swap3A_329] {strides = array<i32>} : memref<4x128xf32, #tpu.memory_space<vmem>>, vector<16xf32>,
    tpu.vector_store %arg7[%swap3A_328, %swap3A_329], %while3A_74#6 {strides = array<i32>} : memref<4x128xf32, #tpu.memory_space<vmem>>, vector<16xf32>,
    %get3A_331 = arith.constant 1 : i32
    %get3A_332 = arith.constant 2 : i32
    %get3A_333 = arith.index_cast %get3A_331 : i32 to index
    %get3A_334 = arith.index_cast %get3A_332 : i32 to index
    %get3A_335 = arith.constant 0 : index
    %get3A_336 = tpu.vector_load %arg6[%get3A_333, %get3A_334, %get3A_335] {strides = array<i32>} : memref<8x4x16xi32, #tpu.memory_space<vmem>>, vector<16xi32>,
    %swap3A_337 = arith.constant 2 : i32
    %swap3A_338 = arith.index_cast %swap3A_337 : i32 to index
    %swap3A_339 = arith.constant 16 : index
    %swap3A_340 = tpu.vector_load %arg8[%swap3A_338, %swap3A_339] {strides = array<i32>} : memref<4x128xi32, #tpu.memory_space<vmem>>, vector<16xi32>,
    tpu.vector_store %arg8[%swap3A_338, %swap3A_339], %get3A_336 {strides = array<i32>} : memref<4x128xi32, #tpu.memory_space<vmem>>, vector<16xi32>,
    %swap3A_341 = arith.constant 2 : i32
    %swap3A_342 = arith.index_cast %swap3A_341 : i32 to index
    %swap3A_343 = arith.constant 32 : index
    %swap3A_344 = tpu.vector_load %arg7[%swap3A_342, %swap3A_343] {strides = array<i32>} : memref<4x128xf32, #tpu.memory_space<vmem>>, vector<16xf32>,
    tpu.vector_store %arg7[%swap3A_342, %swap3A_343], %while3A_74#10 {strides = array<i32>} : memref<4x128xf32, #tpu.memory_space<vmem>>, vector<16xf32>,
    %get3A_345 = arith.constant 2 : i32
    %get3A_346 = arith.constant 2 : i32
    %get3A_347 = arith.index_cast %get3A_345 : i32 to index
    %get3A_348 = arith.index_cast %get3A_346 : i32 to index
    %get3A_349 = arith.constant 0 : index
    %get3A_350 = tpu.vector_load %arg6[%get3A_347, %get3A_348, %get3A_349] {strides = array<i32>} : memref<8x4x16xi32, #tpu.memory_space<vmem>>, vector<16xi32>,
    %swap3A_351 = arith.constant 2 : i32
    %swap3A_352 = arith.index_cast %swap3A_351 : i32 to index
    %swap3A_353 = arith.constant 32 : index
    %swap3A_354 = tpu.vector_load %arg8[%swap3A_352, %swap3A_353] {strides = array<i32>} : memref<4x128xi32, #tpu.memory_space<vmem>>, vector<16xi32>,
    tpu.vector_store %arg8[%swap3A_352, %swap3A_353], %get3A_350 {strides = array<i32>} : memref<4x128xi32, #tpu.memory_space<vmem>>, vector<16xi32>,
    %swap3A_355 = arith.constant 2 : i32
    %swap3A_356 = arith.index_cast %swap3A_355 : i32 to index
    %swap3A_357 = arith.constant 48 : index
    %swap3A_358 = tpu.vector_load %arg7[%swap3A_356, %swap3A_357] {strides = array<i32>} : memref<4x128xf32, #tpu.memory_space<vmem>>, vector<16xf32>,
    tpu.vector_store %arg7[%swap3A_356, %swap3A_357], %while3A_74#14 {strides = array<i32>} : memref<4x128xf32, #tpu.memory_space<vmem>>, vector<16xf32>,
    %get3A_359 = arith.constant 3 : i32
    %get3A_360 = arith.constant 2 : i32
    %get3A_361 = arith.index_cast %get3A_359 : i32 to index
    %get3A_362 = arith.index_cast %get3A_360 : i32 to index
    %get3A_363 = arith.constant 0 : index
    %get3A_364 = tpu.vector_load %arg6[%get3A_361, %get3A_362, %get3A_363] {strides = array<i32>} : memref<8x4x16xi32, #tpu.memory_space<vmem>>, vector<16xi32>,
    %swap3A_365 = arith.constant 2 : i32
    %swap3A_366 = arith.index_cast %swap3A_365 : i32 to index
    %swap3A_367 = arith.constant 48 : index
    %swap3A_368 = tpu.vector_load %arg8[%swap3A_366, %swap3A_367] {strides = array<i32>} : memref<4x128xi32, #tpu.memory_space<vmem>>, vector<16xi32>,
    tpu.vector_store %arg8[%swap3A_366, %swap3A_367], %get3A_364 {strides = array<i32>} : memref<4x128xi32, #tpu.memory_space<vmem>>, vector<16xi32>,
    %swap3A_369 = arith.constant 2 : i32
    %swap3A_370 = arith.index_cast %swap3A_369 : i32 to index
    %swap3A_371 = arith.constant 64 : index
    %swap3A_372 = tpu.vector_load %arg7[%swap3A_370, %swap3A_371] {strides = array<i32>} : memref<4x128xf32, #tpu.memory_space<vmem>>, vector<16xf32>,
    tpu.vector_store %arg7[%swap3A_370, %swap3A_371], %while3A_74#18 {strides = array<i32>} : memref<4x128xf32, #tpu.memory_space<vmem>>, vector<16xf32>,
    %get3A_373 = arith.constant 4 : i32
    %get3A_374 = arith.constant 2 : i32
    %get3A_375 = arith.index_cast %get3A_373 : i32 to index
    %get3A_376 = arith.index_cast %get3A_374 : i32 to index
    %get3A_377 = arith.constant 0 : index
    %get3A_378 = tpu.vector_load %arg6[%get3A_375, %get3A_376, %get3A_377] {strides = array<i32>} : memref<8x4x16xi32, #tpu.memory_space<vmem>>, vector<16xi32>,
    %swap3A_379 = arith.constant 2 : i32
    %swap3A_380 = arith.index_cast %swap3A_379 : i32 to index
    %swap3A_381 = arith.constant 64 : index
    %swap3A_382 = tpu.vector_load %arg8[%swap3A_380, %swap3A_381] {strides = array<i32>} : memref<4x128xi32, #tpu.memory_space<vmem>>, vector<16xi32>,
    tpu.vector_store %arg8[%swap3A_380, %swap3A_381], %get3A_378 {strides = array<i32>} : memref<4x128xi32, #tpu.memory_space<vmem>>, vector<16xi32>,
    %swap3A_383 = arith.constant 2 : i32
    %swap3A_384 = arith.index_cast %swap3A_383 : i32 to index
    %swap3A_385 = arith.constant 80 : index
    %swap3A_386 = tpu.vector_load %arg7[%swap3A_384, %swap3A_385] {strides = array<i32>} : memref<4x128xf32, #tpu.memory_space<vmem>>, vector<16xf32>,
    tpu.vector_store %arg7[%swap3A_384, %swap3A_385], %while3A_74#22 {strides = array<i32>} : memref<4x128xf32, #tpu.memory_space<vmem>>, vector<16xf32>,
    %get3A_387 = arith.constant 5 : i32
    %get3A_388 = arith.constant 2 : i32
    %get3A_389 = arith.index_cast %get3A_387 : i32 to index
    %get3A_390 = arith.index_cast %get3A_388 : i32 to index
    %get3A_391 = arith.constant 0 : index
    %get3A_392 = tpu.vector_load %arg6[%get3A_389, %get3A_390, %get3A_391] {strides = array<i32>} : memref<8x4x16xi32, #tpu.memory_space<vmem>>, vector<16xi32>,
    %swap3A_393 = arith.constant 2 : i32
    %swap3A_394 = arith.index_cast %swap3A_393 : i32 to index
    %swap3A_395 = arith.constant 80 : index
    %swap3A_396 = tpu.vector_load %arg8[%swap3A_394, %swap3A_395] {strides = array<i32>} : memref<4x128xi32, #tpu.memory_space<vmem>>, vector<16xi32>,
    tpu.vector_store %arg8[%swap3A_394, %swap3A_395], %get3A_392 {strides = array<i32>} : memref<4x128xi32, #tpu.memory_space<vmem>>, vector<16xi32>,
    %swap3A_397 = arith.constant 2 : i32
    %swap3A_398 = arith.index_cast %swap3A_397 : i32 to index
    %swap3A_399 = arith.constant 96 : index
    %swap3A_400 = tpu.vector_load %arg7[%swap3A_398, %swap3A_399] {strides = array<i32>} : memref<4x128xf32, #tpu.memory_space<vmem>>, vector<16xf32>,
    tpu.vector_store %arg7[%swap3A_398, %swap3A_399], %while3A_74#26 {strides = array<i32>} : memref<4x128xf32, #tpu.memory_space<vmem>>, vector<16xf32>,
    %get3A_401 = arith.constant 6 : i32
    %get3A_402 = arith.constant 2 : i32
    %get3A_403 = arith.index_cast %get3A_401 : i32 to index
    %get3A_404 = arith.index_cast %get3A_402 : i32 to index
    %get3A_405 = arith.constant 0 : index
    %get3A_406 = tpu.vector_load %arg6[%get3A_403, %get3A_404, %get3A_405] {strides = array<i32>} : memref<8x4x16xi32, #tpu.memory_space<vmem>>, vector<16xi32>,
    %swap3A_407 = arith.constant 2 : i32
    %swap3A_408 = arith.index_cast %swap3A_407 : i32 to index
    %swap3A_409 = arith.constant 96 : index
    %swap3A_410 = tpu.vector_load %arg8[%swap3A_408, %swap3A_409] {strides = array<i32>} : memref<4x128xi32, #tpu.memory_space<vmem>>, vector<16xi32>,
    tpu.vector_store %arg8[%swap3A_408, %swap3A_409], %get3A_406 {strides = array<i32>} : memref<4x128xi32, #tpu.memory_space<vmem>>, vector<16xi32>,
    %swap3A_411 = arith.constant 2 : i32
    %swap3A_412 = arith.index_cast %swap3A_411 : i32 to index
    %swap3A_413 = arith.constant 112 : index
    %swap3A_414 = tpu.vector_load %arg7[%swap3A_412, %swap3A_413] {strides = array<i32>} : memref<4x128xf32, #tpu.memory_space<vmem>>, vector<16xf32>,
    tpu.vector_store %arg7[%swap3A_412, %swap3A_413], %while3A_74#30 {strides = array<i32>} : memref<4x128xf32, #tpu.memory_space<vmem>>, vector<16xf32>,
    %get3A_415 = arith.constant 7 : i32
    %get3A_416 = arith.constant 2 : i32
    %get3A_417 = arith.index_cast %get3A_415 : i32 to index
    %get3A_418 = arith.index_cast %get3A_416 : i32 to index
    %get3A_419 = arith.constant 0 : index
    %get3A_420 = tpu.vector_load %arg6[%get3A_417, %get3A_418, %get3A_419] {strides = array<i32>} : memref<8x4x16xi32, #tpu.memory_space<vmem>>, vector<16xi32>,
    %swap3A_421 = arith.constant 2 : i32
    %swap3A_422 = arith.index_cast %swap3A_421 : i32 to index
    %swap3A_423 = arith.constant 112 : index
    %swap3A_424 = tpu.vector_load %arg8[%swap3A_422, %swap3A_423] {strides = array<i32>} : memref<4x128xi32, #tpu.memory_space<vmem>>, vector<16xi32>,
    tpu.vector_store %arg8[%swap3A_422, %swap3A_423], %get3A_420 {strides = array<i32>} : memref<4x128xi32, #tpu.memory_space<vmem>>, vector<16xi32>,
    %swap3A_425 = arith.constant 3 : i32
    %swap3A_426 = arith.index_cast %swap3A_425 : i32 to index
    %swap3A_427 = arith.constant 0 : index
    %swap3A_428 = tpu.vector_load %arg7[%swap3A_426, %swap3A_427] {strides = array<i32>} : memref<4x128xf32, #tpu.memory_space<vmem>>, vector<16xf32>,
    tpu.vector_store %arg7[%swap3A_426, %swap3A_427], %while3A_74#3 {strides = array<i32>} : memref<4x128xf32, #tpu.memory_space<vmem>>, vector<16xf32>,
    %get3A_429 = arith.constant 0 : i32
    %get3A_430 = arith.constant 3 : i32
    %get3A_431 = arith.index_cast %get3A_429 : i32 to index
    %get3A_432 = arith.index_cast %get3A_430 : i32 to index
    %get3A_433 = arith.constant 0 : index
    %get3A_434 = tpu.vector_load %arg6[%get3A_431, %get3A_432, %get3A_433] {strides = array<i32>} : memref<8x4x16xi32, #tpu.memory_space<vmem>>, vector<16xi32>,
    %swap3A_435 = arith.constant 3 : i32
    %swap3A_436 = arith.index_cast %swap3A_435 : i32 to index
    %swap3A_437 = arith.constant 0 : index
    %swap3A_438 = tpu.vector_load %arg8[%swap3A_436, %swap3A_437] {strides = array<i32>} : memref<4x128xi32, #tpu.memory_space<vmem>>, vector<16xi32>,
    tpu.vector_store %arg8[%swap3A_436, %swap3A_437], %get3A_434 {strides = array<i32>} : memref<4x128xi32, #tpu.memory_space<vmem>>, vector<16xi32>,
    %swap3A_439 = arith.constant 3 : i32
    %swap3A_440 = arith.index_cast %swap3A_439 : i32 to index
    %swap3A_441 = arith.constant 16 : index
    %swap3A_442 = tpu.vector_load %arg7[%swap3A_440, %swap3A_441] {strides = array<i32>} : memref<4x128xf32, #tpu.memory_space<vmem>>, vector<16xf32>,
    tpu.vector_store %arg7[%swap3A_440, %swap3A_441], %while3A_74#7 {strides = array<i32>} : memref<4x128xf32, #tpu.memory_space<vmem>>, vector<16xf32>,
    %get3A_443 = arith.constant 1 : i32
    %get3A_444 = arith.constant 3 : i32
    %get3A_445 = arith.index_cast %get3A_443 : i32 to index
    %get3A_446 = arith.index_cast %get3A_444 : i32 to index
    %get3A_447 = arith.constant 0 : index
    %get3A_448 = tpu.vector_load %arg6[%get3A_445, %get3A_446, %get3A_447] {strides = array<i32>} : memref<8x4x16xi32, #tpu.memory_space<vmem>>, vector<16xi32>,
    %swap3A_449 = arith.constant 3 : i32
    %swap3A_450 = arith.index_cast %swap3A_449 : i32 to index
    %swap3A_451 = arith.constant 16 : index
    %swap3A_452 = tpu.vector_load %arg8[%swap3A_450, %swap3A_451] {strides = array<i32>} : memref<4x128xi32, #tpu.memory_space<vmem>>, vector<16xi32>,
    tpu.vector_store %arg8[%swap3A_450, %swap3A_451], %get3A_448 {strides = array<i32>} : memref<4x128xi32, #tpu.memory_space<vmem>>, vector<16xi32>,
    %swap3A_453 = arith.constant 3 : i32
    %swap3A_454 = arith.index_cast %swap3A_453 : i32 to index
    %swap3A_455 = arith.constant 32 : index
    %swap3A_456 = tpu.vector_load %arg7[%swap3A_454, %swap3A_455] {strides = array<i32>} : memref<4x128xf32, #tpu.memory_space<vmem>>, vector<16xf32>,
    tpu.vector_store %arg7[%swap3A_454, %swap3A_455], %while3A_74#11 {strides = array<i32>} : memref<4x128xf32, #tpu.memory_space<vmem>>, vector<16xf32>,
    %get3A_457 = arith.constant 2 : i32
    %get3A_458 = arith.constant 3 : i32
    %get3A_459 = arith.index_cast %get3A_457 : i32 to index
    %get3A_460 = arith.index_cast %get3A_458 : i32 to index
    %get3A_461 = arith.constant 0 : index
    %get3A_462 = tpu.vector_load %arg6[%get3A_459, %get3A_460, %get3A_461] {strides = array<i32>} : memref<8x4x16xi32, #tpu.memory_space<vmem>>, vector<16xi32>,
    %swap3A_463 = arith.constant 3 : i32
    %swap3A_464 = arith.index_cast %swap3A_463 : i32 to index
    %swap3A_465 = arith.constant 32 : index
    %swap3A_466 = tpu.vector_load %arg8[%swap3A_464, %swap3A_465] {strides = array<i32>} : memref<4x128xi32, #tpu.memory_space<vmem>>, vector<16xi32>,
    tpu.vector_store %arg8[%swap3A_464, %swap3A_465], %get3A_462 {strides = array<i32>} : memref<4x128xi32, #tpu.memory_space<vmem>>, vector<16xi32>,
    %swap3A_467 = arith.constant 3 : i32
    %swap3A_468 = arith.index_cast %swap3A_467 : i32 to index
    %swap3A_469 = arith.constant 48 : index
    %swap3A_470 = tpu.vector_load %arg7[%swap3A_468, %swap3A_469] {strides = array<i32>} : memref<4x128xf32, #tpu.memory_space<vmem>>, vector<16xf32>,
    tpu.vector_store %arg7[%swap3A_468, %swap3A_469], %while3A_74#15 {strides = array<i32>} : memref<4x128xf32, #tpu.memory_space<vmem>>, vector<16xf32>,
    %get3A_471 = arith.constant 3 : i32
    %get3A_472 = arith.constant 3 : i32
    %get3A_473 = arith.index_cast %get3A_471 : i32 to index
    %get3A_474 = arith.index_cast %get3A_472 : i32 to index
    %get3A_475 = arith.constant 0 : index
    %get3A_476 = tpu.vector_load %arg6[%get3A_473, %get3A_474, %get3A_475] {strides = array<i32>} : memref<8x4x16xi32, #tpu.memory_space<vmem>>, vector<16xi32>,
    %swap3A_477 = arith.constant 3 : i32
    %swap3A_478 = arith.index_cast %swap3A_477 : i32 to index
    %swap3A_479 = arith.constant 48 : index
    %swap3A_480 = tpu.vector_load %arg8[%swap3A_478, %swap3A_479] {strides = array<i32>} : memref<4x128xi32, #tpu.memory_space<vmem>>, vector<16xi32>,
    tpu.vector_store %arg8[%swap3A_478, %swap3A_479], %get3A_476 {strides = array<i32>} : memref<4x128xi32, #tpu.memory_space<vmem>>, vector<16xi32>,
    %swap3A_481 = arith.constant 3 : i32
    %swap3A_482 = arith.index_cast %swap3A_481 : i32 to index
    %swap3A_483 = arith.constant 64 : index
    %swap3A_484 = tpu.vector_load %arg7[%swap3A_482, %swap3A_483] {strides = array<i32>} : memref<4x128xf32, #tpu.memory_space<vmem>>, vector<16xf32>,
    tpu.vector_store %arg7[%swap3A_482, %swap3A_483], %while3A_74#19 {strides = array<i32>} : memref<4x128xf32, #tpu.memory_space<vmem>>, vector<16xf32>,
    %get3A_485 = arith.constant 4 : i32
    %get3A_486 = arith.constant 3 : i32
    %get3A_487 = arith.index_cast %get3A_485 : i32 to index
    %get3A_488 = arith.index_cast %get3A_486 : i32 to index
    %get3A_489 = arith.constant 0 : index
    %get3A_490 = tpu.vector_load %arg6[%get3A_487, %get3A_488, %get3A_489] {strides = array<i32>} : memref<8x4x16xi32, #tpu.memory_space<vmem>>, vector<16xi32>,
    %swap3A_491 = arith.constant 3 : i32
    %swap3A_492 = arith.index_cast %swap3A_491 : i32 to index
    %swap3A_493 = arith.constant 64 : index
    %swap3A_494 = tpu.vector_load %arg8[%swap3A_492, %swap3A_493] {strides = array<i32>} : memref<4x128xi32, #tpu.memory_space<vmem>>, vector<16xi32>,
    tpu.vector_store %arg8[%swap3A_492, %swap3A_493], %get3A_490 {strides = array<i32>} : memref<4x128xi32, #tpu.memory_space<vmem>>, vector<16xi32>,
    %swap3A_495 = arith.constant 3 : i32
    %swap3A_496 = arith.index_cast %swap3A_495 : i32 to index
    %swap3A_497 = arith.constant 80 : index
    %swap3A_498 = tpu.vector_load %arg7[%swap3A_496, %swap3A_497] {strides = array<i32>} : memref<4x128xf32, #tpu.memory_space<vmem>>, vector<16xf32>,
    tpu.vector_store %arg7[%swap3A_496, %swap3A_497], %while3A_74#23 {strides = array<i32>} : memref<4x128xf32, #tpu.memory_space<vmem>>, vector<16xf32>,
    %get3A_499 = arith.constant 5 : i32
    %get3A_500 = arith.constant 3 : i32
    %get3A_501 = arith.index_cast %get3A_499 : i32 to index
    %get3A_502 = arith.index_cast %get3A_500 : i32 to index
    %get3A_503 = arith.constant 0 : index
    %get3A_504 = tpu.vector_load %arg6[%get3A_501, %get3A_502, %get3A_503] {strides = array<i32>} : memref<8x4x16xi32, #tpu.memory_space<vmem>>, vector<16xi32>,
    %swap3A_505 = arith.constant 3 : i32
    %swap3A_506 = arith.index_cast %swap3A_505 : i32 to index
    %swap3A_507 = arith.constant 80 : index
    %swap3A_508 = tpu.vector_load %arg8[%swap3A_506, %swap3A_507] {strides = array<i32>} : memref<4x128xi32, #tpu.memory_space<vmem>>, vector<16xi32>,
    tpu.vector_store %arg8[%swap3A_506, %swap3A_507], %get3A_504 {strides = array<i32>} : memref<4x128xi32, #tpu.memory_space<vmem>>, vector<16xi32>,
    %swap3A_509 = arith.constant 3 : i32
    %swap3A_510 = arith.index_cast %swap3A_509 : i32 to index
    %swap3A_511 = arith.constant 96 : index
    %swap3A_512 = tpu.vector_load %arg7[%swap3A_510, %swap3A_511] {strides = array<i32>} : memref<4x128xf32, #tpu.memory_space<vmem>>, vector<16xf32>,
    tpu.vector_store %arg7[%swap3A_510, %swap3A_511], %while3A_74#27 {strides = array<i32>} : memref<4x128xf32, #tpu.memory_space<vmem>>, vector<16xf32>,
    %get3A_513 = arith.constant 6 : i32
    %get3A_514 = arith.constant 3 : i32
    %get3A_515 = arith.index_cast %get3A_513 : i32 to index
    %get3A_516 = arith.index_cast %get3A_514 : i32 to index
    %get3A_517 = arith.constant 0 : index
    %get3A_518 = tpu.vector_load %arg6[%get3A_515, %get3A_516, %get3A_517] {strides = array<i32>} : memref<8x4x16xi32, #tpu.memory_space<vmem>>, vector<16xi32>,
    %swap3A_519 = arith.constant 3 : i32
    %swap3A_520 = arith.index_cast %swap3A_519 : i32 to index
    %swap3A_521 = arith.constant 96 : index
    %swap3A_522 = tpu.vector_load %arg8[%swap3A_520, %swap3A_521] {strides = array<i32>} : memref<4x128xi32, #tpu.memory_space<vmem>>, vector<16xi32>,
    tpu.vector_store %arg8[%swap3A_520, %swap3A_521], %get3A_518 {strides = array<i32>} : memref<4x128xi32, #tpu.memory_space<vmem>>, vector<16xi32>,
    %swap3A_523 = arith.constant 3 : i32
    %swap3A_524 = arith.index_cast %swap3A_523 : i32 to index
    %swap3A_525 = arith.constant 112 : index
    %swap3A_526 = tpu.vector_load %arg7[%swap3A_524, %swap3A_525] {strides = array<i32>} : memref<4x128xf32, #tpu.memory_space<vmem>>, vector<16xf32>,
    tpu.vector_store %arg7[%swap3A_524, %swap3A_525], %while3A_74#31 {strides = array<i32>} : memref<4x128xf32, #tpu.memory_space<vmem>>, vector<16xf32>,
    %get3A_527 = arith.constant 7 : i32
    %get3A_528 = arith.constant 3 : i32
    %get3A_529 = arith.index_cast %get3A_527 : i32 to index
    %get3A_530 = arith.index_cast %get3A_528 : i32 to index
    %get3A_531 = arith.constant 0 : index
    %get3A_532 = tpu.vector_load %arg6[%get3A_529, %get3A_530, %get3A_531] {strides = array<i32>} : memref<8x4x16xi32, #tpu.memory_space<vmem>>, vector<16xi32>,
    %swap3A_533 = arith.constant 3 : i32
    %swap3A_534 = arith.index_cast %swap3A_533 : i32 to index
    %swap3A_535 = arith.constant 112 : index
    %swap3A_536 = tpu.vector_load %arg8[%swap3A_534, %swap3A_535] {strides = array<i32>} : memref<4x128xi32, #tpu.memory_space<vmem>>, vector<16xi32>,
    tpu.vector_store %arg8[%swap3A_534, %swap3A_535], %get3A_532 {strides = array<i32>} : memref<4x128xi32, #tpu.memory_space<vmem>>, vector<16xi32>,
    "tpu.region"() ({
      %run_scoped3A = tpu.sem_alloc : memref<!tpu.dma_semaphore, #tpu.memory_space<semaphore_mem>>
      %dma_start3A_537 = arith.constant 0 : i32
      %dma_start3A_538 = arith.constant 0 : i32
      %dma_start3A_539 = tpu.memref_slice %arg3[%add3A, %dma_start3A_537, %dma_start3A_538] : memref<32x4x128xf32, #tpu.memory_space<hbm>> -> memref<1x4x128xf32, #tpu.memory_space<hbm>>
      %dma_start3A_540 = tpu.memref_squeeze %dma_start3A_539 : memref<1x4x128xf32, #tpu.memory_space<hbm>> -> memref<4x128xf32, #tpu.memory_space<hbm>>
      %dma_start3A_541 = arith.constant 0 : i32
      %dma_start3A_542 = arith.constant 0 : i32
      %dma_start3A_543 = tpu.memref_slice %arg3[%add3A, %dma_start3A_541, %dma_start3A_542] : memref<32x4x128xf32, #tpu.memory_space<hbm>> -> memref<1x4x128xf32, #tpu.memory_space<hbm>>
      %dma_start3A_544 = tpu.memref_squeeze %dma_start3A_543 : memref<1x4x128xf32, #tpu.memory_space<hbm>> -> memref<4x128xf32, #tpu.memory_space<hbm>>
      tpu.enqueue_dma source(%arg7 : memref<4x128xf32, #tpu.memory_space<vmem>>) target(%dma_start3A_544 : memref<4x128xf32, #tpu.memory_space<hbm>>) target_semaphore(%run_scoped3A : memref<!tpu.dma_semaphore, #tpu.memory_space<semaphore_mem>>)
      %dma_wait3A_545 = arith.constant 0 : i32
      %dma_wait3A_546 = arith.constant 0 : i32
      %dma_wait3A_547 = tpu.memref_slice %arg3[%add3A, %dma_wait3A_545, %dma_wait3A_546] : memref<32x4x128xf32, #tpu.memory_space<hbm>> -> memref<1x4x128xf32, #tpu.memory_space<hbm>>
      %dma_wait3A_548 = tpu.memref_squeeze %dma_wait3A_547 : memref<1x4x128xf32, #tpu.memory_space<hbm>> -> memref<4x128xf32, #tpu.memory_space<hbm>>
      %dma_wait3A_549 = arith.constant 0 : i32
      %dma_wait3A_550 = arith.constant 0 : i32
      %dma_wait3A_551 = tpu.memref_slice %arg3[%add3A, %dma_wait3A_549, %dma_wait3A_550] : memref<32x4x128xf32, #tpu.memory_space<hbm>> -> memref<1x4x128xf32, #tpu.memory_space<hbm>>
      %dma_wait3A_552 = tpu.memref_squeeze %dma_wait3A_551 : memref<1x4x128xf32, #tpu.memory_space<hbm>> -> memref<4x128xf32, #tpu.memory_space<hbm>>
      tpu.wait_dma2 semaphore(%run_scoped3A : memref<!tpu.dma_semaphore, #tpu.memory_space<semaphore_mem>>) src(%arg7 : memref<4x128xf32, #tpu.memory_space<vmem>>) dst(%dma_wait3A_552 : memref<4x128xf32, #tpu.memory_space<hbm>>)
      tpu.yield
    }) : () -> ()
    "tpu.region"() ({
      %run_scoped3A = tpu.sem_alloc : memref<!tpu.dma_semaphore, #tpu.memory_space<semaphore_mem>>
      %dma_start3A_537 = arith.constant 0 : i32
      %dma_start3A_538 = arith.constant 0 : i32
      %dma_start3A_539 = tpu.memref_slice %arg4[%add3A, %dma_start3A_537, %dma_start3A_538] : memref<32x4x128xi32, #tpu.memory_space<hbm>> -> memref<1x4x128xi32, #tpu.memory_space<hbm>>
      %dma_start3A_540 = tpu.memref_squeeze %dma_start3A_539 : memref<1x4x128xi32, #tpu.memory_space<hbm>> -> memref<4x128xi32, #tpu.memory_space<hbm>>
      %dma_start3A_541 = arith.constant 0 : i32
      %dma_start3A_542 = arith.constant 0 : i32
      %dma_start3A_543 = tpu.memref_slice %arg4[%add3A, %dma_start3A_541, %dma_start3A_542] : memref<32x4x128xi32, #tpu.memory_space<hbm>> -> memref<1x4x128xi32, #tpu.memory_space<hbm>>
      %dma_start3A_544 = tpu.memref_squeeze %dma_start3A_543 : memref<1x4x128xi32, #tpu.memory_space<hbm>> -> memref<4x128xi32, #tpu.memory_space<hbm>>
      tpu.enqueue_dma source(%arg8 : memref<4x128xi32, #tpu.memory_space<vmem>>) target(%dma_start3A_544 : memref<4x128xi32, #tpu.memory_space<hbm>>) target_semaphore(%run_scoped3A : memref<!tpu.dma_semaphore, #tpu.memory_space<semaphore_mem>>)
      %dma_wait3A_545 = arith.constant 0 : i32
      %dma_wait3A_546 = arith.constant 0 : i32
      %dma_wait3A_547 = tpu.memref_slice %arg4[%add3A, %dma_wait3A_545, %dma_wait3A_546] : memref<32x4x128xi32, #tpu.memory_space<hbm>> -> memref<1x4x128xi32, #tpu.memory_space<hbm>>
      %dma_wait3A_548 = tpu.memref_squeeze %dma_wait3A_547 : memref<1x4x128xi32, #tpu.memory_space<hbm>> -> memref<4x128xi32, #tpu.memory_space<hbm>>
      %dma_wait3A_549 = arith.constant 0 : i32
      %dma_wait3A_550 = arith.constant 0 : i32
      %dma_wait3A_551 = tpu.memref_slice %arg4[%add3A, %dma_wait3A_549, %dma_wait3A_550] : memref<32x4x128xi32, #tpu.memory_space<hbm>> -> memref<1x4x128xi32, #tpu.memory_space<hbm>>
      %dma_wait3A_552 = tpu.memref_squeeze %dma_wait3A_551 : memref<1x4x128xi32, #tpu.memory_space<hbm>> -> memref<4x128xi32, #tpu.memory_space<hbm>>
      tpu.wait_dma2 semaphore(%run_scoped3A : memref<!tpu.dma_semaphore, #tpu.memory_space<semaphore_mem>>) src(%arg8 : memref<4x128xi32, #tpu.memory_space<vmem>>) dst(%dma_wait3A_552 : memref<4x128xi32, #tpu.memory_space<hbm>>)
      tpu.yield
    }) : () -> ()
    return
  }
}

module attributes {stable_mosaic.version = 14 : i64} {
  func.func @_lse_part_kernel(%arg0: i32, %arg1: i32, %arg2: memref<1x5000x128xf32, #tpu.memory_space<vmem>>, %arg3: memref<1x1x1x128xf32, #tpu.memory_space<vmem>>, %arg4: memref<1x1x1x128xf32, #tpu.memory_space<vmem>>) attributes {dimension_semantics = [#tpu.dimension_semantics<arbitrary>, #tpu.dimension_semantics<arbitrary>], iteration_bounds = array<i64: 4, 20>, scalar_prefetch = 0 : i64, scratch_operands = 0 : i64, tpu.core_type = #tpu.core_type<tc>, window_params = [{transform_indices = @transform_0, window_bounds = array<i64: 1, 5000, 128>}, {transform_indices = @transform_1, window_bounds = array<i64: 1, 1, 1, 128>}, {transform_indices = @transform_2, window_bounds = array<i64: 1, 1, 1, 128>}]} {
    %get3A = arith.constant 0 : index
    %get3A_0 = arith.constant 0 : index
    %get3A_1 = arith.constant 0 : index
    %get3A_2 = vector.load %arg2[%get3A, %get3A_0, %get3A_1] : memref<1x5000x128xf32, #tpu.memory_space<vmem>>, vector<1x5000x128xf32>
    %get3A_3 = vector.shape_cast %get3A_2 : vector<1x5000x128xf32> to vector<5000x128xf32>
    %reduce_max3A = arith.constant dense<0xFF800000> : vector<128xf32>
    %reduce_max3A_4 = vector.multi_reduction <maximumf>, %get3A_3, %reduce_max3A [0] : vector<5000x128xf32> to vector<128xf32>
    %broadcast_in_dim3A = vector.shape_cast %reduce_max3A_4 : vector<128xf32> to vector<1x128xf32>
    %sub3A = vector.broadcast %broadcast_in_dim3A : vector<1x128xf32> to vector<5000x128xf32>
    %sub3A_5 = arith.subf %get3A_3, %sub3A : vector<5000x128xf32>
    %exp3A = math.exp %sub3A_5 : vector<5000x128xf32>
    %reduce_sum3A = arith.constant dense<0.000000e+00> : vector<128xf32>
    %reduce_sum3A_6 = vector.multi_reduction <add>, %exp3A, %reduce_sum3A [0] : vector<5000x128xf32> to vector<128xf32>
    %broadcast_in_dim3A_7 = vector.shape_cast %reduce_sum3A_6 : vector<128xf32> to vector<1x128xf32>
    %broadcast_in_dim3A_8 = vector.shape_cast %broadcast_in_dim3A : vector<1x128xf32> to vector<1x1x1x128xf32>
    %swap3A = arith.constant 0 : index
    %swap3A_9 = arith.constant 0 : index
    %swap3A_10 = arith.constant 0 : index
    %swap3A_11 = arith.constant 0 : index
    %swap3A_12 = vector.load %arg3[%swap3A, %swap3A_9, %swap3A_10, %swap3A_11] : memref<1x1x1x128xf32, #tpu.memory_space<vmem>>, vector<1x1x1x128xf32>
    tpu.vector_store %arg3[%swap3A, %swap3A_9, %swap3A_10, %swap3A_11], %broadcast_in_dim3A_8 {strides = array<i32>} : memref<1x1x1x128xf32, #tpu.memory_space<vmem>>, vector<1x1x1x128xf32>,
    %broadcast_in_dim3A_13 = vector.shape_cast %broadcast_in_dim3A_7 : vector<1x128xf32> to vector<1x1x1x128xf32>
    %swap3A_14 = arith.constant 0 : index
    %swap3A_15 = arith.constant 0 : index
    %swap3A_16 = arith.constant 0 : index
    %swap3A_17 = arith.constant 0 : index
    %swap3A_18 = vector.load %arg4[%swap3A_14, %swap3A_15, %swap3A_16, %swap3A_17] : memref<1x1x1x128xf32, #tpu.memory_space<vmem>>, vector<1x1x1x128xf32>
    tpu.vector_store %arg4[%swap3A_14, %swap3A_15, %swap3A_16, %swap3A_17], %broadcast_in_dim3A_13 {strides = array<i32>} : memref<1x1x1x128xf32, #tpu.memory_space<vmem>>, vector<1x1x1x128xf32>,
    return
  }
  func.func @transform_0(%arg0: i32, %arg1: i32) -> (i32, i32, i32) {
    %c0_i32 = arith.constant 0 : i32
    %c0_i32_0 = arith.constant 0 : i32
    return %arg0, %arg1, %c0_i32 : i32, i32, i32
  }
  func.func @transform_1(%arg0: i32, %arg1: i32) -> (i32, i32, i32, i32) {
    %c0_i32 = arith.constant 0 : i32
    %c0_i32_0 = arith.constant 0 : i32
    %c0_i32_1 = arith.constant 0 : i32
    return %arg0, %arg1, %c0_i32, %c0_i32_0 : i32, i32, i32, i32
  }
  func.func @transform_2(%arg0: i32, %arg1: i32) -> (i32, i32, i32, i32) {
    %c0_i32 = arith.constant 0 : i32
    %c0_i32_0 = arith.constant 0 : i32
    %c0_i32_1 = arith.constant 0 : i32
    return %arg0, %arg1, %c0_i32, %c0_i32_0 : i32, i32, i32, i32
  }
}

module attributes {stable_mosaic.version = 14 : i64} {
  func.func @_merge_kernel(%arg0: memref<128x128xf32, #tpu.memory_space<vmem>>, %arg1: memref<128x128xi32, #tpu.memory_space<vmem>>, %arg2: memref<128x80xf32, #tpu.memory_space<vmem>>, %arg3: memref<128x80xf32, #tpu.memory_space<vmem>>, %arg4: memref<128x4xf32, #tpu.memory_space<vmem>>, %arg5: memref<128x4xf32, #tpu.memory_space<vmem>>, %arg6: memref<128x4xi32, #tpu.memory_space<vmem>>, %arg7: memref<128x4xi32, #tpu.memory_space<vmem>>) attributes {dimension_semantics = [], scalar_prefetch = 0 : i64, scratch_operands = 0 : i64, tpu.core_type = #tpu.core_type<tc>} {
    %get3A = arith.constant 0 : index
    %get3A_0 = arith.constant 0 : index
    %get3A_1 = vector.load %arg0[%get3A, %get3A_0] : memref<128x128xf32, #tpu.memory_space<vmem>>, vector<128x128xf32>
    %get3A_2 = arith.constant 0 : index
    %get3A_3 = arith.constant 0 : index
    %get3A_4 = vector.load %arg1[%get3A_2, %get3A_3] : memref<128x128xi32, #tpu.memory_space<vmem>>, vector<128x128xi32>
    %get3A_5 = arith.constant 0 : index
    %get3A_6 = arith.constant 0 : index
    %get3A_7 = vector.load %arg2[%get3A_5, %get3A_6] : memref<128x80xf32, #tpu.memory_space<vmem>>, vector<128x80xf32>
    %get3A_8 = arith.constant 0 : index
    %get3A_9 = arith.constant 0 : index
    %get3A_10 = vector.load %arg3[%get3A_8, %get3A_9] : memref<128x80xf32, #tpu.memory_space<vmem>>, vector<128x80xf32>
    %get3A_11 = arith.constant 0 : index
    %get3A_12 = arith.constant 0 : index
    %get3A_13 = vector.load %arg4[%get3A_11, %get3A_12] : memref<128x4xf32, #tpu.memory_space<vmem>>, vector<128x4xf32>
    %iota3A = tpu.iota {dimensions = array<i32: 1>} : vector<128x80xi32>
    %jit3A = arith.constant 20 : i32
    %div3A = vector.broadcast %jit3A : i32 to vector<128x80xi32>
    %div3A_14 = arith.divsi %iota3A, %div3A : vector<128x80xi32>
    %sign3A = arith.constant 0 : i32
    %sign3A_15 = vector.broadcast %sign3A : i32 to vector<128x80xi32>
    %sign3A_16 = arith.cmpi sgt, %iota3A, %sign3A_15 : vector<128x80xi32>
    %sign3A_17 = arith.extui %sign3A_16 : vector<128x80xi1> to vector<128x80xi32>
    %sign3A_18 = arith.constant 0 : i32
    %sign3A_19 = vector.broadcast %sign3A_18 : i32 to vector<128x80xi32>
    %sign3A_20 = arith.cmpi slt, %iota3A, %sign3A_19 : vector<128x80xi32>
    %sign3A_21 = arith.extui %sign3A_20 : vector<128x80xi1> to vector<128x80xi32>
    %sign3A_22 = arith.subi %sign3A_17, %sign3A_21 : vector<128x80xi32>
    %sign3A_23 = arith.constant 0 : i32
    %sign3A_24 = arith.cmpi sgt, %jit3A, %sign3A_23 : i32
    %sign3A_25 = arith.extui %sign3A_24 : i1 to i32
    %sign3A_26 = arith.constant 0 : i32
    %sign3A_27 = arith.cmpi slt, %jit3A, %sign3A_26 : i32
    %sign3A_28 = arith.extui %sign3A_27 : i1 to i32
    %sign3A_29 = arith.subi %sign3A_25, %sign3A_28 : i32
    %ne3A = vector.broadcast %sign3A_29 : i32 to vector<128x80xi32>
    %ne3A_30 = arith.cmpi ne, %sign3A_22, %ne3A : vector<128x80xi32>
    %rem3A = vector.broadcast %jit3A : i32 to vector<128x80xi32>
    %rem3A_31 = arith.remsi %iota3A, %rem3A : vector<128x80xi32>
    %ne3A_32 = arith.constant 0 : i32
    %ne3A_33 = vector.broadcast %ne3A_32 : i32 to vector<128x80xi32>
    %ne3A_34 = arith.cmpi ne, %rem3A_31, %ne3A_33 : vector<128x80xi32>
    %and3A = arith.andi %ne3A_30, %ne3A_34 : vector<128x80xi1>
    %sub3A = arith.constant 1 : i32
    %sub3A_35 = vector.broadcast %sub3A : i32 to vector<128x80xi32>
    %sub3A_36 = arith.subi %div3A_14, %sub3A_35 : vector<128x80xi32>
    %select_n3A = arith.select %and3A, %sub3A_36, %div3A_14 : vector<128x80xi1>, vector<128x80xi32>
    %iota3A_37 = tpu.iota {dimensions = array<i32: 1>} : vector<128x128xi32>
    %jit3A_38 = arith.constant 32 : i32
    %div3A_39 = vector.broadcast %jit3A_38 : i32 to vector<128x128xi32>
    %div3A_40 = arith.divsi %iota3A_37, %div3A_39 : vector<128x128xi32>
    %sign3A_41 = arith.constant 0 : i32
    %sign3A_42 = vector.broadcast %sign3A_41 : i32 to vector<128x128xi32>
    %sign3A_43 = arith.cmpi sgt, %iota3A_37, %sign3A_42 : vector<128x128xi32>
    %sign3A_44 = arith.extui %sign3A_43 : vector<128x128xi1> to vector<128x128xi32>
    %sign3A_45 = arith.constant 0 : i32
    %sign3A_46 = vector.broadcast %sign3A_45 : i32 to vector<128x128xi32>
    %sign3A_47 = arith.cmpi slt, %iota3A_37, %sign3A_46 : vector<128x128xi32>
    %sign3A_48 = arith.extui %sign3A_47 : vector<128x128xi1> to vector<128x128xi32>
    %sign3A_49 = arith.subi %sign3A_44, %sign3A_48 : vector<128x128xi32>
    %sign3A_50 = arith.constant 0 : i32
    %sign3A_51 = arith.cmpi sgt, %jit3A_38, %sign3A_50 : i32
    %sign3A_52 = arith.extui %sign3A_51 : i1 to i32
    %sign3A_53 = arith.constant 0 : i32
    %sign3A_54 = arith.cmpi slt, %jit3A_38, %sign3A_53 : i32
    %sign3A_55 = arith.extui %sign3A_54 : i1 to i32
    %sign3A_56 = arith.subi %sign3A_52, %sign3A_55 : i32
    %ne3A_57 = vector.broadcast %sign3A_56 : i32 to vector<128x128xi32>
    %ne3A_58 = arith.cmpi ne, %sign3A_49, %ne3A_57 : vector<128x128xi32>
    %rem3A_59 = vector.broadcast %jit3A_38 : i32 to vector<128x128xi32>
    %rem3A_60 = arith.remsi %iota3A_37, %rem3A_59 : vector<128x128xi32>
    %ne3A_61 = arith.constant 0 : i32
    %ne3A_62 = vector.broadcast %ne3A_61 : i32 to vector<128x128xi32>
    %ne3A_63 = arith.cmpi ne, %rem3A_60, %ne3A_62 : vector<128x128xi32>
    %and3A_64 = arith.andi %ne3A_58, %ne3A_63 : vector<128x128xi1>
    %sub3A_65 = arith.constant 1 : i32
    %sub3A_66 = vector.broadcast %sub3A_65 : i32 to vector<128x128xi32>
    %sub3A_67 = arith.subi %div3A_40, %sub3A_66 : vector<128x128xi32>
    %select_n3A_68 = arith.select %and3A_64, %sub3A_67, %div3A_40 : vector<128x128xi1>, vector<128x128xi32>
    %broadcast_in_dim3A = arith.constant 0.000000e+00 : f32
    %broadcast_in_dim3A_69 = vector.broadcast %broadcast_in_dim3A : f32 to vector<128x128xf32>
    %eq3A = arith.constant 0 : i32
    %eq3A_70 = vector.broadcast %eq3A : i32 to vector<128x80xi32>
    %eq3A_71 = arith.cmpi eq, %select_n3A, %eq3A_70 : vector<128x80xi32>
    %jit3A_72 = arith.constant -3.000000e+38 : f32
    %broadcast_in_dim3A_73 = vector.broadcast %jit3A_72 : f32 to vector<128x80xf32>
    %select_n3A_74 = arith.select %eq3A_71, %get3A_7, %broadcast_in_dim3A_73 : vector<128x80xi1>, vector<128x80xf32>
    %reduce_max3A = arith.constant dense<0xFF800000> : vector<128xf32>
    %reduce_max3A_75 = vector.multi_reduction <maximumf>, %select_n3A_74, %reduce_max3A [1] : vector<128x80xf32> to vector<128xf32>
    %broadcast_in_dim3A_76 = vector.shape_cast %reduce_max3A_75 : vector<128xf32> to vector<128x1xf32>
    %sub3A_77 = vector.broadcast %broadcast_in_dim3A_76 : vector<128x1xf32> to vector<128x80xf32>
    %sub3A_78 = arith.subf %get3A_7, %sub3A_77 : vector<128x80xf32>
    %exp3A = math.exp %sub3A_78 : vector<128x80xf32>
    %mul3A = arith.mulf %get3A_10, %exp3A : vector<128x80xf32>
    %jit3A_79 = arith.constant 0.000000e+00 : f32
    %broadcast_in_dim3A_80 = vector.broadcast %jit3A_79 : f32 to vector<128x80xf32>
    %select_n3A_81 = arith.select %eq3A_71, %mul3A, %broadcast_in_dim3A_80 : vector<128x80xi1>, vector<128x80xf32>
    %reduce_sum3A = arith.constant dense<0.000000e+00> : vector<128xf32>
    %reduce_sum3A_82 = vector.multi_reduction <add>, %select_n3A_81, %reduce_sum3A [1] : vector<128x80xf32> to vector<128xf32>
    %broadcast_in_dim3A_83 = vector.shape_cast %reduce_sum3A_82 : vector<128xf32> to vector<128x1xf32>
    %log3A = math.log %broadcast_in_dim3A_83 : vector<128x1xf32>
    %add3A = arith.addf %broadcast_in_dim3A_76, %log3A : vector<128x1xf32>
    %eq3A_84 = arith.constant 0 : i32
    %eq3A_85 = vector.broadcast %eq3A_84 : i32 to vector<128x128xi32>
    %eq3A_86 = arith.cmpi eq, %select_n3A_68, %eq3A_85 : vector<128x128xi32>
    %slice3A = vector.extract_strided_slice %get3A_13 {offsets = [0, 0], sizes = [128, 1], strides = [1, 1]} : vector<128x4xf32> to vector<128x1xf32>
    %sub3A_87 = arith.subf %slice3A, %add3A : vector<128x1xf32>
    %jit3A_88 = arith.constant 0.000000e+00 : f32
    %broadcast_in_dim3A_89 = vector.shape_cast %sub3A_87 : vector<128x1xf32> to vector<128x1xf32>
    %broadcast_in_dim3A_90 = vector.broadcast %broadcast_in_dim3A_89 : vector<128x1xf32> to vector<128x128xf32>
    %broadcast_in_dim3A_91 = vector.broadcast %jit3A_88 : f32 to vector<128x128xf32>
    %select_n3A_92 = arith.select %eq3A_86, %broadcast_in_dim3A_90, %broadcast_in_dim3A_91 : vector<128x128xi1>, vector<128x128xf32>
    %add3A_93 = arith.addf %broadcast_in_dim3A_69, %select_n3A_92 : vector<128x128xf32>
    %eq3A_94 = arith.constant 1 : i32
    %eq3A_95 = vector.broadcast %eq3A_94 : i32 to vector<128x80xi32>
    %eq3A_96 = arith.cmpi eq, %select_n3A, %eq3A_95 : vector<128x80xi32>
    %jit3A_97 = arith.constant -3.000000e+38 : f32
    %broadcast_in_dim3A_98 = vector.broadcast %jit3A_97 : f32 to vector<128x80xf32>
    %select_n3A_99 = arith.select %eq3A_96, %get3A_7, %broadcast_in_dim3A_98 : vector<128x80xi1>, vector<128x80xf32>
    %reduce_max3A_100 = arith.constant dense<0xFF800000> : vector<128xf32>
    %reduce_max3A_101 = vector.multi_reduction <maximumf>, %select_n3A_99, %reduce_max3A_100 [1] : vector<128x80xf32> to vector<128xf32>
    %broadcast_in_dim3A_102 = vector.shape_cast %reduce_max3A_101 : vector<128xf32> to vector<128x1xf32>
    %sub3A_103 = vector.broadcast %broadcast_in_dim3A_102 : vector<128x1xf32> to vector<128x80xf32>
    %sub3A_104 = arith.subf %get3A_7, %sub3A_103 : vector<128x80xf32>
    %exp3A_105 = math.exp %sub3A_104 : vector<128x80xf32>
    %mul3A_106 = arith.mulf %get3A_10, %exp3A_105 : vector<128x80xf32>
    %jit3A_107 = arith.constant 0.000000e+00 : f32
    %broadcast_in_dim3A_108 = vector.broadcast %jit3A_107 : f32 to vector<128x80xf32>
    %select_n3A_109 = arith.select %eq3A_96, %mul3A_106, %broadcast_in_dim3A_108 : vector<128x80xi1>, vector<128x80xf32>
    %reduce_sum3A_110 = arith.constant dense<0.000000e+00> : vector<128xf32>
    %reduce_sum3A_111 = vector.multi_reduction <add>, %select_n3A_109, %reduce_sum3A_110 [1] : vector<128x80xf32> to vector<128xf32>
    %broadcast_in_dim3A_112 = vector.shape_cast %reduce_sum3A_111 : vector<128xf32> to vector<128x1xf32>
    %log3A_113 = math.log %broadcast_in_dim3A_112 : vector<128x1xf32>
    %add3A_114 = arith.addf %broadcast_in_dim3A_102, %log3A_113 : vector<128x1xf32>
    %eq3A_115 = arith.constant 1 : i32
    %eq3A_116 = vector.broadcast %eq3A_115 : i32 to vector<128x128xi32>
    %eq3A_117 = arith.cmpi eq, %select_n3A_68, %eq3A_116 : vector<128x128xi32>
    %slice3A_118 = vector.extract_strided_slice %get3A_13 {offsets = [0, 1], sizes = [128, 1], strides = [1, 1]} : vector<128x4xf32> to vector<128x1xf32>
    %sub3A_119 = arith.subf %slice3A_118, %add3A_114 : vector<128x1xf32>
    %jit3A_120 = arith.constant 0.000000e+00 : f32
    %broadcast_in_dim3A_121 = vector.shape_cast %sub3A_119 : vector<128x1xf32> to vector<128x1xf32>
    %broadcast_in_dim3A_122 = vector.broadcast %broadcast_in_dim3A_121 : vector<128x1xf32> to vector<128x128xf32>
    %broadcast_in_dim3A_123 = vector.broadcast %jit3A_120 : f32 to vector<128x128xf32>
    %select_n3A_124 = arith.select %eq3A_117, %broadcast_in_dim3A_122, %broadcast_in_dim3A_123 : vector<128x128xi1>, vector<128x128xf32>
    %add3A_125 = arith.addf %add3A_93, %select_n3A_124 : vector<128x128xf32>
    %eq3A_126 = arith.constant 2 : i32
    %eq3A_127 = vector.broadcast %eq3A_126 : i32 to vector<128x80xi32>
    %eq3A_128 = arith.cmpi eq, %select_n3A, %eq3A_127 : vector<128x80xi32>
    %jit3A_129 = arith.constant -3.000000e+38 : f32
    %broadcast_in_dim3A_130 = vector.broadcast %jit3A_129 : f32 to vector<128x80xf32>
    %select_n3A_131 = arith.select %eq3A_128, %get3A_7, %broadcast_in_dim3A_130 : vector<128x80xi1>, vector<128x80xf32>
    %reduce_max3A_132 = arith.constant dense<0xFF800000> : vector<128xf32>
    %reduce_max3A_133 = vector.multi_reduction <maximumf>, %select_n3A_131, %reduce_max3A_132 [1] : vector<128x80xf32> to vector<128xf32>
    %broadcast_in_dim3A_134 = vector.shape_cast %reduce_max3A_133 : vector<128xf32> to vector<128x1xf32>
    %sub3A_135 = vector.broadcast %broadcast_in_dim3A_134 : vector<128x1xf32> to vector<128x80xf32>
    %sub3A_136 = arith.subf %get3A_7, %sub3A_135 : vector<128x80xf32>
    %exp3A_137 = math.exp %sub3A_136 : vector<128x80xf32>
    %mul3A_138 = arith.mulf %get3A_10, %exp3A_137 : vector<128x80xf32>
    %jit3A_139 = arith.constant 0.000000e+00 : f32
    %broadcast_in_dim3A_140 = vector.broadcast %jit3A_139 : f32 to vector<128x80xf32>
    %select_n3A_141 = arith.select %eq3A_128, %mul3A_138, %broadcast_in_dim3A_140 : vector<128x80xi1>, vector<128x80xf32>
    %reduce_sum3A_142 = arith.constant dense<0.000000e+00> : vector<128xf32>
    %reduce_sum3A_143 = vector.multi_reduction <add>, %select_n3A_141, %reduce_sum3A_142 [1] : vector<128x80xf32> to vector<128xf32>
    %broadcast_in_dim3A_144 = vector.shape_cast %reduce_sum3A_143 : vector<128xf32> to vector<128x1xf32>
    %log3A_145 = math.log %broadcast_in_dim3A_144 : vector<128x1xf32>
    %add3A_146 = arith.addf %broadcast_in_dim3A_134, %log3A_145 : vector<128x1xf32>
    %eq3A_147 = arith.constant 2 : i32
    %eq3A_148 = vector.broadcast %eq3A_147 : i32 to vector<128x128xi32>
    %eq3A_149 = arith.cmpi eq, %select_n3A_68, %eq3A_148 : vector<128x128xi32>
    %slice3A_150 = vector.extract_strided_slice %get3A_13 {offsets = [0, 2], sizes = [128, 1], strides = [1, 1]} : vector<128x4xf32> to vector<128x1xf32>
    %sub3A_151 = arith.subf %slice3A_150, %add3A_146 : vector<128x1xf32>
    %jit3A_152 = arith.constant 0.000000e+00 : f32
    %broadcast_in_dim3A_153 = vector.shape_cast %sub3A_151 : vector<128x1xf32> to vector<128x1xf32>
    %broadcast_in_dim3A_154 = vector.broadcast %broadcast_in_dim3A_153 : vector<128x1xf32> to vector<128x128xf32>
    %broadcast_in_dim3A_155 = vector.broadcast %jit3A_152 : f32 to vector<128x128xf32>
    %select_n3A_156 = arith.select %eq3A_149, %broadcast_in_dim3A_154, %broadcast_in_dim3A_155 : vector<128x128xi1>, vector<128x128xf32>
    %add3A_157 = arith.addf %add3A_125, %select_n3A_156 : vector<128x128xf32>
    %eq3A_158 = arith.constant 3 : i32
    %eq3A_159 = vector.broadcast %eq3A_158 : i32 to vector<128x80xi32>
    %eq3A_160 = arith.cmpi eq, %select_n3A, %eq3A_159 : vector<128x80xi32>
    %jit3A_161 = arith.constant -3.000000e+38 : f32
    %broadcast_in_dim3A_162 = vector.broadcast %jit3A_161 : f32 to vector<128x80xf32>
    %select_n3A_163 = arith.select %eq3A_160, %get3A_7, %broadcast_in_dim3A_162 : vector<128x80xi1>, vector<128x80xf32>
    %reduce_max3A_164 = arith.constant dense<0xFF800000> : vector<128xf32>
    %reduce_max3A_165 = vector.multi_reduction <maximumf>, %select_n3A_163, %reduce_max3A_164 [1] : vector<128x80xf32> to vector<128xf32>
    %broadcast_in_dim3A_166 = vector.shape_cast %reduce_max3A_165 : vector<128xf32> to vector<128x1xf32>
    %sub3A_167 = vector.broadcast %broadcast_in_dim3A_166 : vector<128x1xf32> to vector<128x80xf32>
    %sub3A_168 = arith.subf %get3A_7, %sub3A_167 : vector<128x80xf32>
    %exp3A_169 = math.exp %sub3A_168 : vector<128x80xf32>
    %mul3A_170 = arith.mulf %get3A_10, %exp3A_169 : vector<128x80xf32>
    %jit3A_171 = arith.constant 0.000000e+00 : f32
    %broadcast_in_dim3A_172 = vector.broadcast %jit3A_171 : f32 to vector<128x80xf32>
    %select_n3A_173 = arith.select %eq3A_160, %mul3A_170, %broadcast_in_dim3A_172 : vector<128x80xi1>, vector<128x80xf32>
    %reduce_sum3A_174 = arith.constant dense<0.000000e+00> : vector<128xf32>
    %reduce_sum3A_175 = vector.multi_reduction <add>, %select_n3A_173, %reduce_sum3A_174 [1] : vector<128x80xf32> to vector<128xf32>
    %broadcast_in_dim3A_176 = vector.shape_cast %reduce_sum3A_175 : vector<128xf32> to vector<128x1xf32>
    %log3A_177 = math.log %broadcast_in_dim3A_176 : vector<128x1xf32>
    %add3A_178 = arith.addf %broadcast_in_dim3A_166, %log3A_177 : vector<128x1xf32>
    %eq3A_179 = arith.constant 3 : i32
    %eq3A_180 = vector.broadcast %eq3A_179 : i32 to vector<128x128xi32>
    %eq3A_181 = arith.cmpi eq, %select_n3A_68, %eq3A_180 : vector<128x128xi32>
    %slice3A_182 = vector.extract_strided_slice %get3A_13 {offsets = [0, 3], sizes = [128, 1], strides = [1, 1]} : vector<128x4xf32> to vector<128x1xf32>
    %sub3A_183 = arith.subf %slice3A_182, %add3A_178 : vector<128x1xf32>
    %jit3A_184 = arith.constant 0.000000e+00 : f32
    %broadcast_in_dim3A_185 = vector.shape_cast %sub3A_183 : vector<128x1xf32> to vector<128x1xf32>
    %broadcast_in_dim3A_186 = vector.broadcast %broadcast_in_dim3A_185 : vector<128x1xf32> to vector<128x128xf32>
    %broadcast_in_dim3A_187 = vector.broadcast %jit3A_184 : f32 to vector<128x128xf32>
    %select_n3A_188 = arith.select %eq3A_181, %broadcast_in_dim3A_186, %broadcast_in_dim3A_187 : vector<128x128xi1>, vector<128x128xf32>
    %add3A_189 = arith.addf %add3A_157, %select_n3A_188 : vector<128x128xf32>
    %add3A_190 = arith.addf %get3A_1, %add3A_189 : vector<128x128xf32>
    %mul3A_191 = arith.constant 100000 : i32
    %mul3A_192 = vector.broadcast %mul3A_191 : i32 to vector<128x128xi32>
    %mul3A_193 = arith.muli %select_n3A_68, %mul3A_192 : vector<128x128xi32>
    %add3A_194 = arith.addi %mul3A_193, %get3A_4 : vector<128x128xi32>
    %reduce_max3A_195 = arith.constant dense<0xFF800000> : vector<128xf32>
    %reduce_max3A_196 = vector.multi_reduction <maximumf>, %add3A_190, %reduce_max3A_195 [1] : vector<128x128xf32> to vector<128xf32>
    %broadcast_in_dim3A_197 = vector.shape_cast %reduce_max3A_196 : vector<128xf32> to vector<128x1xf32>
    %eq3A_198 = vector.broadcast %broadcast_in_dim3A_197 : vector<128x1xf32> to vector<128x128xf32>
    %eq3A_199 = arith.cmpf oeq, %add3A_190, %eq3A_198 : vector<128x128xf32>
    %jit3A_200 = arith.constant 1073741824 : i32
    %broadcast_in_dim3A_201 = vector.broadcast %jit3A_200 : i32 to vector<128x128xi32>
    %select_n3A_202 = arith.select %eq3A_199, %add3A_194, %broadcast_in_dim3A_201 : vector<128x128xi1>, vector<128x128xi32>
    %reduce_min3A = arith.constant dense<2147483647> : vector<128xi32>
    %reduce_min3A_203 = vector.multi_reduction <minsi>, %select_n3A_202, %reduce_min3A [1] : vector<128x128xi32> to vector<128xi32>
    %broadcast_in_dim3A_204 = vector.shape_cast %reduce_min3A_203 : vector<128xi32> to vector<128x1xi32>
    %jit3A_205 = arith.constant 100000 : i32
    %eq3A_206 = arith.constant 0 : i32
    %eq3A_207 = arith.cmpi eq, %jit3A_205, %eq3A_206 : i32
    %jit3A_208 = arith.constant 1 : i32
    %select_n3A_209 = arith.select %eq3A_207, %jit3A_208, %jit3A_205 : i32
    %rem3A_210 = vector.broadcast %select_n3A_209 : i32 to vector<128x1xi32>
    %rem3A_211 = arith.remsi %broadcast_in_dim3A_204, %rem3A_210 : vector<128x1xi32>
    %ne3A_212 = arith.constant 0 : i32
    %ne3A_213 = vector.broadcast %ne3A_212 : i32 to vector<128x1xi32>
    %ne3A_214 = arith.cmpi ne, %rem3A_211, %ne3A_213 : vector<128x1xi32>
    %lt3A = arith.constant 0 : i32
    %lt3A_215 = vector.broadcast %lt3A : i32 to vector<128x1xi32>
    %lt3A_216 = arith.cmpi slt, %rem3A_211, %lt3A_215 : vector<128x1xi32>
    %lt3A_217 = arith.constant 0 : i32
    %lt3A_218 = arith.cmpi slt, %select_n3A_209, %lt3A_217 : i32
    %ne3A_219 = vector.broadcast %lt3A_218 : i1 to vector<128x1xi1>
    %ne3A_220 = vector.broadcast %ne3A_219 : vector<128x1xi1> to vector<128x1xi1>
    %ne3A_221 = arith.xori %lt3A_216, %ne3A_220 : vector<128x1xi1>
    %and3A_222 = arith.andi %ne3A_221, %ne3A_214 : vector<128x1xi1>
    %add3A_223 = vector.broadcast %select_n3A_209 : i32 to vector<128x1xi32>
    %add3A_224 = arith.addi %rem3A_211, %add3A_223 : vector<128x1xi32>
    %select_n3A_225 = arith.select %and3A_222, %add3A_224, %rem3A_211 : vector<128x1xi1>, vector<128x1xi32>
    %jit3A_226 = arith.constant 100000 : i32
    %div3A_227 = vector.broadcast %jit3A_226 : i32 to vector<128x1xi32>
    %div3A_228 = arith.divsi %broadcast_in_dim3A_204, %div3A_227 : vector<128x1xi32>
    %sign3A_229 = arith.constant 0 : i32
    %sign3A_230 = vector.broadcast %sign3A_229 : i32 to vector<128x1xi32>
    %sign3A_231 = arith.cmpi sgt, %broadcast_in_dim3A_204, %sign3A_230 : vector<128x1xi32>
    %sign3A_232 = arith.extui %sign3A_231 : vector<128x1xi1> to vector<128x1xi32>
    %sign3A_233 = arith.constant 0 : i32
    %sign3A_234 = vector.broadcast %sign3A_233 : i32 to vector<128x1xi32>
    %sign3A_235 = arith.cmpi slt, %broadcast_in_dim3A_204, %sign3A_234 : vector<128x1xi32>
    %sign3A_236 = arith.extui %sign3A_235 : vector<128x1xi1> to vector<128x1xi32>
    %sign3A_237 = arith.subi %sign3A_232, %sign3A_236 : vector<128x1xi32>
    %sign3A_238 = arith.constant 0 : i32
    %sign3A_239 = arith.cmpi sgt, %jit3A_226, %sign3A_238 : i32
    %sign3A_240 = arith.extui %sign3A_239 : i1 to i32
    %sign3A_241 = arith.constant 0 : i32
    %sign3A_242 = arith.cmpi slt, %jit3A_226, %sign3A_241 : i32
    %sign3A_243 = arith.extui %sign3A_242 : i1 to i32
    %sign3A_244 = arith.subi %sign3A_240, %sign3A_243 : i32
    %ne3A_245 = vector.broadcast %sign3A_244 : i32 to vector<128x1xi32>
    %ne3A_246 = arith.cmpi ne, %sign3A_237, %ne3A_245 : vector<128x1xi32>
    %rem3A_247 = vector.broadcast %jit3A_226 : i32 to vector<128x1xi32>
    %rem3A_248 = arith.remsi %broadcast_in_dim3A_204, %rem3A_247 : vector<128x1xi32>
    %ne3A_249 = arith.constant 0 : i32
    %ne3A_250 = vector.broadcast %ne3A_249 : i32 to vector<128x1xi32>
    %ne3A_251 = arith.cmpi ne, %rem3A_248, %ne3A_250 : vector<128x1xi32>
    %and3A_252 = arith.andi %ne3A_246, %ne3A_251 : vector<128x1xi1>
    %sub3A_253 = arith.constant 1 : i32
    %sub3A_254 = vector.broadcast %sub3A_253 : i32 to vector<128x1xi32>
    %sub3A_255 = arith.subi %div3A_228, %sub3A_254 : vector<128x1xi32>
    %select_n3A_256 = arith.select %and3A_252, %sub3A_255, %div3A_228 : vector<128x1xi1>, vector<128x1xi32>
    %eq3A_257 = vector.broadcast %broadcast_in_dim3A_204 : vector<128x1xi32> to vector<128x128xi32>
    %eq3A_258 = arith.cmpi eq, %add3A_194, %eq3A_257 : vector<128x128xi32>
    %jit3A_259 = arith.constant -3.000000e+38 : f32
    %broadcast_in_dim3A_260 = vector.broadcast %jit3A_259 : f32 to vector<128x128xf32>
    %select_n3A_261 = arith.select %eq3A_258, %broadcast_in_dim3A_260, %add3A_190 : vector<128x128xi1>, vector<128x128xf32>
    %reduce_max3A_262 = arith.constant dense<0xFF800000> : vector<128xf32>
    %reduce_max3A_263 = vector.multi_reduction <maximumf>, %select_n3A_261, %reduce_max3A_262 [1] : vector<128x128xf32> to vector<128xf32>
    %broadcast_in_dim3A_264 = vector.shape_cast %reduce_max3A_263 : vector<128xf32> to vector<128x1xf32>
    %eq3A_265 = vector.broadcast %broadcast_in_dim3A_264 : vector<128x1xf32> to vector<128x128xf32>
    %eq3A_266 = arith.cmpf oeq, %select_n3A_261, %eq3A_265 : vector<128x128xf32>
    %jit3A_267 = arith.constant 1073741824 : i32
    %broadcast_in_dim3A_268 = vector.broadcast %jit3A_267 : i32 to vector<128x128xi32>
    %select_n3A_269 = arith.select %eq3A_266, %add3A_194, %broadcast_in_dim3A_268 : vector<128x128xi1>, vector<128x128xi32>
    %reduce_min3A_270 = arith.constant dense<2147483647> : vector<128xi32>
    %reduce_min3A_271 = vector.multi_reduction <minsi>, %select_n3A_269, %reduce_min3A_270 [1] : vector<128x128xi32> to vector<128xi32>
    %broadcast_in_dim3A_272 = vector.shape_cast %reduce_min3A_271 : vector<128xi32> to vector<128x1xi32>
    %jit3A_273 = arith.constant 100000 : i32
    %eq3A_274 = arith.constant 0 : i32
    %eq3A_275 = arith.cmpi eq, %jit3A_273, %eq3A_274 : i32
    %jit3A_276 = arith.constant 1 : i32
    %select_n3A_277 = arith.select %eq3A_275, %jit3A_276, %jit3A_273 : i32
    %rem3A_278 = vector.broadcast %select_n3A_277 : i32 to vector<128x1xi32>
    %rem3A_279 = arith.remsi %broadcast_in_dim3A_272, %rem3A_278 : vector<128x1xi32>
    %ne3A_280 = arith.constant 0 : i32
    %ne3A_281 = vector.broadcast %ne3A_280 : i32 to vector<128x1xi32>
    %ne3A_282 = arith.cmpi ne, %rem3A_279, %ne3A_281 : vector<128x1xi32>
    %lt3A_283 = arith.constant 0 : i32
    %lt3A_284 = vector.broadcast %lt3A_283 : i32 to vector<128x1xi32>
    %lt3A_285 = arith.cmpi slt, %rem3A_279, %lt3A_284 : vector<128x1xi32>
    %lt3A_286 = arith.constant 0 : i32
    %lt3A_287 = arith.cmpi slt, %select_n3A_277, %lt3A_286 : i32
    %ne3A_288 = vector.broadcast %lt3A_287 : i1 to vector<128x1xi1>
    %ne3A_289 = vector.broadcast %ne3A_288 : vector<128x1xi1> to vector<128x1xi1>
    %ne3A_290 = arith.xori %lt3A_285, %ne3A_289 : vector<128x1xi1>
    %and3A_291 = arith.andi %ne3A_290, %ne3A_282 : vector<128x1xi1>
    %add3A_292 = vector.broadcast %select_n3A_277 : i32 to vector<128x1xi32>
    %add3A_293 = arith.addi %rem3A_279, %add3A_292 : vector<128x1xi32>
    %select_n3A_294 = arith.select %and3A_291, %add3A_293, %rem3A_279 : vector<128x1xi1>, vector<128x1xi32>
    %jit3A_295 = arith.constant 100000 : i32
    %div3A_296 = vector.broadcast %jit3A_295 : i32 to vector<128x1xi32>
    %div3A_297 = arith.divsi %broadcast_in_dim3A_272, %div3A_296 : vector<128x1xi32>
    %sign3A_298 = arith.constant 0 : i32
    %sign3A_299 = vector.broadcast %sign3A_298 : i32 to vector<128x1xi32>
    %sign3A_300 = arith.cmpi sgt, %broadcast_in_dim3A_272, %sign3A_299 : vector<128x1xi32>
    %sign3A_301 = arith.extui %sign3A_300 : vector<128x1xi1> to vector<128x1xi32>
    %sign3A_302 = arith.constant 0 : i32
    %sign3A_303 = vector.broadcast %sign3A_302 : i32 to vector<128x1xi32>
    %sign3A_304 = arith.cmpi slt, %broadcast_in_dim3A_272, %sign3A_303 : vector<128x1xi32>
    %sign3A_305 = arith.extui %sign3A_304 : vector<128x1xi1> to vector<128x1xi32>
    %sign3A_306 = arith.subi %sign3A_301, %sign3A_305 : vector<128x1xi32>
    %sign3A_307 = arith.constant 0 : i32
    %sign3A_308 = arith.cmpi sgt, %jit3A_295, %sign3A_307 : i32
    %sign3A_309 = arith.extui %sign3A_308 : i1 to i32
    %sign3A_310 = arith.constant 0 : i32
    %sign3A_311 = arith.cmpi slt, %jit3A_295, %sign3A_310 : i32
    %sign3A_312 = arith.extui %sign3A_311 : i1 to i32
    %sign3A_313 = arith.subi %sign3A_309, %sign3A_312 : i32
    %ne3A_314 = vector.broadcast %sign3A_313 : i32 to vector<128x1xi32>
    %ne3A_315 = arith.cmpi ne, %sign3A_306, %ne3A_314 : vector<128x1xi32>
    %rem3A_316 = vector.broadcast %jit3A_295 : i32 to vector<128x1xi32>
    %rem3A_317 = arith.remsi %broadcast_in_dim3A_272, %rem3A_316 : vector<128x1xi32>
    %ne3A_318 = arith.constant 0 : i32
    %ne3A_319 = vector.broadcast %ne3A_318 : i32 to vector<128x1xi32>
    %ne3A_320 = arith.cmpi ne, %rem3A_317, %ne3A_319 : vector<128x1xi32>
    %and3A_321 = arith.andi %ne3A_315, %ne3A_320 : vector<128x1xi1>
    %sub3A_322 = arith.constant 1 : i32
    %sub3A_323 = vector.broadcast %sub3A_322 : i32 to vector<128x1xi32>
    %sub3A_324 = arith.subi %div3A_297, %sub3A_323 : vector<128x1xi32>
    %select_n3A_325 = arith.select %and3A_321, %sub3A_324, %div3A_297 : vector<128x1xi1>, vector<128x1xi32>
    %eq3A_326 = vector.broadcast %broadcast_in_dim3A_272 : vector<128x1xi32> to vector<128x128xi32>
    %eq3A_327 = arith.cmpi eq, %add3A_194, %eq3A_326 : vector<128x128xi32>
    %jit3A_328 = arith.constant -3.000000e+38 : f32
    %broadcast_in_dim3A_329 = vector.broadcast %jit3A_328 : f32 to vector<128x128xf32>
    %select_n3A_330 = arith.select %eq3A_327, %broadcast_in_dim3A_329, %select_n3A_261 : vector<128x128xi1>, vector<128x128xf32>
    %reduce_max3A_331 = arith.constant dense<0xFF800000> : vector<128xf32>
    %reduce_max3A_332 = vector.multi_reduction <maximumf>, %select_n3A_330, %reduce_max3A_331 [1] : vector<128x128xf32> to vector<128xf32>
    %broadcast_in_dim3A_333 = vector.shape_cast %reduce_max3A_332 : vector<128xf32> to vector<128x1xf32>
    %eq3A_334 = vector.broadcast %broadcast_in_dim3A_333 : vector<128x1xf32> to vector<128x128xf32>
    %eq3A_335 = arith.cmpf oeq, %select_n3A_330, %eq3A_334 : vector<128x128xf32>
    %jit3A_336 = arith.constant 1073741824 : i32
    %broadcast_in_dim3A_337 = vector.broadcast %jit3A_336 : i32 to vector<128x128xi32>
    %select_n3A_338 = arith.select %eq3A_335, %add3A_194, %broadcast_in_dim3A_337 : vector<128x128xi1>, vector<128x128xi32>
    %reduce_min3A_339 = arith.constant dense<2147483647> : vector<128xi32>
    %reduce_min3A_340 = vector.multi_reduction <minsi>, %select_n3A_338, %reduce_min3A_339 [1] : vector<128x128xi32> to vector<128xi32>
    %broadcast_in_dim3A_341 = vector.shape_cast %reduce_min3A_340 : vector<128xi32> to vector<128x1xi32>
    %jit3A_342 = arith.constant 100000 : i32
    %eq3A_343 = arith.constant 0 : i32
    %eq3A_344 = arith.cmpi eq, %jit3A_342, %eq3A_343 : i32
    %jit3A_345 = arith.constant 1 : i32
    %select_n3A_346 = arith.select %eq3A_344, %jit3A_345, %jit3A_342 : i32
    %rem3A_347 = vector.broadcast %select_n3A_346 : i32 to vector<128x1xi32>
    %rem3A_348 = arith.remsi %broadcast_in_dim3A_341, %rem3A_347 : vector<128x1xi32>
    %ne3A_349 = arith.constant 0 : i32
    %ne3A_350 = vector.broadcast %ne3A_349 : i32 to vector<128x1xi32>
    %ne3A_351 = arith.cmpi ne, %rem3A_348, %ne3A_350 : vector<128x1xi32>
    %lt3A_352 = arith.constant 0 : i32
    %lt3A_353 = vector.broadcast %lt3A_352 : i32 to vector<128x1xi32>
    %lt3A_354 = arith.cmpi slt, %rem3A_348, %lt3A_353 : vector<128x1xi32>
    %lt3A_355 = arith.constant 0 : i32
    %lt3A_356 = arith.cmpi slt, %select_n3A_346, %lt3A_355 : i32
    %ne3A_357 = vector.broadcast %lt3A_356 : i1 to vector<128x1xi1>
    %ne3A_358 = vector.broadcast %ne3A_357 : vector<128x1xi1> to vector<128x1xi1>
    %ne3A_359 = arith.xori %lt3A_354, %ne3A_358 : vector<128x1xi1>
    %and3A_360 = arith.andi %ne3A_359, %ne3A_351 : vector<128x1xi1>
    %add3A_361 = vector.broadcast %select_n3A_346 : i32 to vector<128x1xi32>
    %add3A_362 = arith.addi %rem3A_348, %add3A_361 : vector<128x1xi32>
    %select_n3A_363 = arith.select %and3A_360, %add3A_362, %rem3A_348 : vector<128x1xi1>, vector<128x1xi32>
    %jit3A_364 = arith.constant 100000 : i32
    %div3A_365 = vector.broadcast %jit3A_364 : i32 to vector<128x1xi32>
    %div3A_366 = arith.divsi %broadcast_in_dim3A_341, %div3A_365 : vector<128x1xi32>
    %sign3A_367 = arith.constant 0 : i32
    %sign3A_368 = vector.broadcast %sign3A_367 : i32 to vector<128x1xi32>
    %sign3A_369 = arith.cmpi sgt, %broadcast_in_dim3A_341, %sign3A_368 : vector<128x1xi32>
    %sign3A_370 = arith.extui %sign3A_369 : vector<128x1xi1> to vector<128x1xi32>
    %sign3A_371 = arith.constant 0 : i32
    %sign3A_372 = vector.broadcast %sign3A_371 : i32 to vector<128x1xi32>
    %sign3A_373 = arith.cmpi slt, %broadcast_in_dim3A_341, %sign3A_372 : vector<128x1xi32>
    %sign3A_374 = arith.extui %sign3A_373 : vector<128x1xi1> to vector<128x1xi32>
    %sign3A_375 = arith.subi %sign3A_370, %sign3A_374 : vector<128x1xi32>
    %sign3A_376 = arith.constant 0 : i32
    %sign3A_377 = arith.cmpi sgt, %jit3A_364, %sign3A_376 : i32
    %sign3A_378 = arith.extui %sign3A_377 : i1 to i32
    %sign3A_379 = arith.constant 0 : i32
    %sign3A_380 = arith.cmpi slt, %jit3A_364, %sign3A_379 : i32
    %sign3A_381 = arith.extui %sign3A_380 : i1 to i32
    %sign3A_382 = arith.subi %sign3A_378, %sign3A_381 : i32
    %ne3A_383 = vector.broadcast %sign3A_382 : i32 to vector<128x1xi32>
    %ne3A_384 = arith.cmpi ne, %sign3A_375, %ne3A_383 : vector<128x1xi32>
    %rem3A_385 = vector.broadcast %jit3A_364 : i32 to vector<128x1xi32>
    %rem3A_386 = arith.remsi %broadcast_in_dim3A_341, %rem3A_385 : vector<128x1xi32>
    %ne3A_387 = arith.constant 0 : i32
    %ne3A_388 = vector.broadcast %ne3A_387 : i32 to vector<128x1xi32>
    %ne3A_389 = arith.cmpi ne, %rem3A_386, %ne3A_388 : vector<128x1xi32>
    %and3A_390 = arith.andi %ne3A_384, %ne3A_389 : vector<128x1xi1>
    %sub3A_391 = arith.constant 1 : i32
    %sub3A_392 = vector.broadcast %sub3A_391 : i32 to vector<128x1xi32>
    %sub3A_393 = arith.subi %div3A_366, %sub3A_392 : vector<128x1xi32>
    %select_n3A_394 = arith.select %and3A_390, %sub3A_393, %div3A_366 : vector<128x1xi1>, vector<128x1xi32>
    %eq3A_395 = vector.broadcast %broadcast_in_dim3A_341 : vector<128x1xi32> to vector<128x128xi32>
    %eq3A_396 = arith.cmpi eq, %add3A_194, %eq3A_395 : vector<128x128xi32>
    %jit3A_397 = arith.constant -3.000000e+38 : f32
    %broadcast_in_dim3A_398 = vector.broadcast %jit3A_397 : f32 to vector<128x128xf32>
    %select_n3A_399 = arith.select %eq3A_396, %broadcast_in_dim3A_398, %select_n3A_330 : vector<128x128xi1>, vector<128x128xf32>
    %reduce_max3A_400 = arith.constant dense<0xFF800000> : vector<128xf32>
    %reduce_max3A_401 = vector.multi_reduction <maximumf>, %select_n3A_399, %reduce_max3A_400 [1] : vector<128x128xf32> to vector<128xf32>
    %broadcast_in_dim3A_402 = vector.shape_cast %reduce_max3A_401 : vector<128xf32> to vector<128x1xf32>
    %eq3A_403 = vector.broadcast %broadcast_in_dim3A_402 : vector<128x1xf32> to vector<128x128xf32>
    %eq3A_404 = arith.cmpf oeq, %select_n3A_399, %eq3A_403 : vector<128x128xf32>
    %jit3A_405 = arith.constant 1073741824 : i32
    %broadcast_in_dim3A_406 = vector.broadcast %jit3A_405 : i32 to vector<128x128xi32>
    %select_n3A_407 = arith.select %eq3A_404, %add3A_194, %broadcast_in_dim3A_406 : vector<128x128xi1>, vector<128x128xi32>
    %reduce_min3A_408 = arith.constant dense<2147483647> : vector<128xi32>
    %reduce_min3A_409 = vector.multi_reduction <minsi>, %select_n3A_407, %reduce_min3A_408 [1] : vector<128x128xi32> to vector<128xi32>
    %broadcast_in_dim3A_410 = vector.shape_cast %reduce_min3A_409 : vector<128xi32> to vector<128x1xi32>
    %jit3A_411 = arith.constant 100000 : i32
    %eq3A_412 = arith.constant 0 : i32
    %eq3A_413 = arith.cmpi eq, %jit3A_411, %eq3A_412 : i32
    %jit3A_414 = arith.constant 1 : i32
    %select_n3A_415 = arith.select %eq3A_413, %jit3A_414, %jit3A_411 : i32
    %rem3A_416 = vector.broadcast %select_n3A_415 : i32 to vector<128x1xi32>
    %rem3A_417 = arith.remsi %broadcast_in_dim3A_410, %rem3A_416 : vector<128x1xi32>
    %ne3A_418 = arith.constant 0 : i32
    %ne3A_419 = vector.broadcast %ne3A_418 : i32 to vector<128x1xi32>
    %ne3A_420 = arith.cmpi ne, %rem3A_417, %ne3A_419 : vector<128x1xi32>
    %lt3A_421 = arith.constant 0 : i32
    %lt3A_422 = vector.broadcast %lt3A_421 : i32 to vector<128x1xi32>
    %lt3A_423 = arith.cmpi slt, %rem3A_417, %lt3A_422 : vector<128x1xi32>
    %lt3A_424 = arith.constant 0 : i32
    %lt3A_425 = arith.cmpi slt, %select_n3A_415, %lt3A_424 : i32
    %ne3A_426 = vector.broadcast %lt3A_425 : i1 to vector<128x1xi1>
    %ne3A_427 = vector.broadcast %ne3A_426 : vector<128x1xi1> to vector<128x1xi1>
    %ne3A_428 = arith.xori %lt3A_423, %ne3A_427 : vector<128x1xi1>
    %and3A_429 = arith.andi %ne3A_428, %ne3A_420 : vector<128x1xi1>
    %add3A_430 = vector.broadcast %select_n3A_415 : i32 to vector<128x1xi32>
    %add3A_431 = arith.addi %rem3A_417, %add3A_430 : vector<128x1xi32>
    %select_n3A_432 = arith.select %and3A_429, %add3A_431, %rem3A_417 : vector<128x1xi1>, vector<128x1xi32>
    %jit3A_433 = arith.constant 100000 : i32
    %div3A_434 = vector.broadcast %jit3A_433 : i32 to vector<128x1xi32>
    %div3A_435 = arith.divsi %broadcast_in_dim3A_410, %div3A_434 : vector<128x1xi32>
    %sign3A_436 = arith.constant 0 : i32
    %sign3A_437 = vector.broadcast %sign3A_436 : i32 to vector<128x1xi32>
    %sign3A_438 = arith.cmpi sgt, %broadcast_in_dim3A_410, %sign3A_437 : vector<128x1xi32>
    %sign3A_439 = arith.extui %sign3A_438 : vector<128x1xi1> to vector<128x1xi32>
    %sign3A_440 = arith.constant 0 : i32
    %sign3A_441 = vector.broadcast %sign3A_440 : i32 to vector<128x1xi32>
    %sign3A_442 = arith.cmpi slt, %broadcast_in_dim3A_410, %sign3A_441 : vector<128x1xi32>
    %sign3A_443 = arith.extui %sign3A_442 : vector<128x1xi1> to vector<128x1xi32>
    %sign3A_444 = arith.subi %sign3A_439, %sign3A_443 : vector<128x1xi32>
    %sign3A_445 = arith.constant 0 : i32
    %sign3A_446 = arith.cmpi sgt, %jit3A_433, %sign3A_445 : i32
    %sign3A_447 = arith.extui %sign3A_446 : i1 to i32
    %sign3A_448 = arith.constant 0 : i32
    %sign3A_449 = arith.cmpi slt, %jit3A_433, %sign3A_448 : i32
    %sign3A_450 = arith.extui %sign3A_449 : i1 to i32
    %sign3A_451 = arith.subi %sign3A_447, %sign3A_450 : i32
    %ne3A_452 = vector.broadcast %sign3A_451 : i32 to vector<128x1xi32>
    %ne3A_453 = arith.cmpi ne, %sign3A_444, %ne3A_452 : vector<128x1xi32>
    %rem3A_454 = vector.broadcast %jit3A_433 : i32 to vector<128x1xi32>
    %rem3A_455 = arith.remsi %broadcast_in_dim3A_410, %rem3A_454 : vector<128x1xi32>
    %ne3A_456 = arith.constant 0 : i32
    %ne3A_457 = vector.broadcast %ne3A_456 : i32 to vector<128x1xi32>
    %ne3A_458 = arith.cmpi ne, %rem3A_455, %ne3A_457 : vector<128x1xi32>
    %and3A_459 = arith.andi %ne3A_453, %ne3A_458 : vector<128x1xi1>
    %sub3A_460 = arith.constant 1 : i32
    %sub3A_461 = vector.broadcast %sub3A_460 : i32 to vector<128x1xi32>
    %sub3A_462 = arith.subi %div3A_435, %sub3A_461 : vector<128x1xi32>
    %select_n3A_463 = arith.select %and3A_459, %sub3A_462, %div3A_435 : vector<128x1xi1>, vector<128x1xi32>
    %concatenate3A = tpu.concatenate %broadcast_in_dim3A_197, %broadcast_in_dim3A_264, %broadcast_in_dim3A_333, %broadcast_in_dim3A_402 in 1 : vector<128x1xf32>, vector<128x1xf32>, vector<128x1xf32>, vector<128x1xf32> -> vector<128x4xf32>
    %swap3A = arith.constant 0 : index
    %swap3A_464 = arith.constant 0 : index
    %swap3A_465 = vector.load %arg5[%swap3A, %swap3A_464] : memref<128x4xf32, #tpu.memory_space<vmem>>, vector<128x4xf32>
    tpu.vector_store %arg5[%swap3A, %swap3A_464], %concatenate3A {strides = array<i32>} : memref<128x4xf32, #tpu.memory_space<vmem>>, vector<128x4xf32>,
    %concatenate3A_466 = tpu.concatenate %select_n3A_225, %select_n3A_294, %select_n3A_363, %select_n3A_432 in 1 : vector<128x1xi32>, vector<128x1xi32>, vector<128x1xi32>, vector<128x1xi32> -> vector<128x4xi32>
    %swap3A_467 = arith.constant 0 : index
    %swap3A_468 = arith.constant 0 : index
    %swap3A_469 = vector.load %arg6[%swap3A_467, %swap3A_468] : memref<128x4xi32, #tpu.memory_space<vmem>>, vector<128x4xi32>
    tpu.vector_store %arg6[%swap3A_467, %swap3A_468], %concatenate3A_466 {strides = array<i32>} : memref<128x4xi32, #tpu.memory_space<vmem>>, vector<128x4xi32>,
    %concatenate3A_470 = tpu.concatenate %select_n3A_256, %select_n3A_325, %select_n3A_394, %select_n3A_463 in 1 : vector<128x1xi32>, vector<128x1xi32>, vector<128x1xi32>, vector<128x1xi32> -> vector<128x4xi32>
    %swap3A_471 = arith.constant 0 : index
    %swap3A_472 = arith.constant 0 : index
    %swap3A_473 = vector.load %arg7[%swap3A_471, %swap3A_472] : memref<128x4xi32, #tpu.memory_space<vmem>>, vector<128x4xi32>
    tpu.vector_store %arg7[%swap3A_471, %swap3A_472], %concatenate3A_470 {strides = array<i32>} : memref<128x4xi32, #tpu.memory_space<vmem>>, vector<128x4xi32>,
    return
  }
}

</mosaic_0001>

<sc_bundles>
// kernel: kernel.5.cloned.1.call-start
scs
__scs_entry_jumppad:
0x0: {  	(pc) =	sbr.rel $0x88, $3  }
0x1: {  	(tag) =	ssettag $0x0;
	lr =	simm.s32 $0x1  }
0x2: {  	[smem:$0x3F9F] =	sst lr;
	_ =	strace $0xD0000000  }
0x3: {  	_ = 	snop  }
0x4: {  	_ = 	snop  }
0x5: {  	_ = 	snop  }
0x6: {  	_ = 	snop  }
0x7: {  	_ = 	snop  }
__scs_overlays_trampoline_lowered:
0x8: {  	[smem:$0x3FAE] =	sst s0  }
0x9: {  	[smem:$0x3FAF] =	sst s1  }
0xa: {  	[smem:$0x3FB0] =	sst s2  }
0xb: {  	[smem:$0x3FB1] =	sst s3  }
0xc: {  	[smem:$0x3FB2] =	sst s4  }
0xd: {  	[smem:$0x3FB3] =	sst s5  }
0xe: {  	[smem:$0x3FB4] =	sst s6  }
0xf: {  	[smem:$0x3FB5] =	sst s7  }
0x10: {  	[smem:$0x3FB6] =	sst s8  }
0x11: {  	[smem:$0x3FB7] =	sst s9;
	s0 =	simm.s32 @!p0 $0x0  }
0x12: {  	s1 =	sld [smem:$0x3F9D];
	s0 =	simm.s32 @p0 $0x1  }
0x13: {  	[smem:$0x3FB8] =	sst s0;
	s0 =	simm.s32 @!p1 $0x0  }
0x14: {  	s2 =	sld [smem:$0x3F9C];
	s0 =	simm.s32 @p1 $0x1  }
0x15: {  	[smem:$0x3FB9] =	sst s0;
	s0 =	simm.s32 @!p2 $0x0  }
0x16: {  	s3 =	sld [smem:$0x3FDB];
	s0 =	simm.s32 @p2 $0x1  }
0x17: {  	s4 =	simm.s32 $0x1BF5;
	[smem:$0x3FBB] =	sst s0  }
0x18: {  	s0 =	sld [smem:$0x3F9E];
	_ =	swait.ge [sflag:s4], $0x0  }
0x19: {  	s7 =	sld [smem:$0x3F9F]  }
0x1a: {  	s8 =	sadd.s32 $0xFFFFE003, lr  }
0x1b: {  	s9 =	sadd.s32 $0xFFFFFEF7, lr;
	s5 =	simm.s32 $0xFFFFFFFF;
	p2 =	slt.u32 s8, $0xFFFFF086  }
0x1c: {  	p1 =	slt.u32 s9, $0xF7A;
	s5 =	simm.s32 @!p2 $0x0  }
0x1d: {  	s5 =	simm.s32 @p1 $0x1;
	p0 =	seq.s32 s7, s2  }
0x1e: {  	s7 =	smul.u32 @!p0 $0xF7A, s2;
	p2 =	seq.s32 @!p0 s5, $0x0  }
0x1f: {  	s9 =	smul.u32 $0xF7A, s1;
	s8 =	simm.s32 @!p0 $0x1BF5;
	p2 =	por !p2, p0  }
0x20: {  	[sflag:s8] =	ssyncset.s32 @!p0 $0xFFFFF086;
	s6 =	sadd.s32 @!p0 s3, s7;
	s7 =	simm.s32 @!p0 $0x108  }
0x21: {  	s3 =	sadd.s32 s3, s9;
	s6 =	sadd.s32 @!p0 $0x88, s6;
	s7 =	simm.s32 @p2 $0x1082  }
0x22: {  	[simem:s7], [sflag:s8] =	dma.local @!p0 [hbm:s6], $0xF7A  }
0x23: {  	s9 =	sor.u32 $0xD0000000, s2;
	s6 =	simm.s32 $0x108;
	_ =	swait.ge @!p0 [sflag:s8], $0x0  }
0x24: {  	s3 =	sadd.s32 $0x88, s3;
	s6 =	simm.s32 @!p1 $0x1082;
	[sflag:s4] =	ssyncset.s32 $0xFFFFF086  }
0x25: {  	[simem:s6], [sflag:s4] =	dma.local [hbm:s3], $0xF7A  }
0x26: {  	[smem:$0x3F9F] =	sst s1;
	(tag) =	ssettag s2;
	_ =	strace s9  }
0x27: {  	s1 =	sld [smem:$0x3FAF]  }
0x28: {  	s2 =	sld [smem:$0x3FB0]  }
0x29: {  	s4 =	sld [smem:$0x3FB2]  }
0x2a: {  	p0 =	seq.s32 s5, $0x0;
	s5 =	sld [smem:$0x3FB3]  }
0x2b: {  	s6 =	sld [smem:$0x3FB4]  }
0x2c: {  	s7 =	sld [smem:$0x3FB5]  }
0x2d: {  	s3 =	simm.s32 $0x108;
	s8 =	sld [smem:$0x3FB6]  }
0x2e: {  	s3 =	simm.s32 @!p0 $0x1082;
	s9 =	sld [smem:$0x3FB7]  }
0x2f: {  	lr =	sadd.s32 s0, s3;
	s0 =	sld [smem:$0x3FAE]  }
0x30: {  	s3 =	sld [smem:$0x3FB1]  }
0x31: {  	[smem:$0x3FBA] =	sst s10  }
0x32: {  	s10 =	sld [smem:$0x3FB8];
	_ =	sdelay $0x3  }
0x33: {  	p0 =	seq.s32 s10, $0x1;
	s10 =	sld [smem:$0x3FBA];
	_ =	sdelay $0x3  }
0x34: {  	[smem:$0x3FBA] =	sst s10  }
0x35: {  	s10 =	sld [smem:$0x3FB9];
	_ =	sdelay $0x3  }
0x36: {  	p1 =	seq.s32 s10, $0x1;
	s10 =	sld [smem:$0x3FBA];
	_ =	sdelay $0x3  }
0x37: {  	[smem:$0x3FBA] =	sst s10  }
0x38: {  	s10 =	sld [smem:$0x3FBB]  }
0x39: {  	_ = 	snop;
	(pc) =	sbr.ind lr, $3  }
0x3a: {  	_ = 	snop  }
0x3b: {  	_ = 	snop  }
0x3c: {  	p2 =	seq.s32 s10, $0x1;
	s10 =	sld [smem:$0x3FBA]  }
0x3d: {  	_ =	shalt  }
0x3e: {  	_ =	shalt  }
0x3f: {  	_ =	shalt  }
0x40: {  	_ =	shalt  }
0x41: {  	_ =	shalt  }
0x42: {  	_ =	shalt  }
0x43: {  	_ =	shalt  }
0x44: {  	_ =	shalt  }
0x45: {  	_ =	shalt  }
0x46: {  	_ =	shalt  }
0x47: {  	_ =	shalt  }
0x48: {  	_ =	shalt  }
0x49: {  	_ =	shalt  }
0x4a: {  	_ =	shalt  }
0x4b: {  	_ =	shalt  }
0x4c: {  	_ =	shalt  }
0x4d: {  	_ =	shalt  }
0x4e: {  	_ =	shalt  }
0x4f: {  	_ =	shalt  }
0x50: {  	_ =	shalt  }
0x51: {  	_ =	shalt  }
0x52: {  	_ =	shalt  }
0x53: {  	_ =	shalt  }
0x54: {  	_ =	shalt  }
0x55: {  	_ =	shalt  }
0x56: {  	_ =	shalt  }
0x57: {  	_ =	shalt  }
0x58: {  	_ =	shalt  }
0x59: {  	_ =	shalt  }
0x5a: {  	_ =	shalt  }
0x5b: {  	_ =	shalt  }
0x5c: {  	_ =	shalt  }
0x5d: {  	_ =	shalt  }
0x5e: {  	_ =	shalt  }
0x5f: {  	_ =	shalt  }
0x60: {  	_ =	shalt  }
0x61: {  	_ =	shalt  }
0x62: {  	_ =	shalt  }
0x63: {  	_ =	shalt  }
0x64: {  	_ =	shalt  }
0x65: {  	_ =	shalt  }
0x66: {  	_ =	shalt  }
0x67: {  	_ =	shalt  }
0x68: {  	_ =	shalt  }
0x69: {  	_ =	shalt  }
0x6a: {  	_ =	shalt  }
0x6b: {  	_ =	shalt  }
0x6c: {  	_ =	shalt  }
0x6d: {  	_ =	shalt  }
0x6e: {  	_ =	shalt  }
0x6f: {  	_ =	shalt  }
0x70: {  	_ =	shalt  }
0x71: {  	_ =	shalt  }
0x72: {  	_ =	shalt  }
0x73: {  	_ =	shalt  }
0x74: {  	_ =	shalt  }
0x75: {  	_ =	shalt  }
0x76: {  	_ =	shalt  }
0x77: {  	_ =	shalt  }
0x78: {  	_ =	shalt  }
0x79: {  	_ =	shalt  }
0x7a: {  	_ =	shalt  }
0x7b: {  	_ =	shalt  }
0x7c: {  	_ =	shalt  }
0x7d: {  	_ =	shalt  }
0x7e: {  	_ =	shalt  }
0x7f: {  	_ =	shalt  }
0x80: {  	_ =	shalt  }
0x81: {  	_ =	shalt  }
0x82: {  	_ =	shalt  }
0x83: {  	_ =	shalt  }
0x84: {  	_ =	shalt  }
0x85: {  	_ =	shalt  }
0x86: {  	_ =	shalt  }
0x87: {  	_ =	shalt  }
.Lfunc_end0:
.L_simem_size_0:
called_computation_lowered:
.L_overlay_start_0:
0x88: {  	s2 =	sld [smem:$0x3FD9]  }
0x89: {  	s3 =	sld [smem:$0x3FFE];
	_ =	sdelay $0x1  }
0x8a: {  	s1 =	srdreg.scid  }
0x8b: {  	s0 =	sand.u32 $0x1, s1  }
0x8c: {  	s17 =	sshll.u32 s0, $0xA;
	s2 =	sadd.s32 s3, s2  }
0x8d: {  	s2 =	sadd.s32 s2, s17  }
0x8e: {  	[smem:$0x3FC6] =	sst s2  }
0x8f: {  	_ = 	snop  }
0x90: {  	s2 =	sld [smem:$0x3FC9];
	(tm) =	ssettm $0x1  }
0x91: {  	s18 =	sld [smem:$0x3FFB];
	_ =	sdelay $0x3  }
0x92: {  	_ =	strace s18  }
0x93: {  	s3 =	sld [smem:$0x3FFC];
	_ =	sdelay $0x3  }
0x94: {  	_ =	strace s3  }
0x95: {  	s3 =	sld [smem:$0x3FFD];
	_ =	sdelay $0x3  }
0x96: {  	_ =	strace s3  }
0x97: {  	_ =	strace $0x8FFFFFFF  }
0x98: {  	s19 =	sld [smem:$0x3FDB];
	_ =	sdelay $0x1  }
0x99: {  	s4 =	simm.s32 $_scs_section_size  }
0x9a: {  	s5 =	simm.s32 $_size__tile_overlayer_lowered;
	s6 =	simm.s32 $_tile_overlayer_lowered  }
0x9b: {  	s22 =	simm.s32 $0x1BFF;
	s21 =	sshll.u32 s6, $0x1;
	s3 =	sadd.s32 s4, s19  }
0x9c: {  	s7 =	simm.s32 $0x0;
	s20 =	sshll.u32 s5, $0x1;
	s5 =	sadd.s32 s21, s3  }
0x9d: {  	[timem:s7], [sflag:s22] =	dma.local [hbm:s5], s20  }
0x9e: {  	_ =	swait.ge [sflag:s22], s20  }
0x9f: {  	s4 =	ssub.s32 $0x0, s20;
	[sflag:s22] =	ssyncset.done $0x0  }
0xa0: {  	[sflag:s22] =	ssyncadd.s32 s4;
	_ =	sdelay $0x1  }
0xa1: {  	s23 =	simm.s32 $0x1B8B  }
0xa2: {  	_ =	swait.ge [sflag:s23], $0x1  }
0xa3: {  	[sflag:s23] =	ssyncset.done $0x0  }
0xa4: {  	s25 =	simm.s32 $0x1B8E;
	s24 =	sld [smem:$0x3FFE];
	[sflag:s23] =	ssyncadd.s32 $0xFFFFFFFF  }
0xa5: {  	s26 =	simm.s32 $execute0_lowered;
	[smem:$0x3FD2] =	sst s25  }
0xa6: {  	s5 =	sshll.u32 s26, $0x1;
	_ =	strace $0x80000046;
	[dreg:$0x1] =	wrdreg $0xFFFFFFFF  }
0xa7: {  	s28 =	simm.s32 $_size_execute0_lowered;
	s3 =	sadd.s32 s3, s5;
	[dreg:$0x0] =	wrdreg $0x0  }
0xa8: {  	s5 =	sshll.u32 s28, $0x1;
	[dreg:$0x2] =	wrdreg s3  }
0xa9: {  	[dreg:$0x3] =	wrdreg s5  }
0xaa: {  	[dreg:$0x4] =	wrdreg $0xC0  }
0xab: {  	_ =	task [dreg:s7], $0x5FFFF  }
0xac: {  	[dreg:$0x1] =	wrdreg $0xFFFFFFFF  }
0xad: {  	[dreg:$0x0] =	wrdreg $0x60  }
0xae: {  	[dreg:$0x2] =	wrdreg s2  }
0xaf: {  	[dreg:$0x3] =	wrdreg s24  }
0xb0: {  	[dreg:$0x4] =	wrdreg $0x9  }
0xb1: {  	_ =	task.clear_ibuf [dreg:s7], $0x5FFFF;
	_ =	strace $0x90000046  }
0xb2: {  	s29 =	simm.s32 $0x9;
	_ =	strace $0x80000048  }
0xb3: {  	_ =	swait.ge [sflag:s29], $0x1  }
0xb4: {  	[sflag:s29] =	ssyncadd.s32 $0xFFFFFFFF  }
0xb5: {  	_ =	strace $0x90000048  }
0xb6: {  	_ =	sfence  }
0xb7: {  	s30 =	sld [smem:$0x0];
	_ =	sdelay $0x2  }
0xb8: {  	s31 =	sshll.u32 s1, $0xD;
	s1 =	sshrl.u32 s1, $0x2  }
0xb9: {  	s3 =	sand.u32 $0x4000, s31;
	s1 =	sadd.s32 s1, s30  }
0xba: {  	s0 =	sor.u32 s3, s0;
	s1 =	sshll.u32 s1, $0x11  }
0xbb: {  	s0 =	sor.u32 s1, s0  }
0xbc: {  	s0 =	sadd.s32 $0x8F2B, s0  }
0xbd: {  	[sflag:s0] =	ssyncadd.remote.s32 $0x1  }
0xbe: {  	_ =	sfence.sel $0xFFFF  }
0xbf: {  	[dreg:$0x0] =	wrdreg $0xFFFFFFFF;
	(pc) =	sbr.abs _section_cstart, $3  }
0xc0: {  	[dreg:$0x1] =	wrdreg $0xFFFFFFFF  }
0xc1: {  	_ =	task.clear_ibuf [dreg:s7], $0x2FFFF;
	_ =	strace $0x9FFFFFFF  }
0xc2: {  	(tm) =	ssettm $0x7FFFFFFF  }
0xc3: {  	_ =	shalt  }
tec
execute0_lowered:
.L_overlay_start_1:
0x0: {  	(tag) =	ssettag $0x1  }
0x1: {  	s1 =	rddreg [dreg:$0x0]  }
0x2: {  	s5 =	rddreg [dreg:$0x1];
	s2 =	srdreg.scid  }
0x3: {  	s0 =	stileid.u32;
	s15 =	simm.s32 $0x1A200;
	s16 =	simm.s32 $0x0  }
0x4: {  	s7 =	sand.u32 $0x1, s2;
	s9 =	sshrl.u32 s0, $0x2;
	s29 =	smul.u32 $0x320, s0  }
0x5: {  	s3 =	sshll.u32 s0, $0x1;
	s2 =	rddreg [dreg:$0x2];
	s10 =	smul.u32 $0xC35000, s9  }
0x6: {  	s6 =	sor.u32 s7, s3;
	s8 =	sshll.u32 s9, $0x3;
	s30 =	smul.u32 $0x190, s7  }
0x7: {  	s3 =	simm.s32 $0x0;
	s12 =	ssub.s32 $0x2, s7;
	s31 =	smul.u32 $0xC80, s9  }
0x8: {  	s4 =	ssub.s32 s6, s8;
	[smem:$0x7FF] =	sst s3;
	s13 =	sshll.u32 s6, $0x6  }
0x9: {  	s14 =	sshrl.u32 s12, $0x1;
	s8 =	ssub.s32 s8, s6;
	s11 =	smul.u32 $0xC800, s4  }
0xa: {  	_ =	strace $0x80000047;
	s13 =	sadd.s32 s13, s5;
	s12 =	ssub.s32 s12, s14  }
.Ltmp0:
0xb: {  	s8 =	sadd.s32 $0xF9, s8;
	s14 =	simm.s32 $0x2;
	(pc) =	sbr.rel .LBB2_1-.Ltmp0, $4  }
0xc: {  	s6 =	sadd.s32 $0x1000, s13;
	s7 =	sadd.s32 $0x1800, s13;
	s8 =	sshrl.u32 s8, $0x3  }
0xd: {  	s9 =	smax.u32 s12, $0x1;
	s12 =	simm.s32 $0x1;
	s11 =	sadd.s32 s10, s11  }
0xe: {  	s13 =	simm.s32 $0x1A000;
	s28 =	sshrl.u32 s11, $0x3;
	s11 =	sadd.s32 s30, s29  }
0xf: {  	s10 =	sadd.s32 $0x64000, s10;
	s5 =	sadd.s32 s1, s28;
	s11 =	ssub.s32 s11, s31  }
.LBB2_7:
0x10: {  	_ =	swait.ge [sflag:s12], $0xC800  }
0x11: {  	[sflag:s12] =	ssyncset.done $0x0  }
0x12: {  	[sflag:s12] =	ssyncadd.s32 $0xFFFF3800  }
0x13: {  	[tilespmem:$0x1A000] =	vst v31  }
0x14: {  	[tilespmem:$0x1A010] =	vst v30  }
0x15: {  	[tilespmem:$0x1A020] =	vst v29  }
0x16: {  	[tilespmem:$0x1A030] =	vst v28  }
0x17: {  	[tilespmem:$0x1A040] =	vst v26  }
0x18: {  	[tilespmem:$0x1A050] =	vst v24  }
0x19: {  	[tilespmem:$0x1A060] =	vst v22  }
0x1a: {  	[tilespmem:$0x1A070] =	vst v19  }
0x1b: {  	[tilespmem:$0x1A080] =	vst v27  }
0x1c: {  	[tilespmem:$0x1A090] =	vst v25  }
0x1d: {  	[tilespmem:$0x1A0A0] =	vst v23  }
0x1e: {  	[tilespmem:$0x1A0B0] =	vst v21  }
0x1f: {  	[tilespmem:$0x1A0C0] =	vst v18  }
0x20: {  	[tilespmem:$0x1A0D0] =	vst v16  }
0x21: {  	[tilespmem:$0x1A0E0] =	vst v14  }
0x22: {  	[tilespmem:$0x1A0F0] =	vst v11  }
0x23: {  	[tilespmem:$0x1A100] =	vst v20  }
0x24: {  	[tilespmem:$0x1A110] =	vst v17  }
0x25: {  	[tilespmem:$0x1A120] =	vst v15  }
0x26: {  	[tilespmem:$0x1A130] =	vst v13  }
0x27: {  	[tilespmem:$0x1A140] =	vst v10  }
0x28: {  	[tilespmem:$0x1A150] =	vst v8  }
0x29: {  	[tilespmem:$0x1A160] =	vst v6  }
0x2a: {  	[tilespmem:$0x1A170] =	vst v4  }
0x2b: {  	[tilespmem:$0x1A180] =	vst v12  }
0x2c: {  	[tilespmem:$0x1A190] =	vst v9  }
0x2d: {  	[tilespmem:$0x1A1A0] =	vst v7  }
0x2e: {  	v32 =	vld [tilespmem:$0x19000];
	[tilespmem:$0x1A1B0] =	vst v5  }
0x2f: {  	v33 =	vld [tilespmem:$0x19200];
	[tilespmem:$0x1A1C0] =	vst v3  }
0x30: {  	v34 =	vld [tilespmem:$0x19400];
	[tilespmem:$0x1A1D0] =	vst v2  }
0x31: {  	v35 =	vld [tilespmem:$0x19600];
	[tilespmem:$0x1A1E0] =	vst v1  }
0x32: {  	v36 =	vld [tilespmem:$0x19800];
	[tilespmem:$0x1A1F0] =	vst v0  }
0x33: {  	v37 =	vld [tilespmem:$0x19A00];
	[tilespmem:$0x1A200] =	vst v32  }
0x34: {  	v38 =	vld [tilespmem:$0x19C00];
	[tilespmem:$0x1A210] =	vst v33  }
0x35: {  	v39 =	vld [tilespmem:$0x19E00];
	[tilespmem:$0x1A220] =	vst v34  }
0x36: {  	v40 =	vld [tilespmem:$0x19080];
	[tilespmem:$0x1A230] =	vst v35  }
0x37: {  	v41 =	vld [tilespmem:$0x19280];
	[tilespmem:$0x1A240] =	vst v36  }
0x38: {  	v42 =	vld [tilespmem:$0x19480];
	[tilespmem:$0x1A250] =	vst v37  }
0x39: {  	v43 =	vld [tilespmem:$0x19680];
	[tilespmem:$0x1A260] =	vst v38  }
0x3a: {  	v44 =	vld [tilespmem:$0x19880];
	[tilespmem:$0x1A270] =	vst v39  }
0x3b: {  	v45 =	vld [tilespmem:$0x19A80];
	[tilespmem:$0x1A280] =	vst v40  }
0x3c: {  	v46 =	vld [tilespmem:$0x19C80];
	[tilespmem:$0x1A290] =	vst v41  }
0x3d: {  	v47 =	vld [tilespmem:$0x19E80];
	[tilespmem:$0x1A2A0] =	vst v42  }
0x3e: {  	v48 =	vld [tilespmem:$0x19100];
	[tilespmem:$0x1A2B0] =	vst v43  }
0x3f: {  	v49 =	vld [tilespmem:$0x19300];
	[tilespmem:$0x1A2C0] =	vst v44  }
0x40: {  	v50 =	vld [tilespmem:$0x19500];
	[tilespmem:$0x1A2D0] =	vst v45  }
0x41: {  	v51 =	vld [tilespmem:$0x19700];
	[tilespmem:$0x1A2E0] =	vst v46  }
0x42: {  	v52 =	vld [tilespmem:$0x19900];
	[tilespmem:$0x1A2F0] =	vst v47  }
0x43: {  	v53 =	vld [tilespmem:$0x19B00];
	[tilespmem:$0x1A300] =	vst v48  }
0x44: {  	v54 =	vld [tilespmem:$0x19D00];
	[tilespmem:$0x1A310] =	vst v49  }
0x45: {  	v55 =	vld [tilespmem:$0x19F00];
	[tilespmem:$0x1A320] =	vst v50  }
0x46: {  	v56 =	vld [tilespmem:$0x19180];
	[tilespmem:$0x1A330] =	vst v51  }
0x47: {  	v57 =	vld [tilespmem:$0x19380];
	[tilespmem:$0x1A340] =	vst v52  }
0x48: {  	v58 =	vld [tilespmem:$0x19580];
	[tilespmem:$0x1A350] =	vst v53  }
0x49: {  	v59 =	vld [tilespmem:$0x19780];
	[tilespmem:$0x1A360] =	vst v54  }
0x4a: {  	v60 =	vld [tilespmem:$0x19980];
	[tilespmem:$0x1A370] =	vst v55  }
0x4b: {  	v61 =	vld [tilespmem:$0x19B80];
	[tilespmem:$0x1A380] =	vst v56  }
0x4c: {  	v62 =	vld [tilespmem:$0x19D80];
	[tilespmem:$0x1A390] =	vst v57  }
0x4d: {  	v63 =	vld [tilespmem:$0x19F80];
	[tilespmem:$0x1A3A0] =	vst v58  }
0x4e: {  	[tilespmem:$0x1A3B0] =	vst v59  }
0x4f: {  	[tilespmem:$0x1A3C0] =	vst v60  }
0x50: {  	[tilespmem:$0x1A3D0] =	vst v61  }
0x51: {  	[tilespmem:$0x1A3E0] =	vst v62  }
0x52: {  	[tilespmem:$0x1A3F0] =	vst v63  }
0x53: {  	[hbm4b:s6+s3] =	stream.linear.scatter [tilespmem:s13], [sflag:$0x2], $0x200, $0x38;
	[tilespmem:$0x1A400] =	vst v63  }
0x54: {  	s16 =	sadd.s32 $0x1, s16;
	_ =	swait.ge [sflag:s14], $0x200  }
0x55: {  	p0 =	sne.s32 s16, s9;
	[sflag:s14] =	ssyncset.done $0x0  }
.Ltmp1:
0x56: {  	[sflag:s14] =	ssyncadd.s32 $0xFFFFFE00;
	(pc) =	sbr.rel @!p0 .LBB2_8-.Ltmp1, $4  }
0x57: {  	[hbm4b:s7+s3] =	stream.linear.scatter [tilespmem:s15], [sflag:$0x2], $0x200, $0x38;
	[tilespmem:$0x1A400] =	vst v63  }
0x58: {  	_ =	swait.ge [sflag:s14], $0x200  }
0x59: {  	[sflag:s14] =	ssyncset.done $0x0  }
0x5a: {  	[sflag:s14] =	ssyncadd.s32 $0xFFFFFE00  }
.LBB2_1:
0x5b: {  	v0 =	vimm.f32 $-3.000000010e+38;
	v4 =	vimm.f32 $-3.000000010e+38  }
0x5c: {  	v11 =	vimm.f32 $-3.000000010e+38;
	v19 =	vimm.f32 $-3.000000010e+38;
	v1 =	vimm.f32 $-3.000000010e+38  }
0x5d: {  	v6 =	vimm.f32 $-3.000000010e+38;
	v14 =	vimm.f32 $-3.000000010e+38;
	v22 =	vimm.f32 $-3.000000010e+38  }
0x5e: {  	v2 =	vimm.f32 $-3.000000010e+38;
	v8 =	vimm.f32 $-3.000000010e+38;
	v16 =	vimm.f32 $-3.000000010e+38  }
0x5f: {  	v24 =	vimm.f32 $-3.000000010e+38;
	v3 =	vimm.f32 $-3.000000010e+38;
	v10 =	vimm.f32 $-3.000000010e+38  }
0x60: {  	v18 =	vimm.f32 $-3.000000010e+38;
	v26 =	vimm.f32 $-3.000000010e+38;
	v5 =	vimm.f32 $-3.000000010e+38  }
.Ltmp2:
0x61: {  	v13 =	vimm.f32 $-3.000000010e+38;
	v21 =	vimm.f32 $-3.000000010e+38;
	v28 =	vimm.f32 $-3.000000010e+38;
	(pc) =	sbr.rel .LBB2_2-.Ltmp2, $4  }
0x62: {  	v7 =	vimm.f32 $-3.000000010e+38;
	v15 =	vimm.f32 $-3.000000010e+38;
	v23 =	vimm.f32 $-3.000000010e+38  }
0x63: {  	v29 =	vimm.f32 $-3.000000010e+38;
	v9 =	vimm.f32 $-3.000000010e+38;
	v17 =	vimm.f32 $-3.000000010e+38  }
0x64: {  	[tilespmem:s3], [sflag:$0x1] =	stream.linear.gather [hbm4b:s5+s3], $0xC800, $0x38;
	v25 =	vimm.f32 $-3.000000010e+38;
	v30 =	vimm.f32 $-3.000000010e+38;
	v12 =	vimm.f32 $-3.000000010e+38;
	[tilespmem:$0x1A400] =	vst v63  }
0x65: {  	p0 =	por $0x0, $0x0;
	s17 =	smov.u32 s11;
	v20 =	vimm.f32 $-3.000000010e+38;
	v27 =	vimm.f32 $-3.000000010e+38;
	v31 =	vimm.f32 $-3.000000010e+38;
	s18 =	simm.s32 $0x0  }
.LBB2_6:
0x66: {  	p1 =	sne.s32 s18, s8  }
.Ltmp3:
0x67: {  	_ = 	snop;
	(pc) =	sbr.rel @!p1 .LBB2_7-.Ltmp3, $3  }
0x68: {  	_ =	sdelay $0x1  }
0x69: {  	s19 =	sadd.s32 $0x1, s18  }
0x6a: {  	s17 =	sadd.s32 $0xC80, s17;
	p0 =	por !p0, !p0;
	s18 =	smov.u32 s19  }
.LBB2_2:
0x6b: {  	s19 =	sshll.u32 s18, $0x3  }
0x6c: {  	s19 =	sadd.s32 s4, s19  }
0x6d: {  	p1 =	slt.s32 s19, $0xF1  }
0x6e: {  	s20 =	sxor.u32 $0xFFFFFFFF, s18;
	s19 =	simm.s32 @!p1 $0xF1  }
0x6f: {  	s20 =	sand.u32 $0x1, s20;
	s19 =	smul.u32 $0xC800, s19  }
0x70: {  	s21 =	simm.s32 $0x1;
	s20 =	smul.u32 $0x32000, s20  }
0x71: {  	s21 =	simm.s32 @!p0 $0x0;
	s19 =	sadd.s32 s10, s19  }
0x72: {  	s21 =	smul.u32 $0x32000, s21;
	s20 =	sshrl.u32 s20, $0x2;
	s19 =	sshrl.u32 s19, $0x3  }
.Ltmp4:
0x73: {  	s22 =	sadd.s32 s1, s19;
	s19 =	simm.s32 $0x0;
	(pc) =	sbr.rel .LBB2_3-.Ltmp4, $4  }
0x74: {  	[tilespmem:s20], [sflag:$0x1] =	stream.linear.gather [hbm4b:s22+s19], $0xC800, $0x38;
	[tilespmem:$0x1A400] =	vst v63  }
0x75: {  	_ =	swait.ge [sflag:s12], $0xC800  }
0x76: {  	s31 =	sshrl.u32 s21, $0x2;
	[sflag:s12] =	ssyncset.done $0x0  }
0x77: {  	s20 =	sor.u32 $0x40, s31;
	[sflag:s12] =	ssyncadd.s32 $0xFFFF3800  }
.LBB2_5:
0x78: {  	s19 =	sadd.s32 $0x1, s19  }
0x79: {  	p1 =	sne.s32 s19, $0x190  }
.Ltmp5:
0x7a: {  	_ = 	snop;
	(pc) =	sbr.rel @!p1 .LBB2_6-.Ltmp5, $2  }
0x7b: {  	_ =	sdelay $0x2  }
0x7c: {  	s20 =	sadd.s32 $0x80, s20  }
.LBB2_3:
0x7d: {  	v33 =	vld [tilespmem:s20+$0x20]  }
0x7e: {  	v32 =	vld [tilespmem:s20+$0x30]  }
0x7f: {  	v34 =	vld [tilespmem:s20+$0x10]  }
0x80: {  	v35 =	vld [tilespmem:s20+$0x0]  }
0x81: {  	v36 =	vld [tilespmem:s20+$0xFFFFFFF0]  }
0x82: {  	v37 =	vld [tilespmem:s20+$0xFFFFFFE0]  }
0x83: {  	v38 =	vld [tilespmem:s20+$0xFFFFFFD0];
	vm1 =	vgt.f32 v33, v1;
	vm0 =	vgt.f32 v32, v0  }
0x84: {  	v39 =	vld [tilespmem:s20+$0xFFFFFFC0];
	vm3 =	vgt.f32 v34, v2;
	vm2 =	vmor vm1, vm0  }
0x85: {  	vm5 =	vgt.f32 v35, v3;
	vm2 =	vmor vm3, vm2  }
0x86: {  	vm4 =	vgt.f32 v36, v5;
	vm6 =	vmor vm5, vm2  }
0x87: {  	vm2 =	vgt.f32 v37, v7;
	vm7 =	vmor vm4, vm6  }
0x88: {  	vm6 =	vgt.f32 v38, v9;
	vm8 =	vmor vm2, vm7  }
0x89: {  	vm7 =	vgt.f32 v39, v12;
	vm8 =	vmor vm6, vm8  }
0x8a: {  	vm8 =	vmor vm7, vm8  }
0x8b: {  	v40 =	vmpcnt.ones.xlane vm8;
	_ =	sdelay $0x1  }
0x8c: {  	(v2sf) =	vpush v40, $0x0;
	_ =	sdelay $0xe  }
0x8d: {  	s21 =	spop (v2sf)  }
0x8e: {  	p1 =	slt.s32 s21, $0x1  }
.Ltmp6:
0x8f: {  	_ = 	snop;
	(pc) =	sbr.rel @p1 .LBB2_5-.Ltmp6, $1  }
0x90: {  	_ =	sdelay $0x3  }
0x91: {  	v40 =	vmpcnt.ones.xlane vm7;
	_ =	sdelay $0x1  }
0x92: {  	(v2sf) =	vpush v40, $0x0;
	_ =	sdelay $0x3  }
0x93: {  	v60 =	vmpcnt.ones.xlane vm6;
	_ =	sdelay $0x1  }
0x94: {  	(v2sf) =	vpush v60, $0x0;
	_ =	sdelay $0x6  }
0x95: {  	v61 =	vmpcnt.ones.xlane vm2;
	_ =	sdelay $0x1  }
0x96: {  	(v2sf) =	vpush v61, $0x0;
	s21 =	spop (v2sf)  }
0x97: {  	p2 =	slt.s32 s21, $0x1  }
0x98: {  	v43 =	vmpcnt.ones.xlane vm4;
	v40 =	vld @!p2 [tilespmem:$0x19000]  }
0x99: {  	v50 =	vmpcnt.ones.xlane vm5;
	vm2 =	vgt.f32 @!p2 v39, v31;
	v41 =	vld @!p2 [tilespmem:$0x19080]  }
0x9a: {  	v53 =	vmpcnt.ones.xlane vm3;
	(v2sf) =	vpush v43, $0x0;
	v42 =	vsel @!p2 vm2, v31, v39  }
0x9b: {  	v62 =	vmpcnt.ones.xlane vm1;
	v63 =	vmpcnt.ones.xlane vm0;
	v44 =	vld @!p2 [tilespmem:$0x19100];
	vm4 =	vgt.f32 @!p2 v42, v27  }
0x9c: {  	s21 =	sadd.s32 s19, s17;
	s22 =	spop (v2sf);
	(v2sf) =	vpush v50, $0x0;
	v46 =	vld @!p2 [tilespmem:$0x19180];
	v39 =	vsel @!p2 vm2, v39, v31;
	v45 =	vsel @!p2 vm4, v27, v42  }
0x9d: {  	v31 =	vpsel p2, v31, v39;
	vm6 =	vgt.f32 @!p2 v45, v20;
	v43 =	vnsel @!p2 vm2, s21, v40  }
0x9e: {  	p1 =	slt.s32 s22, $0x1;
	v42 =	vsel @!p2 vm4, v42, v27;
	v48 =	vsel @!p2 vm6, v20, v45;
	v47 =	vsel @!p2 vm4, v43, v41  }
0x9f: {  	v41 =	vsel @!p2 vm4, v41, v43;
	v43 =	vsel @!p2 vm6, v45, v20;
	vm4 =	vgt.f32 @!p2 v48, v12;
	v45 =	vld @!p1 [tilespmem:$0x19200]  }
0xa0: {  	v49 =	vsel @!p2 vm6, v41, v44;
	v41 =	vsel @!p2 vm6, v44, v41;
	v44 =	vsel @!p2 vm4, v48, v12;
	v48 =	vld @!p1 [tilespmem:$0x19280]  }
0xa1: {  	v27 =	vpsel p2, v27, v42;
	v42 =	vld @!p1 [tilespmem:$0x19300];
	v41 =	vsel @!p2 vm4, v41, v46;
	vm4 =	vgt.f32 @!p1 v38, v30  }
0xa2: {  	v20 =	vpsel p2, v20, v43;
	v39 =	vsel @!p1 vm4, v30, v38;
	v38 =	vsel @!p1 vm4, v38, v30  }
0xa3: {  	v12 =	vpsel p2, v12, v44;
	vm6 =	vgt.f32 @!p1 v39, v25;
	v30 =	vpsel p1, v30, v38  }
0xa4: {  	v43 =	vld @!p1 [tilespmem:$0x19380];
	v44 =	vnsel @!p1 vm4, s21, v45;
	v46 =	vsel @!p1 vm6, v25, v39;
	v39 =	vsel @!p1 vm6, v39, v25  }
0xa5: {  	s25 =	spop (v2sf);
	v51 =	vsel @!p1 vm6, v44, v48;
	vm5 =	vgt.f32 @!p1 v46, v17;
	v44 =	vsel @!p1 vm6, v48, v44  }
0xa6: {  	p3 =	slt.s32 s25, $0x1;
	v48 =	vsel @!p1 vm5, v17, v46;
	v46 =	vsel @!p1 vm5, v46, v17;
	v50 =	vsel @!p1 vm5, v42, v44  }
0xa7: {  	v52 =	vld @!p3 [tilespmem:$0x19400];
	v42 =	vsel @!p1 vm5, v44, v42;
	vm5 =	vgt.f32 @!p3 v37, v29;
	vm6 =	vgt.f32 @!p1 v48, v9  }
0xa8: {  	v25 =	vpsel p1, v25, v39;
	v38 =	vsel @!p3 vm5, v29, v37;
	v44 =	vsel @!p1 vm6, v48, v9;
	v48 =	vld @!p3 [tilespmem:$0x19480]  }
0xa9: {  	v39 =	vld @!p3 [tilespmem:$0x19500];
	s26 =	spop (v2sf);
	(v2sf) =	vpush v53, $0x0;
	v43 =	vsel @!p1 vm6, v50, v43;
	vm6 =	vgt.f32 @!p3 v38, v23  }
0xaa: {  	v17 =	vpsel p1, v17, v46;
	v46 =	vld @!p3 [tilespmem:$0x19580];
	v50 =	vsel @!p3 vm6, v38, v23;
	v38 =	vsel @!p3 vm6, v23, v38  }
0xab: {  	v40 =	vsel @!p2 vm2, s21, v40;
	v37 =	vsel @!p3 vm5, v37, v29;
	vm3 =	vgt.f32 @!p3 v38, v15  }
0xac: {  	p4 =	slt.s32 s26, $0x1;
	v9 =	vpsel p1, v9, v44;
	v44 =	vnsel @!p3 vm5, s21, v52;
	v55 =	vsel @!p3 vm3, v38, v15  }
0xad: {  	v38 =	vsel @!p3 vm3, v15, v38;
	v54 =	vsel @!p3 vm6, v44, v48;
	v44 =	vsel @!p3 vm6, v48, v44;
	v48 =	vld @!p4 [tilespmem:$0x19600]  }
0xae: {  	v56 =	vld @!p4 [tilespmem:$0x19680];
	v53 =	vsel @!p3 vm3, v44, v39;
	v39 =	vsel @!p3 vm3, v39, v44;
	vm3 =	vgt.f32 @!p3 v38, v7  }
0xaf: {  	v44 =	vld @!p4 [tilespmem:$0x19700];
	v38 =	vsel @!p3 vm3, v38, v7;
	v39 =	vsel @!p3 vm3, v39, v46;
	vm3 =	vgt.f32 @!p4 v36, v28  }
0xb0: {  	s28 =	spop (v2sf);
	(v2sf) =	vpush v62, $0x0;
	v29 =	vpsel p3, v29, v37;
	v37 =	vsel @!p4 vm3, v28, v36  }
0xb1: {  	v23 =	vpsel p3, v23, v50;
	v50 =	vld @!p4 [tilespmem:$0x19780];
	v15 =	vpsel p3, v15, v55;
	vm6 =	vgt.f32 @!p4 v37, v21  }
0xb2: {  	v7 =	vpsel p3, v7, v38;
	v46 =	vnsel @!p4 vm3, s21, v48;
	v55 =	vsel @!p4 vm6, v21, v37  }
0xb3: {  	v38 =	vsel @!p4 vm6, v46, v56;
	v46 =	vsel @!p4 vm6, v56, v46;
	vm7 =	vgt.f32 @!p4 v55, v13  }
0xb4: {  	v57 =	vsel @!p4 vm7, v46, v44;
	v44 =	vsel @!p4 vm7, v44, v46;
	v46 =	vsel @!p4 vm7, v13, v55  }
0xb5: {  	v45 =	vsel @!p1 vm4, s21, v45;
	p5 =	slt.s32 s28, $0x1;
	v52 =	vsel @!p3 vm5, s21, v52;
	vm1 =	vgt.f32 @!p4 v46, v5  }
0xb6: {  	v36 =	vsel @!p4 vm3, v36, v28;
	v37 =	vsel @!p4 vm6, v37, v21;
	v44 =	vsel @!p4 vm1, v44, v50;
	v50 =	vld @!p5 [tilespmem:$0x19800]  }
0xb7: {  	[tilespmem:$0x19000] =	vst @!p2 v40;
	v28 =	vpsel p4, v28, v36;
	v36 =	vld @!p5 [tilespmem:$0x19880];
	v48 =	vsel @!p4 vm3, s21, v48;
	v21 =	vpsel p4, v21, v37  }
0xb8: {  	[tilespmem:$0x19080] =	vst @!p2 v47;
	v40 =	vsel @!p4 vm7, v55, v13;
	v46 =	vsel @!p4 vm1, v46, v5;
	vm1 =	vgt.f32 @!p5 v35, v26  }
0xb9: {  	[tilespmem:$0x19100] =	vst @!p2 v49;
	v37 =	vld @!p5 [tilespmem:$0x19900];
	v13 =	vpsel p4, v13, v40;
	s29 =	spop (v2sf);
	(v2sf) =	vpush v63, $0x0;
	v40 =	vsel @!p5 vm1, v26, v35  }
0xba: {  	[tilespmem:$0x19180] =	vst @!p2 v41;
	v47 =	vld @!p5 [tilespmem:$0x19980];
	v5 =	vpsel p4, v5, v46;
	v35 =	vsel @!p5 vm1, v35, v26;
	vm0 =	vgt.f32 @!p5 v40, v18  }
0xbb: {  	[tilespmem:$0x19200] =	vst @!p1 v45;
	v46 =	vsel @!p5 vm0, v18, v40;
	v40 =	vsel @!p5 vm0, v40, v18;
	v45 =	vnsel @!p5 vm1, s21, v50  }
0xbc: {  	[tilespmem:$0x19280] =	vst @!p1 v51;
	v41 =	vsel @!p5 vm1, s21, v50;
	vm1 =	vgt.f32 @!p5 v46, v10;
	v49 =	vsel @!p5 vm0, v45, v36  }
0xbd: {  	[tilespmem:$0x19380] =	vst @!p1 v43;
	p2 =	slt.s32 s29, $0x1;
	v36 =	vsel @!p5 vm0, v36, v45;
	v45 =	vsel @!p5 vm1, v10, v46;
	v43 =	vsel @!p5 vm1, v46, v10  }
0xbe: {  	[tilespmem:$0x19300] =	vst @!p1 v42;
	v42 =	vsel @!p5 vm1, v36, v37;
	v36 =	vsel @!p5 vm1, v37, v36;
	v37 =	vld @!p2 [tilespmem:$0x19A00];
	vm0 =	vgt.f32 @!p5 v45, v3  }
0xbf: {  	[tilespmem:$0x19400] =	vst @!p3 v52;
	v46 =	vld @!p2 [tilespmem:$0x19A80];
	v45 =	vsel @!p5 vm0, v45, v3;
	v36 =	vsel @!p5 vm0, v36, v47;
	vm0 =	vgt.f32 @!p2 v34, v24  }
0xc0: {  	[tilespmem:$0x19480] =	vst @!p3 v54;
	v26 =	vpsel p5, v26, v35;
	v18 =	vpsel p5, v18, v40;
	v40 =	vld @!p2 [tilespmem:$0x19B00];
	v35 =	vsel @!p2 vm0, v24, v34  }
0xc1: {  	[tilespmem:$0x19500] =	vst @!p3 v53;
	v10 =	vpsel p5, v10, v43;
	v43 =	vld @!p2 [tilespmem:$0x19B80];
	v3 =	vpsel p5, v3, v45;
	vm1 =	vgt.f32 @!p2 v35, v16  }
0xc2: {  	[tilespmem:$0x19580] =	vst @!p3 v39;
	v34 =	vsel @!p2 vm0, v34, v24;
	v45 =	vsel @!p2 vm1, v16, v35;
	v35 =	vsel @!p2 vm1, v35, v16  }
0xc3: {  	[tilespmem:$0x19600] =	vst @!p4 v48;
	s30 =	spop (v2sf);
	v39 =	vsel @!p2 vm0, s21, v37;
	v37 =	vnsel @!p2 vm0, s21, v37;
	vm0 =	vgt.f32 @!p2 v45, v8  }
0xc4: {  	[tilespmem:$0x19680] =	vst @!p4 v38;
	p1 =	slt.s32 s30, $0x1;
	v38 =	vsel @!p2 vm1, v37, v46;
	v37 =	vsel @!p2 vm1, v46, v37;
	v46 =	vsel @!p2 vm0, v8, v45  }
0xc5: {  	[tilespmem:$0x19700] =	vst @!p4 v57;
	v47 =	vsel @!p2 vm0, v37, v40;
	v37 =	vsel @!p2 vm0, v40, v37;
	vm1 =	vgt.f32 @!p2 v46, v2;
	v40 =	vld @!p1 [tilespmem:$0x19C00]  }
0xc6: {  	[tilespmem:$0x19780] =	vst @!p4 v44;
	v44 =	vsel @!p2 vm0, v45, v8;
	vm0 =	vgt.f32 @!p1 v33, v22;
	v37 =	vsel @!p2 vm1, v37, v43;
	v43 =	vld @!p1 [tilespmem:$0x19C80]  }
0xc7: {  	[tilespmem:$0x19800] =	vst @!p5 v41;
	v24 =	vpsel p2, v24, v34;
	v16 =	vpsel p2, v16, v35;
	v34 =	vsel @!p1 vm0, v22, v33  }
0xc8: {  	[tilespmem:$0x19880] =	vst @!p5 v49;
	v35 =	vld @!p1 [tilespmem:$0x19D00];
	v8 =	vpsel p2, v8, v44;
	v41 =	vsel @!p2 vm1, v46, v2;
	vm1 =	vgt.f32 @!p1 v34, v14  }
0xc9: {  	[tilespmem:$0x19900] =	vst @!p5 v42;
	v33 =	vsel @!p1 vm0, v33, v22;
	v2 =	vpsel p2, v2, v41;
	v41 =	vsel @!p1 vm1, v14, v34  }
0xca: {  	v42 =	vld @!p1 [tilespmem:$0x19D80];
	[tilespmem:$0x19980] =	vst @!p5 v36;
	s31 =	spop (v2sf);
	v36 =	vsel @!p1 vm0, s21, v40;
	v40 =	vnsel @!p1 vm0, s21, v40;
	vm0 =	vgt.f32 @!p1 v41, v6  }
0xcb: {  	[tilespmem:$0x19A00] =	vst @!p2 v39;
	p3 =	slt.s32 s31, $0x1;
	v34 =	vsel @!p1 vm1, v34, v14;
	v39 =	vsel @!p1 vm1, v40, v43;
	v44 =	vsel @!p1 vm0, v6, v41  }
0xcc: {  	[tilespmem:$0x19A80] =	vst @!p2 v38;
	v38 =	vsel @!p1 vm1, v43, v40;
	v40 =	vsel @!p1 vm0, v41, v6;
	v41 =	vld @!p3 [tilespmem:$0x19E00];
	vm1 =	vgt.f32 @!p1 v44, v1  }
0xcd: {  	[tilespmem:$0x19B00] =	vst @!p2 v47;
	v43 =	vsel @!p1 vm0, v38, v35;
	v35 =	vsel @!p1 vm0, v35, v38;
	v38 =	vsel @!p1 vm1, v44, v1;
	v44 =	vld @!p3 [tilespmem:$0x19E80]  }
0xce: {  	[tilespmem:$0x19B80] =	vst @!p2 v37;
	v22 =	vpsel p1, v22, v33;
	v14 =	vpsel p1, v14, v34;
	vm0 =	vgt.f32 @!p3 v32, v19  }
0xcf: {  	v34 =	vld @!p3 [tilespmem:$0x19F00];
	[tilespmem:$0x19C00] =	vst @!p1 v36;
	v6 =	vpsel p1, v6, v40;
	v35 =	vsel @!p1 vm1, v35, v42;
	v33 =	vsel @!p3 vm0, v19, v32  }
0xd0: {  	v36 =	vld @!p3 [tilespmem:$0x19F80];
	[tilespmem:$0x19C80] =	vst @!p1 v39;
	v32 =	vsel @!p3 vm0, v32, v19;
	v1 =	vpsel p1, v1, v38;
	vm1 =	vgt.f32 @!p3 v33, v11  }
0xd1: {  	[tilespmem:$0x19D00] =	vst @!p1 v43;
	v19 =	vpsel p3, v19, v32;
	v39 =	vsel @!p3 vm1, v11, v33;
	v38 =	vnsel @!p3 vm0, s21, v41  }
.Ltmp7:
0xd2: {  	[tilespmem:$0x19D80] =	vst @!p1 v35;
	v37 =	vsel @!p3 vm0, s21, v41;
	vm0 =	vgt.f32 @!p3 v39, v4;
	v35 =	vsel @!p3 vm1, v38, v44;
	(pc) =	sbr.rel .LBB2_5-.Ltmp7, $4  }
0xd3: {  	[tilespmem:$0x19E00] =	vst @!p3 v37;
	v37 =	vsel @!p3 vm1, v44, v38;
	v38 =	vsel @!p3 vm0, v39, v4;
	v39 =	vsel @!p3 vm0, v4, v39  }
0xd4: {  	[tilespmem:$0x19E80] =	vst @!p3 v35;
	v35 =	vsel @!p3 vm0, v37, v34;
	v34 =	vsel @!p3 vm0, v34, v37;
	vm0 =	vgt.f32 @!p3 v39, v0  }
0xd5: {  	v33 =	vsel @!p3 vm1, v33, v11;
	[tilespmem:$0x19F00] =	vst @!p3 v35;
	v35 =	vsel @!p3 vm0, v39, v0;
	v34 =	vsel @!p3 vm0, v34, v36  }
0xd6: {  	v11 =	vpsel p3, v11, v33;
	v4 =	vpsel p3, v4, v38;
	[tilespmem:$0x19F80] =	vst @!p3 v34;
	v0 =	vpsel p3, v0, v35  }
.LBB2_8:
0xd7: {  	_ =	sfence.sel $0x180000  }
0xd8: {  	[bflag:$0x0] =	sbarrier.arrive $0xFFFF  }
0xd9: {  	p0 =	sne.s32 s0, $0x0;
	_ =	strace $0x90000047  }
0xda: {  	s0 =	sadd.s32 @!p0 $0x100000, s2;
	[bflag:$0x2] =	sbarrier.arrive $0xFFFF  }
0xdb: {  	[sflag:s0] =	ssyncadd.tile.s32 @!p0 $0x1;
	_ =	shalt  }
.Lfunc_end2:
_tile_overlayer_lowered:
.L_overlay_start_2:
0xdc: {  	(tag) =	ssettag $0x2  }
0xdd: {  	s0 =	rddreg [dreg:$0x0];
	s2 =	stileid.u32  }
0xde: {  	s1 =	rddreg [dreg:$0x1];
	p0 =	sne.s32 s2, $0x0  }
0xdf: {  	s3 =	rddreg [dreg:$0x2];
	[bflag:$0x3] =	sbarrier.arrive $0xFFFF;
	s2 =	simm.s32 @!p0 $0x1C02  }
0xe0: {  	[timem:s3], [sflag:s2] =	dma.local @!p0 [hbm:s0], s1  }
0xe1: {  	s0 =	simm.s32 @!p0 $0x2  }
0xe2: {  	_ =	swait.ge @!p0 [sflag:s0], s1  }
0xe3: {  	s1 =	ssub.s32 @!p0 $0x0, s1;
	[sflag:s0] =	ssyncset.done @!p0 $0x0  }
0xe4: {  	[sflag:s0] =	ssyncadd.s32 @!p0 s1  }
0xe5: {  	[bflag:$0x3] =	sbarrier.arrive $0xFFFF  }
0xe6: {  	_ =	shalt  }

</sc_bundles>
